<compile_context>
chip_gen: v7x
topology: tpu7x:2x2x1
jax: 0.10.2.dev20260603
libtpu: 0.0.44.dev20260713+nightly
codegen_flags: <defaults>
</compile_context>

<pallas_src>
import jax
import jax.numpy as jnp
from jax import lax
from jax.experimental import pallas as pl
from jax.experimental.pallas import tpu as pltpu
from jax.experimental.pallas import tpu_sc as plsc

NF = 26
VOCAB = 100000
D = 32
B = 16384
NC, NS, L = 2, 16, 16
NW = NC * NS

CHUNK = 128
N_BCHUNKS = B // CHUNK
TOT_CHUNKS = NF * N_BCHUNKS
CPW = TOT_CHUNKS // NW
OP = CHUNK + 9

RB = 320
PB = RB * D // 128
N_DCH = NF * VOCAB // RB
K1B_ITERS = -(-N_DCH // NW)


def _detile(d2):
    def body(t_hbm, pk_hbm, st0, st1, pack0, pack1, ss0, ss1, ws0, ws1):
        wid = lax.axis_index("s") * NC + lax.axis_index("c")

        def v0_of(i):
            return jnp.minimum(wid + NW * i, N_DCH - 1) * RB

        def fire_st(i, st, sem):
            pltpu.async_copy(
                t_hbm.at[pl.ds(pl.multiple_of(v0_of(i), 8), RB)], st, sem)

        def wait_st(st, sem):
            pltpu.make_async_copy(t_hbm.at[pl.ds(0, RB)], st, sem).wait()

        def repack(st, pack):
            def prow(q2, carry):
                for u in range(2):
                    q = q2 * 2 + u
                    for vi in range(4):
                        for h in range(2):
                            pack[q, pl.ds(vi * D + h * L, L)] = (
                                st[q * 4 + vi, pl.ds(h * L, L)])
                return carry
            lax.fori_loop(0, PB // 2, prow, 0)

        def fire_pack(i, pack, sem):
            r0 = pl.multiple_of(v0_of(i) // 4, 8)
            pltpu.async_copy(pack, pk_hbm.at[pl.ds(r0, PB)], sem)

        def wait_pack(pack, sem):
            pltpu.make_async_copy(pack, pk_hbm.at[pl.ds(0, PB)], sem).wait()

        fire_st(0, st0, ss0)

        def gloop(i, carry):
            even = (i % 2) == 0

            @pl.when(even)
            def _():
                wait_st(st0, ss0)
                @pl.when(i + 1 < K1B_ITERS)
                def _():
                    fire_st(i + 1, st1, ss1)
                @pl.when(i >= 2)
                def _():
                    wait_pack(pack0, ws0)
                repack(st0, pack0)
                fire_pack(i, pack0, ws0)

            @pl.when(jnp.logical_not(even))
            def _():
                wait_st(st1, ss1)
                @pl.when(i + 1 < K1B_ITERS)
                def _():
                    fire_st(i + 1, st0, ss0)
                @pl.when(i >= 2)
                def _():
                    wait_pack(pack1, ws1)
                repack(st1, pack1)
                fire_pack(i, pack1, ws1)

            return carry

        lax.fori_loop(0, K1B_ITERS, gloop, 0)

        wait_pack(pack0, ws0)
        wait_pack(pack1, ws1)

    return pl.kernel(
        body,
        out_type=jax.ShapeDtypeStruct((NF * VOCAB * D // 128, 128),
                                      jnp.float32),
        mesh=plsc.VectorSubcoreMesh(
            core_axis_name="c", subcore_axis_name="s",
            num_cores=NC, num_subcores=NS,
        ),
        scratch_types=[
            pltpu.VMEM((RB, D), jnp.float32),
            pltpu.VMEM((RB, D), jnp.float32),
            pltpu.VMEM((PB, 128), jnp.float32),
            pltpu.VMEM((PB, 128), jnp.float32),
            pltpu.SemaphoreType.DMA,
            pltpu.SemaphoreType.DMA,
            pltpu.SemaphoreType.DMA,
            pltpu.SemaphoreType.DMA,
        ],
        compiler_params=pltpu.CompilerParams(use_tc_tiling_on_sc=True,
                                             needs_layout_passes=False),
    )(d2)



def _gather(pk2d, xf):
    def body(tab, xf_hbm, out_hbm, idx_v, rows0, rows1, o0, o1,
             gs0, gs1, ws0, ws1):
        wid = lax.axis_index("s") * NC + lax.axis_index("c")
        c0 = wid * CPW
        lanes = lax.iota(jnp.int32, L)

        pltpu.sync_copy(xf_hbm.at[pl.ds(c0, CPW)], idx_v)

        def ixrow(cc, carry):
            f = (c0 + cc) // N_BCHUNKS
            for j in range(CHUNK // L):
                sl = pl.ds(j * L, L)
                idx_v[cc, sl] = idx_v[cc, sl] + f * VOCAB
            return carry
        lax.fori_loop(0, CPW, ixrow, 0)

        def fire_gather(cc, rows, sem):
            pltpu.async_copy(tab.at[idx_v.at[cc]], rows, sem)

        def wait_gather(rows, sem):
            pltpu.make_async_copy(tab.at[pl.ds(0, CHUNK)], rows, sem).wait()

        def transpose(rows, o):
            rv0 = lanes
            rv1 = 16 + lanes

            def irow(i8, carry):
                for u in range(8):
                    i = i8 * 8 + u
                    cv = lanes * 0 + i
                    plsc.store_scatter(o, [rv0, cv], rows[i, pl.ds(0, 16)])
                    plsc.store_scatter(o, [rv1, cv], rows[i, pl.ds(16, 16)])
                return carry
            lax.fori_loop(0, CHUNK // 8, irow, 0)

        def fire_writes(cc, o, sem):
            c = c0 + cc
            f = c // N_BCHUNKS
            bt = c - f * N_BCHUNKS
            for dt in range(4):
                pltpu.async_copy(o.at[pl.ds(dt * 8, 8), pl.ds(0, CHUNK)],
                                 out_hbm.at[f, dt, bt], sem)

        def wait_writes(o, sem):
            for dt in range(4):
                pltpu.make_async_copy(o.at[pl.ds(0, 8), pl.ds(0, CHUNK)],
                                      out_hbm.at[0, 0, 0], sem).wait()

        fire_gather(0, rows0, gs0)

        def gloop(cc, carry):
            even = (cc % 2) == 0

            @pl.when(even)
            def _():
                wait_gather(rows0, gs0)
                @pl.when(cc + 1 < CPW)
                def _():
                    fire_gather(cc + 1, rows1, gs1)
                @pl.when(cc >= 2)
                def _():
                    wait_writes(o0, ws0)
                transpose(rows0, o0)
                fire_writes(cc, o0, ws0)

            @pl.when(jnp.logical_not(even))
            def _():
                wait_gather(rows1, gs1)
                @pl.when(cc + 1 < CPW)
                def _():
                    fire_gather(cc + 1, rows0, gs0)
                @pl.when(cc >= 2)
                def _():
                    wait_writes(o1, ws1)
                transpose(rows1, o1)
                fire_writes(cc, o1, ws1)

            return carry

        lax.fori_loop(0, CPW, gloop, 0)

        wait_writes(o0, ws0)
        wait_writes(o1, ws1)

    return pl.kernel(
        body,
        out_type=jax.ShapeDtypeStruct((NF, 4, N_BCHUNKS, 8, 128),
                                      jnp.float32),
        mesh=plsc.VectorSubcoreMesh(
            core_axis_name="c", subcore_axis_name="s",
            num_cores=NC, num_subcores=NS,
        ),
        scratch_types=[
            pltpu.VMEM((CPW, CHUNK), jnp.int32),
            pltpu.VMEM((CHUNK, D), jnp.float32),
            pltpu.VMEM((CHUNK, D), jnp.float32),
            pltpu.VMEM((D, OP), jnp.float32),
            pltpu.VMEM((D, OP), jnp.float32),
            pltpu.SemaphoreType.DMA,
            pltpu.SemaphoreType.DMA,
            pltpu.SemaphoreType.DMA,
            pltpu.SemaphoreType.DMA,
        ],
        compiler_params=pltpu.CompilerParams(use_tc_tiling_on_sc=False,
                                             needs_layout_passes=False),
    )(pk2d, xf)


def kernel(x, tables):
    b, nf = x.shape
    _, vocab, d = tables.shape
    xf = jnp.transpose(x.astype(jnp.int32)).reshape(nf * b // CHUNK, CHUNK)
    pk = _detile(tables.reshape(nf * vocab, d))
    out5 = _gather(pk.reshape(nf * vocab, d), xf)
    return jnp.transpose(out5, (2, 4, 0, 1, 3)).reshape(b, nf, d)

# --- scband reference (transcript-rebuilt; emitter-appended) ---
"""Pipeline reference for scband-embedding-layer-5849745457389 (READ-ONLY COPY).

The authoritative reference and input builder live on the scoring server;
editing this copy changes nothing except your own understanding.
"""

import jax, jax.numpy as jnp
import numpy as np

N_FIELDS = 26
VOCAB = 100000
EMBED_DIM = 32
BATCH = 16384

def setup_inputs(seed: int = 0) -> dict:
    key = jax.random.key(seed)
    k_idx, k_tab = jax.random.split(key)
    x = jax.random.randint(k_idx, (BATCH, N_FIELDS), 0, VOCAB, dtype=jnp.int64 if jax.config.jax_enable_x64 else jnp.int32)
    # one embedding table per categorical column, stacked: [n_fields, vocab, embed_dim]
    tables = jax.random.normal(k_tab, (N_FIELDS, VOCAB, EMBED_DIM), dtype=jnp.float32)
    return {"x": x, "tables": tables}

def reference(x, tables):
    # Faithful translation: for each column, look up its own embedding table,
    # unsqueeze at dim 1, concatenate along dim 1 -> [B, n_fields, embed_dim]
    embeddings = []
    for i in range(N_FIELDS):
        emb = jnp.take(tables[i], x[:, i], axis=0)  # [B, embed_dim]
        embeddings.append(emb[:, None, :])
    vectors = jnp.concatenate(embeddings, axis=1)
    return vectors

if __name__ == "__main__":
    import jax
    _d = setup_inputs()
    print(jax.jit(kernel)(*tuple(_d.values())))

</pallas_src>

<mosaic_0001>
#map = affine_map<(d0, d1) -> (0, 0)>
#map1 = affine_map<(d0, d1) -> (0, 0, 0, 0, 0)>
module attributes {stable_mosaic.version = 14 : i64} {
  func.func @body(%arg0: i32, %arg1: i32, %arg2: memref<2600000x32xf32, #tpu.memory_space<hbm>>, %arg3: memref<3328x128xi32, #tpu.memory_space<hbm>>, %arg4: memref<26x4x128x8x128xf32, #tpu.memory_space<hbm>>, %arg5: memref<104x128xi32, #tpu.memory_space<vmem>>, %arg6: memref<128x32xf32, #tpu.memory_space<vmem>>, %arg7: memref<128x32xf32, #tpu.memory_space<vmem>>, %arg8: memref<32x137xf32, #tpu.memory_space<vmem>>, %arg9: memref<32x137xf32, #tpu.memory_space<vmem>>, %arg10: memref<!tpu.dma_semaphore, #tpu.memory_space<semaphore_mem>>, %arg11: memref<!tpu.dma_semaphore, #tpu.memory_space<semaphore_mem>>, %arg12: memref<!tpu.dma_semaphore, #tpu.memory_space<semaphore_mem>>, %arg13: memref<!tpu.dma_semaphore, #tpu.memory_space<semaphore_mem>>) attributes {dimension_semantics = [#tpu.dimension_semantics<core_parallel>, #tpu.dimension_semantics<subcore_parallel>], iteration_bounds = array<i64: 2, 16>, scalar_prefetch = 0 : i64, scratch_operands = 9 : i64, tpu.core_type = #tpu.core_type<sc_vector_subcore>, window_params = [{transform_indices = #map}, {transform_indices = #map}, {transform_indices = #map1}]} {
    %mul3A = arith.constant 2 : i32
    %mul3A_0 = arith.muli %arg1, %mul3A : i32
    %add3A = arith.addi %mul3A_0, %arg0 : i32
    %mul3A_1 = arith.constant 104 : i32
    %mul3A_2 = arith.muli %add3A, %mul3A_1 : i32
    %iota3A = tpu.iota {dimensions = array<i32: 0>} : vector<16xi32>
    "tpu.region"() ({
      %run_scoped3A = tpu.sem_alloc : memref<!tpu.dma_semaphore, #tpu.memory_space<semaphore_mem>>
      %dma_start3A_155 = arith.constant 0 : i32
      %dma_start3A_156 = tpu.memref_slice %arg3[%mul3A_2, %dma_start3A_155] : memref<3328x128xi32, #tpu.memory_space<hbm>> -> memref<104x128xi32, #tpu.memory_space<hbm>>
      %dma_start3A_157 = arith.constant 0 : i32
      %dma_start3A_158 = tpu.memref_slice %arg3[%mul3A_2, %dma_start3A_157] : memref<3328x128xi32, #tpu.memory_space<hbm>> -> memref<104x128xi32, #tpu.memory_space<hbm>>
      tpu.enqueue_dma source(%dma_start3A_158 : memref<104x128xi32, #tpu.memory_space<hbm>>) target(%arg5 : memref<104x128xi32, #tpu.memory_space<vmem>>) target_semaphore(%run_scoped3A : memref<!tpu.dma_semaphore, #tpu.memory_space<semaphore_mem>>)
      %dma_wait3A_159 = arith.constant 0 : i32
      %dma_wait3A_160 = tpu.memref_slice %arg3[%mul3A_2, %dma_wait3A_159] : memref<3328x128xi32, #tpu.memory_space<hbm>> -> memref<104x128xi32, #tpu.memory_space<hbm>>
      %dma_wait3A_161 = arith.constant 0 : i32
      %dma_wait3A_162 = tpu.memref_slice %arg3[%mul3A_2, %dma_wait3A_161] : memref<3328x128xi32, #tpu.memory_space<hbm>> -> memref<104x128xi32, #tpu.memory_space<hbm>>
      tpu.wait_dma2 semaphore(%run_scoped3A : memref<!tpu.dma_semaphore, #tpu.memory_space<semaphore_mem>>) src(%dma_wait3A_162 : memref<104x128xi32, #tpu.memory_space<hbm>>) dst(%arg5 : memref<104x128xi32, #tpu.memory_space<vmem>>)
      tpu.yield
    }) : () -> ()
    %scan3A = arith.constant 0 : i32
    %scan3A_3 = arith.constant 0 : i32
    %scan3A_4 = arith.constant 104 : i32
    %scan3A_5 = arith.addi %scan3A_3, %scan3A_4 : i32
    %scan3A_6 = arith.constant 1 : i32
    scf.for %scan3A_155 = %scan3A_3 to %scan3A_5 step %scan3A_6  : i32 {
      %add3A_156 = arith.addi %mul3A_2, %scan3A_155 : i32
      %jit3A = arith.constant 128 : i32
      %div3A = arith.divsi %add3A_156, %jit3A : i32
      %sign3A = arith.constant 0 : i32
      %sign3A_157 = arith.cmpi sgt, %add3A_156, %sign3A : i32
      %sign3A_158 = arith.extui %sign3A_157 : i1 to i32
      %sign3A_159 = arith.constant 0 : i32
      %sign3A_160 = arith.cmpi slt, %add3A_156, %sign3A_159 : i32
      %sign3A_161 = arith.extui %sign3A_160 : i1 to i32
      %sign3A_162 = arith.subi %sign3A_158, %sign3A_161 : i32
      %sign3A_163 = arith.constant 0 : i32
      %sign3A_164 = arith.cmpi sgt, %jit3A, %sign3A_163 : i32
      %sign3A_165 = arith.extui %sign3A_164 : i1 to i32
      %sign3A_166 = arith.constant 0 : i32
      %sign3A_167 = arith.cmpi slt, %jit3A, %sign3A_166 : i32
      %sign3A_168 = arith.extui %sign3A_167 : i1 to i32
      %sign3A_169 = arith.subi %sign3A_165, %sign3A_168 : i32
      %ne3A = arith.cmpi ne, %sign3A_162, %sign3A_169 : i32
      %rem3A = arith.remsi %add3A_156, %jit3A : i32
      %ne3A_170 = arith.constant 0 : i32
      %ne3A_171 = arith.cmpi ne, %rem3A, %ne3A_170 : i32
      %and3A = arith.andi %ne3A, %ne3A_171 : i1
      %sub3A = arith.constant 1 : i32
      %sub3A_172 = arith.subi %div3A, %sub3A : i32
      %select_n3A = arith.select %and3A, %sub3A_172, %div3A : i32
      %get3A = arith.index_cast %scan3A_155 : i32 to index
      %get3A_173 = arith.constant 0 : index
      %get3A_174 = tpu.vector_load %arg5[%get3A, %get3A_173] {strides = array<i32>} : memref<104x128xi32, #tpu.memory_space<vmem>>, vector<16xi32>,
      %mul3A_175 = arith.constant 100000 : i32
      %mul3A_176 = arith.muli %select_n3A, %mul3A_175 : i32
      %add3A_177 = vector.broadcast %mul3A_176 : i32 to vector<16xi32>
      %add3A_178 = arith.addi %get3A_174, %add3A_177 : vector<16xi32>
      %swap3A = arith.index_cast %scan3A_155 : i32 to index
      %swap3A_179 = arith.constant 0 : index
      %swap3A_180 = tpu.vector_load %arg5[%swap3A, %swap3A_179] {strides = array<i32>} : memref<104x128xi32, #tpu.memory_space<vmem>>, vector<16xi32>,
      tpu.vector_store %arg5[%swap3A, %swap3A_179], %add3A_178 {strides = array<i32>} : memref<104x128xi32, #tpu.memory_space<vmem>>, vector<16xi32>,
      %get3A_181 = arith.index_cast %scan3A_155 : i32 to index
      %get3A_182 = arith.constant 16 : index
      %get3A_183 = tpu.vector_load %arg5[%get3A_181, %get3A_182] {strides = array<i32>} : memref<104x128xi32, #tpu.memory_space<vmem>>, vector<16xi32>,
      %mul3A_184 = arith.constant 100000 : i32
      %mul3A_185 = arith.muli %select_n3A, %mul3A_184 : i32
      %add3A_186 = vector.broadcast %mul3A_185 : i32 to vector<16xi32>
      %add3A_187 = arith.addi %get3A_183, %add3A_186 : vector<16xi32>
      %swap3A_188 = arith.index_cast %scan3A_155 : i32 to index
      %swap3A_189 = arith.constant 16 : index
      %swap3A_190 = tpu.vector_load %arg5[%swap3A_188, %swap3A_189] {strides = array<i32>} : memref<104x128xi32, #tpu.memory_space<vmem>>, vector<16xi32>,
      tpu.vector_store %arg5[%swap3A_188, %swap3A_189], %add3A_187 {strides = array<i32>} : memref<104x128xi32, #tpu.memory_space<vmem>>, vector<16xi32>,
      %get3A_191 = arith.index_cast %scan3A_155 : i32 to index
      %get3A_192 = arith.constant 32 : index
      %get3A_193 = tpu.vector_load %arg5[%get3A_191, %get3A_192] {strides = array<i32>} : memref<104x128xi32, #tpu.memory_space<vmem>>, vector<16xi32>,
      %mul3A_194 = arith.constant 100000 : i32
      %mul3A_195 = arith.muli %select_n3A, %mul3A_194 : i32
      %add3A_196 = vector.broadcast %mul3A_195 : i32 to vector<16xi32>
      %add3A_197 = arith.addi %get3A_193, %add3A_196 : vector<16xi32>
      %swap3A_198 = arith.index_cast %scan3A_155 : i32 to index
      %swap3A_199 = arith.constant 32 : index
      %swap3A_200 = tpu.vector_load %arg5[%swap3A_198, %swap3A_199] {strides = array<i32>} : memref<104x128xi32, #tpu.memory_space<vmem>>, vector<16xi32>,
      tpu.vector_store %arg5[%swap3A_198, %swap3A_199], %add3A_197 {strides = array<i32>} : memref<104x128xi32, #tpu.memory_space<vmem>>, vector<16xi32>,
      %get3A_201 = arith.index_cast %scan3A_155 : i32 to index
      %get3A_202 = arith.constant 48 : index
      %get3A_203 = tpu.vector_load %arg5[%get3A_201, %get3A_202] {strides = array<i32>} : memref<104x128xi32, #tpu.memory_space<vmem>>, vector<16xi32>,
      %mul3A_204 = arith.constant 100000 : i32
      %mul3A_205 = arith.muli %select_n3A, %mul3A_204 : i32
      %add3A_206 = vector.broadcast %mul3A_205 : i32 to vector<16xi32>
      %add3A_207 = arith.addi %get3A_203, %add3A_206 : vector<16xi32>
      %swap3A_208 = arith.index_cast %scan3A_155 : i32 to index
      %swap3A_209 = arith.constant 48 : index
      %swap3A_210 = tpu.vector_load %arg5[%swap3A_208, %swap3A_209] {strides = array<i32>} : memref<104x128xi32, #tpu.memory_space<vmem>>, vector<16xi32>,
      tpu.vector_store %arg5[%swap3A_208, %swap3A_209], %add3A_207 {strides = array<i32>} : memref<104x128xi32, #tpu.memory_space<vmem>>, vector<16xi32>,
      %get3A_211 = arith.index_cast %scan3A_155 : i32 to index
      %get3A_212 = arith.constant 64 : index
      %get3A_213 = tpu.vector_load %arg5[%get3A_211, %get3A_212] {strides = array<i32>} : memref<104x128xi32, #tpu.memory_space<vmem>>, vector<16xi32>,
      %mul3A_214 = arith.constant 100000 : i32
      %mul3A_215 = arith.muli %select_n3A, %mul3A_214 : i32
      %add3A_216 = vector.broadcast %mul3A_215 : i32 to vector<16xi32>
      %add3A_217 = arith.addi %get3A_213, %add3A_216 : vector<16xi32>
      %swap3A_218 = arith.index_cast %scan3A_155 : i32 to index
      %swap3A_219 = arith.constant 64 : index
      %swap3A_220 = tpu.vector_load %arg5[%swap3A_218, %swap3A_219] {strides = array<i32>} : memref<104x128xi32, #tpu.memory_space<vmem>>, vector<16xi32>,
      tpu.vector_store %arg5[%swap3A_218, %swap3A_219], %add3A_217 {strides = array<i32>} : memref<104x128xi32, #tpu.memory_space<vmem>>, vector<16xi32>,
      %get3A_221 = arith.index_cast %scan3A_155 : i32 to index
      %get3A_222 = arith.constant 80 : index
      %get3A_223 = tpu.vector_load %arg5[%get3A_221, %get3A_222] {strides = array<i32>} : memref<104x128xi32, #tpu.memory_space<vmem>>, vector<16xi32>,
      %mul3A_224 = arith.constant 100000 : i32
      %mul3A_225 = arith.muli %select_n3A, %mul3A_224 : i32
      %add3A_226 = vector.broadcast %mul3A_225 : i32 to vector<16xi32>
      %add3A_227 = arith.addi %get3A_223, %add3A_226 : vector<16xi32>
      %swap3A_228 = arith.index_cast %scan3A_155 : i32 to index
      %swap3A_229 = arith.constant 80 : index
      %swap3A_230 = tpu.vector_load %arg5[%swap3A_228, %swap3A_229] {strides = array<i32>} : memref<104x128xi32, #tpu.memory_space<vmem>>, vector<16xi32>,
      tpu.vector_store %arg5[%swap3A_228, %swap3A_229], %add3A_227 {strides = array<i32>} : memref<104x128xi32, #tpu.memory_space<vmem>>, vector<16xi32>,
      %get3A_231 = arith.index_cast %scan3A_155 : i32 to index
      %get3A_232 = arith.constant 96 : index
      %get3A_233 = tpu.vector_load %arg5[%get3A_231, %get3A_232] {strides = array<i32>} : memref<104x128xi32, #tpu.memory_space<vmem>>, vector<16xi32>,
      %mul3A_234 = arith.constant 100000 : i32
      %mul3A_235 = arith.muli %select_n3A, %mul3A_234 : i32
      %add3A_236 = vector.broadcast %mul3A_235 : i32 to vector<16xi32>
      %add3A_237 = arith.addi %get3A_233, %add3A_236 : vector<16xi32>
      %swap3A_238 = arith.index_cast %scan3A_155 : i32 to index
      %swap3A_239 = arith.constant 96 : index
      %swap3A_240 = tpu.vector_load %arg5[%swap3A_238, %swap3A_239] {strides = array<i32>} : memref<104x128xi32, #tpu.memory_space<vmem>>, vector<16xi32>,
      tpu.vector_store %arg5[%swap3A_238, %swap3A_239], %add3A_237 {strides = array<i32>} : memref<104x128xi32, #tpu.memory_space<vmem>>, vector<16xi32>,
      %get3A_241 = arith.index_cast %scan3A_155 : i32 to index
      %get3A_242 = arith.constant 112 : index
      %get3A_243 = tpu.vector_load %arg5[%get3A_241, %get3A_242] {strides = array<i32>} : memref<104x128xi32, #tpu.memory_space<vmem>>, vector<16xi32>,
      %mul3A_244 = arith.constant 100000 : i32
      %mul3A_245 = arith.muli %select_n3A, %mul3A_244 : i32
      %add3A_246 = vector.broadcast %mul3A_245 : i32 to vector<16xi32>
      %add3A_247 = arith.addi %get3A_243, %add3A_246 : vector<16xi32>
      %swap3A_248 = arith.index_cast %scan3A_155 : i32 to index
      %swap3A_249 = arith.constant 112 : index
      %swap3A_250 = tpu.vector_load %arg5[%swap3A_248, %swap3A_249] {strides = array<i32>} : memref<104x128xi32, #tpu.memory_space<vmem>>, vector<16xi32>,
      tpu.vector_store %arg5[%swap3A_248, %swap3A_249], %add3A_247 {strides = array<i32>} : memref<104x128xi32, #tpu.memory_space<vmem>>, vector<16xi32>,
    }
    %scan3A_7 = arith.constant 104 : i32
    %dma_start3A = arith.constant 0 : i32
    %dma_start3A_8 = arith.constant 0 : i32
    %dma_start3A_9 = tpu.memref_slice %arg5[%dma_start3A, %dma_start3A_8] : memref<104x128xi32, #tpu.memory_space<vmem>> -> memref<1x128xi32, #tpu.memory_space<vmem>>
    %dma_start3A_10 = tpu.memref_squeeze %dma_start3A_9 : memref<1x128xi32, #tpu.memory_space<vmem>> -> memref<128xi32, #tpu.memory_space<vmem>>
    %dma_start3A_11 = arith.constant 0 : i32
    %dma_start3A_12 = arith.constant 0 : i32
    %dma_start3A_13 = tpu.memref_slice %arg2[%dma_start3A_11, %dma_start3A_12] : memref<2600000x32xf32, #tpu.memory_space<hbm>> -> memref<2600000x32xf32, #tpu.memory_space<hbm>>
    tpu.enqueue_indirect_dma source(%dma_start3A_13 : memref<2600000x32xf32, #tpu.memory_space<hbm>>) target(%arg6 : memref<128x32xf32, #tpu.memory_space<vmem>>) offsets(%dma_start3A_10 : memref<128xi32, #tpu.memory_space<vmem>>) semaphore(%arg10 : memref<!tpu.dma_semaphore, #tpu.memory_space<semaphore_mem>>)
    %scan3A_14 = arith.constant 0 : i32
    %scan3A_15 = arith.constant 0 : i32
    %scan3A_16 = arith.constant 104 : i32
    %scan3A_17 = arith.addi %scan3A_15, %scan3A_16 : i32
    %scan3A_18 = arith.constant 1 : i32
    scf.for %scan3A_155 = %scan3A_15 to %scan3A_17 step %scan3A_18  : i32 {
      %jit3A = arith.constant 2 : i32
      %eq3A = arith.constant 0 : i32
      %eq3A_156 = arith.cmpi eq, %jit3A, %eq3A : i32
      %jit3A_157 = arith.constant 1 : i32
      %select_n3A = arith.select %eq3A_156, %jit3A_157, %jit3A : i32
      %rem3A = arith.remsi %scan3A_155, %select_n3A : i32
      %ne3A = arith.constant 0 : i32
      %ne3A_158 = arith.cmpi ne, %rem3A, %ne3A : i32
      %lt3A = arith.constant 0 : i32
      %lt3A_159 = arith.cmpi slt, %rem3A, %lt3A : i32
      %lt3A_160 = arith.constant 0 : i32
      %lt3A_161 = arith.cmpi slt, %select_n3A, %lt3A_160 : i32
      %ne3A_162 = arith.xori %lt3A_159, %lt3A_161 : i1
      %and3A = arith.andi %ne3A_162, %ne3A_158 : i1
      %add3A_163 = arith.addi %rem3A, %select_n3A : i32
      %select_n3A_164 = arith.select %and3A, %add3A_163, %rem3A : i32
      %eq3A_165 = arith.constant 0 : i32
      %eq3A_166 = arith.cmpi eq, %select_n3A_164, %eq3A_165 : i32
      %convert_element_type3A = arith.extui %eq3A_166 : i1 to i32
      %cond3A = arith.constant 0 : i32
      %cond3A_167 = arith.cmpi ne, %convert_element_type3A, %cond3A : i32
      scf.if %cond3A_167 {
        %dma_wait3A_172 = arith.constant 0 : i32
        %dma_wait3A_173 = arith.constant 0 : i32
        %dma_wait3A_174 = tpu.memref_slice %arg2[%dma_wait3A_172, %dma_wait3A_173] : memref<2600000x32xf32, #tpu.memory_space<hbm>> -> memref<128x32xf32, #tpu.memory_space<hbm>>
        %dma_wait3A_175 = arith.constant 0 : i32
        %dma_wait3A_176 = arith.constant 0 : i32
        %dma_wait3A_177 = tpu.memref_slice %arg2[%dma_wait3A_175, %dma_wait3A_176] : memref<2600000x32xf32, #tpu.memory_space<hbm>> -> memref<128x32xf32, #tpu.memory_space<hbm>>
        tpu.wait_dma2 semaphore(%arg10 : memref<!tpu.dma_semaphore, #tpu.memory_space<semaphore_mem>>) src(%dma_wait3A_177 : memref<128x32xf32, #tpu.memory_space<hbm>>) dst(%arg6 : memref<128x32xf32, #tpu.memory_space<vmem>>)
        %add3A_178 = arith.constant 1 : i32
        %add3A_179 = arith.addi %scan3A_155, %add3A_178 : i32
        %lt3A_180 = arith.constant 104 : i32
        %lt3A_181 = arith.cmpi slt, %add3A_179, %lt3A_180 : i32
        %convert_element_type3A_182 = arith.extui %lt3A_181 : i1 to i32
        %cond3A_183 = arith.constant 0 : i32
        %cond3A_184 = arith.cmpi ne, %convert_element_type3A_182, %cond3A_183 : i32
        scf.if %cond3A_184 {
          %add3A_283 = arith.constant 1 : i32
          %add3A_284 = arith.addi %scan3A_155, %add3A_283 : i32
          %dma_start3A_285 = arith.constant 0 : i32
          %dma_start3A_286 = tpu.memref_slice %arg5[%add3A_284, %dma_start3A_285] : memref<104x128xi32, #tpu.memory_space<vmem>> -> memref<1x128xi32, #tpu.memory_space<vmem>>
          %dma_start3A_287 = tpu.memref_squeeze %dma_start3A_286 : memref<1x128xi32, #tpu.memory_space<vmem>> -> memref<128xi32, #tpu.memory_space<vmem>>
          %dma_start3A_288 = arith.constant 0 : i32
          %dma_start3A_289 = arith.constant 0 : i32
          %dma_start3A_290 = tpu.memref_slice %arg2[%dma_start3A_288, %dma_start3A_289] : memref<2600000x32xf32, #tpu.memory_space<hbm>> -> memref<2600000x32xf32, #tpu.memory_space<hbm>>
          tpu.enqueue_indirect_dma source(%dma_start3A_290 : memref<2600000x32xf32, #tpu.memory_space<hbm>>) target(%arg7 : memref<128x32xf32, #tpu.memory_space<vmem>>) offsets(%dma_start3A_287 : memref<128xi32, #tpu.memory_space<vmem>>) semaphore(%arg11 : memref<!tpu.dma_semaphore, #tpu.memory_space<semaphore_mem>>)
        } else {
        }
        %ge3A = arith.constant 2 : i32
        %ge3A_185 = arith.cmpi sge, %scan3A_155, %ge3A : i32
        %convert_element_type3A_186 = arith.extui %ge3A_185 : i1 to i32
        %cond3A_187 = arith.constant 0 : i32
        %cond3A_188 = arith.cmpi ne, %convert_element_type3A_186, %cond3A_187 : i32
        scf.if %cond3A_188 {
          %dma_wait3A_283 = arith.constant 0 : i32
          %dma_wait3A_284 = arith.constant 0 : i32
          %dma_wait3A_285 = arith.constant 0 : i32
          %dma_wait3A_286 = arith.constant 0 : i32
          %dma_wait3A_287 = arith.constant 0 : i32
          %dma_wait3A_288 = tpu.memref_slice %arg8[%dma_wait3A_286, %dma_wait3A_287] : memref<32x137xf32, #tpu.memory_space<vmem>> -> memref<8x128xf32, #tpu.memory_space<vmem>>
          %dma_wait3A_289 = arith.constant 0 : i32
          %dma_wait3A_290 = arith.constant 0 : i32
          %dma_wait3A_291 = tpu.memref_slice %arg4[%dma_wait3A_283, %dma_wait3A_284, %dma_wait3A_285, %dma_wait3A_289, %dma_wait3A_290] : memref<26x4x128x8x128xf32, #tpu.memory_space<hbm>> -> memref<1x1x1x8x128xf32, #tpu.memory_space<hbm>>
          %dma_wait3A_292 = tpu.memref_squeeze %dma_wait3A_291 : memref<1x1x1x8x128xf32, #tpu.memory_space<hbm>> -> memref<8x128xf32, #tpu.memory_space<hbm>>
          %dma_wait3A_293 = arith.constant 0 : i32
          %dma_wait3A_294 = arith.constant 0 : i32
          %dma_wait3A_295 = tpu.memref_slice %arg4[%dma_wait3A_283, %dma_wait3A_284, %dma_wait3A_285, %dma_wait3A_293, %dma_wait3A_294] : memref<26x4x128x8x128xf32, #tpu.memory_space<hbm>> -> memref<1x1x1x8x128xf32, #tpu.memory_space<hbm>>
          %dma_wait3A_296 = tpu.memref_squeeze %dma_wait3A_295 : memref<1x1x1x8x128xf32, #tpu.memory_space<hbm>> -> memref<8x128xf32, #tpu.memory_space<hbm>>
          %dma_wait3A_297 = arith.constant 0 : i32
          %dma_wait3A_298 = arith.constant 0 : i32
          %dma_wait3A_299 = tpu.memref_slice %arg8[%dma_wait3A_297, %dma_wait3A_298] : memref<32x137xf32, #tpu.memory_space<vmem>> -> memref<8x128xf32, #tpu.memory_space<vmem>>
          tpu.wait_dma2 semaphore(%arg12 : memref<!tpu.dma_semaphore, #tpu.memory_space<semaphore_mem>>) src(%dma_wait3A_299 : memref<8x128xf32, #tpu.memory_space<vmem>>) dst(%dma_wait3A_296 : memref<8x128xf32, #tpu.memory_space<hbm>>)
          %dma_wait3A_300 = arith.constant 0 : i32
          %dma_wait3A_301 = arith.constant 0 : i32
          %dma_wait3A_302 = arith.constant 0 : i32
          %dma_wait3A_303 = arith.constant 0 : i32
          %dma_wait3A_304 = arith.constant 0 : i32
          %dma_wait3A_305 = tpu.memref_slice %arg8[%dma_wait3A_303, %dma_wait3A_304] : memref<32x137xf32, #tpu.memory_space<vmem>> -> memref<8x128xf32, #tpu.memory_space<vmem>>
          %dma_wait3A_306 = arith.constant 0 : i32
          %dma_wait3A_307 = arith.constant 0 : i32
          %dma_wait3A_308 = tpu.memref_slice %arg4[%dma_wait3A_300, %dma_wait3A_301, %dma_wait3A_302, %dma_wait3A_306, %dma_wait3A_307] : memref<26x4x128x8x128xf32, #tpu.memory_space<hbm>> -> memref<1x1x1x8x128xf32, #tpu.memory_space<hbm>>
          %dma_wait3A_309 = tpu.memref_squeeze %dma_wait3A_308 : memref<1x1x1x8x128xf32, #tpu.memory_space<hbm>> -> memref<8x128xf32, #tpu.memory_space<hbm>>
          %dma_wait3A_310 = arith.constant 0 : i32
          %dma_wait3A_311 = arith.constant 0 : i32
          %dma_wait3A_312 = tpu.memref_slice %arg4[%dma_wait3A_300, %dma_wait3A_301, %dma_wait3A_302, %dma_wait3A_310, %dma_wait3A_311] : memref<26x4x128x8x128xf32, #tpu.memory_space<hbm>> -> memref<1x1x1x8x128xf32, #tpu.memory_space<hbm>>
          %dma_wait3A_313 = tpu.memref_squeeze %dma_wait3A_312 : memref<1x1x1x8x128xf32, #tpu.memory_space<hbm>> -> memref<8x128xf32, #tpu.memory_space<hbm>>
          %dma_wait3A_314 = arith.constant 0 : i32
          %dma_wait3A_315 = arith.constant 0 : i32
          %dma_wait3A_316 = tpu.memref_slice %arg8[%dma_wait3A_314, %dma_wait3A_315] : memref<32x137xf32, #tpu.memory_space<vmem>> -> memref<8x128xf32, #tpu.memory_space<vmem>>
          tpu.wait_dma2 semaphore(%arg12 : memref<!tpu.dma_semaphore, #tpu.memory_space<semaphore_mem>>) src(%dma_wait3A_316 : memref<8x128xf32, #tpu.memory_space<vmem>>) dst(%dma_wait3A_313 : memref<8x128xf32, #tpu.memory_space<hbm>>)
          %dma_wait3A_317 = arith.constant 0 : i32
          %dma_wait3A_318 = arith.constant 0 : i32
          %dma_wait3A_319 = arith.constant 0 : i32
          %dma_wait3A_320 = arith.constant 0 : i32
          %dma_wait3A_321 = arith.constant 0 : i32
          %dma_wait3A_322 = tpu.memref_slice %arg8[%dma_wait3A_320, %dma_wait3A_321] : memref<32x137xf32, #tpu.memory_space<vmem>> -> memref<8x128xf32, #tpu.memory_space<vmem>>
          %dma_wait3A_323 = arith.constant 0 : i32
          %dma_wait3A_324 = arith.constant 0 : i32
          %dma_wait3A_325 = tpu.memref_slice %arg4[%dma_wait3A_317, %dma_wait3A_318, %dma_wait3A_319, %dma_wait3A_323, %dma_wait3A_324] : memref<26x4x128x8x128xf32, #tpu.memory_space<hbm>> -> memref<1x1x1x8x128xf32, #tpu.memory_space<hbm>>
          %dma_wait3A_326 = tpu.memref_squeeze %dma_wait3A_325 : memref<1x1x1x8x128xf32, #tpu.memory_space<hbm>> -> memref<8x128xf32, #tpu.memory_space<hbm>>
          %dma_wait3A_327 = arith.constant 0 : i32
          %dma_wait3A_328 = arith.constant 0 : i32
          %dma_wait3A_329 = tpu.memref_slice %arg4[%dma_wait3A_317, %dma_wait3A_318, %dma_wait3A_319, %dma_wait3A_327, %dma_wait3A_328] : memref<26x4x128x8x128xf32, #tpu.memory_space<hbm>> -> memref<1x1x1x8x128xf32, #tpu.memory_space<hbm>>
          %dma_wait3A_330 = tpu.memref_squeeze %dma_wait3A_329 : memref<1x1x1x8x128xf32, #tpu.memory_space<hbm>> -> memref<8x128xf32, #tpu.memory_space<hbm>>
          %dma_wait3A_331 = arith.constant 0 : i32
          %dma_wait3A_332 = arith.constant 0 : i32
          %dma_wait3A_333 = tpu.memref_slice %arg8[%dma_wait3A_331, %dma_wait3A_332] : memref<32x137xf32, #tpu.memory_space<vmem>> -> memref<8x128xf32, #tpu.memory_space<vmem>>
          tpu.wait_dma2 semaphore(%arg12 : memref<!tpu.dma_semaphore, #tpu.memory_space<semaphore_mem>>) src(%dma_wait3A_333 : memref<8x128xf32, #tpu.memory_space<vmem>>) dst(%dma_wait3A_330 : memref<8x128xf32, #tpu.memory_space<hbm>>)
          %dma_wait3A_334 = arith.constant 0 : i32
          %dma_wait3A_335 = arith.constant 0 : i32
          %dma_wait3A_336 = arith.constant 0 : i32
          %dma_wait3A_337 = arith.constant 0 : i32
          %dma_wait3A_338 = arith.constant 0 : i32
          %dma_wait3A_339 = tpu.memref_slice %arg8[%dma_wait3A_337, %dma_wait3A_338] : memref<32x137xf32, #tpu.memory_space<vmem>> -> memref<8x128xf32, #tpu.memory_space<vmem>>
          %dma_wait3A_340 = arith.constant 0 : i32
          %dma_wait3A_341 = arith.constant 0 : i32
          %dma_wait3A_342 = tpu.memref_slice %arg4[%dma_wait3A_334, %dma_wait3A_335, %dma_wait3A_336, %dma_wait3A_340, %dma_wait3A_341] : memref<26x4x128x8x128xf32, #tpu.memory_space<hbm>> -> memref<1x1x1x8x128xf32, #tpu.memory_space<hbm>>
          %dma_wait3A_343 = tpu.memref_squeeze %dma_wait3A_342 : memref<1x1x1x8x128xf32, #tpu.memory_space<hbm>> -> memref<8x128xf32, #tpu.memory_space<hbm>>
          %dma_wait3A_344 = arith.constant 0 : i32
          %dma_wait3A_345 = arith.constant 0 : i32
          %dma_wait3A_346 = tpu.memref_slice %arg4[%dma_wait3A_334, %dma_wait3A_335, %dma_wait3A_336, %dma_wait3A_344, %dma_wait3A_345] : memref<26x4x128x8x128xf32, #tpu.memory_space<hbm>> -> memref<1x1x1x8x128xf32, #tpu.memory_space<hbm>>
          %dma_wait3A_347 = tpu.memref_squeeze %dma_wait3A_346 : memref<1x1x1x8x128xf32, #tpu.memory_space<hbm>> -> memref<8x128xf32, #tpu.memory_space<hbm>>
          %dma_wait3A_348 = arith.constant 0 : i32
          %dma_wait3A_349 = arith.constant 0 : i32
          %dma_wait3A_350 = tpu.memref_slice %arg8[%dma_wait3A_348, %dma_wait3A_349] : memref<32x137xf32, #tpu.memory_space<vmem>> -> memref<8x128xf32, #tpu.memory_space<vmem>>
          tpu.wait_dma2 semaphore(%arg12 : memref<!tpu.dma_semaphore, #tpu.memory_space<semaphore_mem>>) src(%dma_wait3A_350 : memref<8x128xf32, #tpu.memory_space<vmem>>) dst(%dma_wait3A_347 : memref<8x128xf32, #tpu.memory_space<hbm>>)
        } else {
        }
        %add3A_189 = arith.constant 16 : i32
        %add3A_190 = vector.broadcast %add3A_189 : i32 to vector<16xi32>
        %add3A_191 = arith.addi %add3A_190, %iota3A : vector<16xi32>
        %scan3A_192 = arith.constant 0 : i32
        %scan3A_193 = arith.constant 0 : i32
        %scan3A_194 = arith.constant 16 : i32
        %scan3A_195 = arith.addi %scan3A_193, %scan3A_194 : i32
        %scan3A_196 = arith.constant 1 : i32
        scf.for %scan3A_283 = %scan3A_193 to %scan3A_195 step %scan3A_196  : i32 {
          %mul3A_284 = arith.constant 8 : i32
          %mul3A_285 = arith.muli %scan3A_283, %mul3A_284 : i32
          %add3A_286 = arith.constant 0 : i32
          %add3A_287 = arith.addi %mul3A_285, %add3A_286 : i32
          %mul3A_288 = arith.constant 0 : i32
          %mul3A_289 = vector.broadcast %mul3A_288 : i32 to vector<16xi32>
          %mul3A_290 = arith.muli %iota3A, %mul3A_289 : vector<16xi32>
          %add3A_291 = vector.broadcast %add3A_287 : i32 to vector<16xi32>
          %add3A_292 = arith.addi %mul3A_290, %add3A_291 : vector<16xi32>
          %get3A = arith.index_cast %add3A_287 : i32 to index
          %get3A_293 = arith.constant 0 : index
          %get3A_294 = tpu.vector_load %arg6[%get3A, %get3A_293] {strides = array<i32>} : memref<128x32xf32, #tpu.memory_space<vmem>>, vector<16xf32>,
          tpu.vector_store_idx %arg8[%iota3A, %add3A_292], %get3A_294 : memref<32x137xf32, #tpu.memory_space<vmem>>[vector<16xi32>, vector<16xi32>], vector<16xf32>,
          %get3A_295 = arith.index_cast %add3A_287 : i32 to index
          %get3A_296 = arith.constant 16 : index
          %get3A_297 = tpu.vector_load %arg6[%get3A_295, %get3A_296] {strides = array<i32>} : memref<128x32xf32, #tpu.memory_space<vmem>>, vector<16xf32>,
          tpu.vector_store_idx %arg8[%add3A_191, %add3A_292], %get3A_297 : memref<32x137xf32, #tpu.memory_space<vmem>>[vector<16xi32>, vector<16xi32>], vector<16xf32>,
          %mul3A_298 = arith.constant 8 : i32
          %mul3A_299 = arith.muli %scan3A_283, %mul3A_298 : i32
          %add3A_300 = arith.constant 1 : i32
          %add3A_301 = arith.addi %mul3A_299, %add3A_300 : i32
          %mul3A_302 = arith.constant 0 : i32
          %mul3A_303 = vector.broadcast %mul3A_302 : i32 to vector<16xi32>
          %mul3A_304 = arith.muli %iota3A, %mul3A_303 : vector<16xi32>
          %add3A_305 = vector.broadcast %add3A_301 : i32 to vector<16xi32>
          %add3A_306 = arith.addi %mul3A_304, %add3A_305 : vector<16xi32>
          %get3A_307 = arith.index_cast %add3A_301 : i32 to index
          %get3A_308 = arith.constant 0 : index
          %get3A_309 = tpu.vector_load %arg6[%get3A_307, %get3A_308] {strides = array<i32>} : memref<128x32xf32, #tpu.memory_space<vmem>>, vector<16xf32>,
          tpu.vector_store_idx %arg8[%iota3A, %add3A_306], %get3A_309 : memref<32x137xf32, #tpu.memory_space<vmem>>[vector<16xi32>, vector<16xi32>], vector<16xf32>,
          %get3A_310 = arith.index_cast %add3A_301 : i32 to index
          %get3A_311 = arith.constant 16 : index
          %get3A_312 = tpu.vector_load %arg6[%get3A_310, %get3A_311] {strides = array<i32>} : memref<128x32xf32, #tpu.memory_space<vmem>>, vector<16xf32>,
          tpu.vector_store_idx %arg8[%add3A_191, %add3A_306], %get3A_312 : memref<32x137xf32, #tpu.memory_space<vmem>>[vector<16xi32>, vector<16xi32>], vector<16xf32>,
          %mul3A_313 = arith.constant 8 : i32
          %mul3A_314 = arith.muli %scan3A_283, %mul3A_313 : i32
          %add3A_315 = arith.constant 2 : i32
          %add3A_316 = arith.addi %mul3A_314, %add3A_315 : i32
          %mul3A_317 = arith.constant 0 : i32
          %mul3A_318 = vector.broadcast %mul3A_317 : i32 to vector<16xi32>
          %mul3A_319 = arith.muli %iota3A, %mul3A_318 : vector<16xi32>
          %add3A_320 = vector.broadcast %add3A_316 : i32 to vector<16xi32>
          %add3A_321 = arith.addi %mul3A_319, %add3A_320 : vector<16xi32>
          %get3A_322 = arith.index_cast %add3A_316 : i32 to index
          %get3A_323 = arith.constant 0 : index
          %get3A_324 = tpu.vector_load %arg6[%get3A_322, %get3A_323] {strides = array<i32>} : memref<128x32xf32, #tpu.memory_space<vmem>>, vector<16xf32>,
          tpu.vector_store_idx %arg8[%iota3A, %add3A_321], %get3A_324 : memref<32x137xf32, #tpu.memory_space<vmem>>[vector<16xi32>, vector<16xi32>], vector<16xf32>,
          %get3A_325 = arith.index_cast %add3A_316 : i32 to index
          %get3A_326 = arith.constant 16 : index
          %get3A_327 = tpu.vector_load %arg6[%get3A_325, %get3A_326] {strides = array<i32>} : memref<128x32xf32, #tpu.memory_space<vmem>>, vector<16xf32>,
          tpu.vector_store_idx %arg8[%add3A_191, %add3A_321], %get3A_327 : memref<32x137xf32, #tpu.memory_space<vmem>>[vector<16xi32>, vector<16xi32>], vector<16xf32>,
          %mul3A_328 = arith.constant 8 : i32
          %mul3A_329 = arith.muli %scan3A_283, %mul3A_328 : i32
          %add3A_330 = arith.constant 3 : i32
          %add3A_331 = arith.addi %mul3A_329, %add3A_330 : i32
          %mul3A_332 = arith.constant 0 : i32
          %mul3A_333 = vector.broadcast %mul3A_332 : i32 to vector<16xi32>
          %mul3A_334 = arith.muli %iota3A, %mul3A_333 : vector<16xi32>
          %add3A_335 = vector.broadcast %add3A_331 : i32 to vector<16xi32>
          %add3A_336 = arith.addi %mul3A_334, %add3A_335 : vector<16xi32>
          %get3A_337 = arith.index_cast %add3A_331 : i32 to index
          %get3A_338 = arith.constant 0 : index
          %get3A_339 = tpu.vector_load %arg6[%get3A_337, %get3A_338] {strides = array<i32>} : memref<128x32xf32, #tpu.memory_space<vmem>>, vector<16xf32>,
          tpu.vector_store_idx %arg8[%iota3A, %add3A_336], %get3A_339 : memref<32x137xf32, #tpu.memory_space<vmem>>[vector<16xi32>, vector<16xi32>], vector<16xf32>,
          %get3A_340 = arith.index_cast %add3A_331 : i32 to index
          %get3A_341 = arith.constant 16 : index
          %get3A_342 = tpu.vector_load %arg6[%get3A_340, %get3A_341] {strides = array<i32>} : memref<128x32xf32, #tpu.memory_space<vmem>>, vector<16xf32>,
          tpu.vector_store_idx %arg8[%add3A_191, %add3A_336], %get3A_342 : memref<32x137xf32, #tpu.memory_space<vmem>>[vector<16xi32>, vector<16xi32>], vector<16xf32>,
          %mul3A_343 = arith.constant 8 : i32
          %mul3A_344 = arith.muli %scan3A_283, %mul3A_343 : i32
          %add3A_345 = arith.constant 4 : i32
          %add3A_346 = arith.addi %mul3A_344, %add3A_345 : i32
          %mul3A_347 = arith.constant 0 : i32
          %mul3A_348 = vector.broadcast %mul3A_347 : i32 to vector<16xi32>
          %mul3A_349 = arith.muli %iota3A, %mul3A_348 : vector<16xi32>
          %add3A_350 = vector.broadcast %add3A_346 : i32 to vector<16xi32>
          %add3A_351 = arith.addi %mul3A_349, %add3A_350 : vector<16xi32>
          %get3A_352 = arith.index_cast %add3A_346 : i32 to index
          %get3A_353 = arith.constant 0 : index
          %get3A_354 = tpu.vector_load %arg6[%get3A_352, %get3A_353] {strides = array<i32>} : memref<128x32xf32, #tpu.memory_space<vmem>>, vector<16xf32>,
          tpu.vector_store_idx %arg8[%iota3A, %add3A_351], %get3A_354 : memref<32x137xf32, #tpu.memory_space<vmem>>[vector<16xi32>, vector<16xi32>], vector<16xf32>,
          %get3A_355 = arith.index_cast %add3A_346 : i32 to index
          %get3A_356 = arith.constant 16 : index
          %get3A_357 = tpu.vector_load %arg6[%get3A_355, %get3A_356] {strides = array<i32>} : memref<128x32xf32, #tpu.memory_space<vmem>>, vector<16xf32>,
          tpu.vector_store_idx %arg8[%add3A_191, %add3A_351], %get3A_357 : memref<32x137xf32, #tpu.memory_space<vmem>>[vector<16xi32>, vector<16xi32>], vector<16xf32>,
          %mul3A_358 = arith.constant 8 : i32
          %mul3A_359 = arith.muli %scan3A_283, %mul3A_358 : i32
          %add3A_360 = arith.constant 5 : i32
          %add3A_361 = arith.addi %mul3A_359, %add3A_360 : i32
          %mul3A_362 = arith.constant 0 : i32
          %mul3A_363 = vector.broadcast %mul3A_362 : i32 to vector<16xi32>
          %mul3A_364 = arith.muli %iota3A, %mul3A_363 : vector<16xi32>
          %add3A_365 = vector.broadcast %add3A_361 : i32 to vector<16xi32>
          %add3A_366 = arith.addi %mul3A_364, %add3A_365 : vector<16xi32>
          %get3A_367 = arith.index_cast %add3A_361 : i32 to index
          %get3A_368 = arith.constant 0 : index
          %get3A_369 = tpu.vector_load %arg6[%get3A_367, %get3A_368] {strides = array<i32>} : memref<128x32xf32, #tpu.memory_space<vmem>>, vector<16xf32>,
          tpu.vector_store_idx %arg8[%iota3A, %add3A_366], %get3A_369 : memref<32x137xf32, #tpu.memory_space<vmem>>[vector<16xi32>, vector<16xi32>], vector<16xf32>,
          %get3A_370 = arith.index_cast %add3A_361 : i32 to index
          %get3A_371 = arith.constant 16 : index
          %get3A_372 = tpu.vector_load %arg6[%get3A_370, %get3A_371] {strides = array<i32>} : memref<128x32xf32, #tpu.memory_space<vmem>>, vector<16xf32>,
          tpu.vector_store_idx %arg8[%add3A_191, %add3A_366], %get3A_372 : memref<32x137xf32, #tpu.memory_space<vmem>>[vector<16xi32>, vector<16xi32>], vector<16xf32>,
          %mul3A_373 = arith.constant 8 : i32
          %mul3A_374 = arith.muli %scan3A_283, %mul3A_373 : i32
          %add3A_375 = arith.constant 6 : i32
          %add3A_376 = arith.addi %mul3A_374, %add3A_375 : i32
          %mul3A_377 = arith.constant 0 : i32
          %mul3A_378 = vector.broadcast %mul3A_377 : i32 to vector<16xi32>
          %mul3A_379 = arith.muli %iota3A, %mul3A_378 : vector<16xi32>
          %add3A_380 = vector.broadcast %add3A_376 : i32 to vector<16xi32>
          %add3A_381 = arith.addi %mul3A_379, %add3A_380 : vector<16xi32>
          %get3A_382 = arith.index_cast %add3A_376 : i32 to index
          %get3A_383 = arith.constant 0 : index
          %get3A_384 = tpu.vector_load %arg6[%get3A_382, %get3A_383] {strides = array<i32>} : memref<128x32xf32, #tpu.memory_space<vmem>>, vector<16xf32>,
          tpu.vector_store_idx %arg8[%iota3A, %add3A_381], %get3A_384 : memref<32x137xf32, #tpu.memory_space<vmem>>[vector<16xi32>, vector<16xi32>], vector<16xf32>,
          %get3A_385 = arith.index_cast %add3A_376 : i32 to index
          %get3A_386 = arith.constant 16 : index
          %get3A_387 = tpu.vector_load %arg6[%get3A_385, %get3A_386] {strides = array<i32>} : memref<128x32xf32, #tpu.memory_space<vmem>>, vector<16xf32>,
          tpu.vector_store_idx %arg8[%add3A_191, %add3A_381], %get3A_387 : memref<32x137xf32, #tpu.memory_space<vmem>>[vector<16xi32>, vector<16xi32>], vector<16xf32>,
          %mul3A_388 = arith.constant 8 : i32
          %mul3A_389 = arith.muli %scan3A_283, %mul3A_388 : i32
          %add3A_390 = arith.constant 7 : i32
          %add3A_391 = arith.addi %mul3A_389, %add3A_390 : i32
          %mul3A_392 = arith.constant 0 : i32
          %mul3A_393 = vector.broadcast %mul3A_392 : i32 to vector<16xi32>
          %mul3A_394 = arith.muli %iota3A, %mul3A_393 : vector<16xi32>
          %add3A_395 = vector.broadcast %add3A_391 : i32 to vector<16xi32>
          %add3A_396 = arith.addi %mul3A_394, %add3A_395 : vector<16xi32>
          %get3A_397 = arith.index_cast %add3A_391 : i32 to index
          %get3A_398 = arith.constant 0 : index
          %get3A_399 = tpu.vector_load %arg6[%get3A_397, %get3A_398] {strides = array<i32>} : memref<128x32xf32, #tpu.memory_space<vmem>>, vector<16xf32>,
          tpu.vector_store_idx %arg8[%iota3A, %add3A_396], %get3A_399 : memref<32x137xf32, #tpu.memory_space<vmem>>[vector<16xi32>, vector<16xi32>], vector<16xf32>,
          %get3A_400 = arith.index_cast %add3A_391 : i32 to index
          %get3A_401 = arith.constant 16 : index
          %get3A_402 = tpu.vector_load %arg6[%get3A_400, %get3A_401] {strides = array<i32>} : memref<128x32xf32, #tpu.memory_space<vmem>>, vector<16xf32>,
          tpu.vector_store_idx %arg8[%add3A_191, %add3A_396], %get3A_402 : memref<32x137xf32, #tpu.memory_space<vmem>>[vector<16xi32>, vector<16xi32>], vector<16xf32>,
        }
        %scan3A_197 = arith.constant 16 : i32
        %add3A_198 = arith.addi %mul3A_2, %scan3A_155 : i32
        %jit3A_199 = arith.constant 128 : i32
        %div3A = arith.divsi %add3A_198, %jit3A_199 : i32
        %sign3A = arith.constant 0 : i32
        %sign3A_200 = arith.cmpi sgt, %add3A_198, %sign3A : i32
        %sign3A_201 = arith.extui %sign3A_200 : i1 to i32
        %sign3A_202 = arith.constant 0 : i32
        %sign3A_203 = arith.cmpi slt, %add3A_198, %sign3A_202 : i32
        %sign3A_204 = arith.extui %sign3A_203 : i1 to i32
        %sign3A_205 = arith.subi %sign3A_201, %sign3A_204 : i32
        %sign3A_206 = arith.constant 0 : i32
        %sign3A_207 = arith.cmpi sgt, %jit3A_199, %sign3A_206 : i32
        %sign3A_208 = arith.extui %sign3A_207 : i1 to i32
        %sign3A_209 = arith.constant 0 : i32
        %sign3A_210 = arith.cmpi slt, %jit3A_199, %sign3A_209 : i32
        %sign3A_211 = arith.extui %sign3A_210 : i1 to i32
        %sign3A_212 = arith.subi %sign3A_208, %sign3A_211 : i32
        %ne3A_213 = arith.cmpi ne, %sign3A_205, %sign3A_212 : i32
        %rem3A_214 = arith.remsi %add3A_198, %jit3A_199 : i32
        %ne3A_215 = arith.constant 0 : i32
        %ne3A_216 = arith.cmpi ne, %rem3A_214, %ne3A_215 : i32
        %and3A_217 = arith.andi %ne3A_213, %ne3A_216 : i1
        %sub3A = arith.constant 1 : i32
        %sub3A_218 = arith.subi %div3A, %sub3A : i32
        %select_n3A_219 = arith.select %and3A_217, %sub3A_218, %div3A : i32
        %mul3A_220 = arith.constant 128 : i32
        %mul3A_221 = arith.muli %select_n3A_219, %mul3A_220 : i32
        %sub3A_222 = arith.subi %add3A_198, %mul3A_221 : i32
        %dma_start3A_223 = arith.constant 0 : i32
        %dma_start3A_224 = arith.constant 0 : i32
        %dma_start3A_225 = arith.constant 0 : i32
        %dma_start3A_226 = tpu.memref_slice %arg8[%dma_start3A_224, %dma_start3A_225] : memref<32x137xf32, #tpu.memory_space<vmem>> -> memref<8x128xf32, #tpu.memory_space<vmem>>
        %dma_start3A_227 = arith.constant 0 : i32
        %dma_start3A_228 = arith.constant 0 : i32
        %dma_start3A_229 = tpu.memref_slice %arg4[%select_n3A_219, %dma_start3A_223, %sub3A_222, %dma_start3A_227, %dma_start3A_228] : memref<26x4x128x8x128xf32, #tpu.memory_space<hbm>> -> memref<1x1x1x8x128xf32, #tpu.memory_space<hbm>>
        %dma_start3A_230 = tpu.memref_squeeze %dma_start3A_229 : memref<1x1x1x8x128xf32, #tpu.memory_space<hbm>> -> memref<8x128xf32, #tpu.memory_space<hbm>>
        %dma_start3A_231 = arith.constant 0 : i32
        %dma_start3A_232 = arith.constant 0 : i32
        %dma_start3A_233 = tpu.memref_slice %arg4[%select_n3A_219, %dma_start3A_223, %sub3A_222, %dma_start3A_231, %dma_start3A_232] : memref<26x4x128x8x128xf32, #tpu.memory_space<hbm>> -> memref<1x1x1x8x128xf32, #tpu.memory_space<hbm>>
        %dma_start3A_234 = tpu.memref_squeeze %dma_start3A_233 : memref<1x1x1x8x128xf32, #tpu.memory_space<hbm>> -> memref<8x128xf32, #tpu.memory_space<hbm>>
        %dma_start3A_235 = arith.constant 0 : i32
        %dma_start3A_236 = arith.constant 0 : i32
        %dma_start3A_237 = tpu.memref_slice %arg8[%dma_start3A_235, %dma_start3A_236] : memref<32x137xf32, #tpu.memory_space<vmem>> -> memref<8x128xf32, #tpu.memory_space<vmem>>
        tpu.enqueue_dma source(%dma_start3A_237 : memref<8x128xf32, #tpu.memory_space<vmem>>) target(%dma_start3A_234 : memref<8x128xf32, #tpu.memory_space<hbm>>) target_semaphore(%arg12 : memref<!tpu.dma_semaphore, #tpu.memory_space<semaphore_mem>>)
        %dma_start3A_238 = arith.constant 1 : i32
        %dma_start3A_239 = arith.constant 8 : i32
        %dma_start3A_240 = arith.constant 0 : i32
        %dma_start3A_241 = tpu.memref_slice %arg8[%dma_start3A_239, %dma_start3A_240] : memref<32x137xf32, #tpu.memory_space<vmem>> -> memref<8x128xf32, #tpu.memory_space<vmem>>
        %dma_start3A_242 = arith.constant 0 : i32
        %dma_start3A_243 = arith.constant 0 : i32
        %dma_start3A_244 = tpu.memref_slice %arg4[%select_n3A_219, %dma_start3A_238, %sub3A_222, %dma_start3A_242, %dma_start3A_243] : memref<26x4x128x8x128xf32, #tpu.memory_space<hbm>> -> memref<1x1x1x8x128xf32, #tpu.memory_space<hbm>>
        %dma_start3A_245 = tpu.memref_squeeze %dma_start3A_244 : memref<1x1x1x8x128xf32, #tpu.memory_space<hbm>> -> memref<8x128xf32, #tpu.memory_space<hbm>>
        %dma_start3A_246 = arith.constant 0 : i32
        %dma_start3A_247 = arith.constant 0 : i32
        %dma_start3A_248 = tpu.memref_slice %arg4[%select_n3A_219, %dma_start3A_238, %sub3A_222, %dma_start3A_246, %dma_start3A_247] : memref<26x4x128x8x128xf32, #tpu.memory_space<hbm>> -> memref<1x1x1x8x128xf32, #tpu.memory_space<hbm>>
        %dma_start3A_249 = tpu.memref_squeeze %dma_start3A_248 : memref<1x1x1x8x128xf32, #tpu.memory_space<hbm>> -> memref<8x128xf32, #tpu.memory_space<hbm>>
        %dma_start3A_250 = arith.constant 8 : i32
        %dma_start3A_251 = arith.constant 0 : i32
        %dma_start3A_252 = tpu.memref_slice %arg8[%dma_start3A_250, %dma_start3A_251] : memref<32x137xf32, #tpu.memory_space<vmem>> -> memref<8x128xf32, #tpu.memory_space<vmem>>
        tpu.enqueue_dma source(%dma_start3A_252 : memref<8x128xf32, #tpu.memory_space<vmem>>) target(%dma_start3A_249 : memref<8x128xf32, #tpu.memory_space<hbm>>) target_semaphore(%arg12 : memref<!tpu.dma_semaphore, #tpu.memory_space<semaphore_mem>>)
        %dma_start3A_253 = arith.constant 2 : i32
        %dma_start3A_254 = arith.constant 16 : i32
        %dma_start3A_255 = arith.constant 0 : i32
        %dma_start3A_256 = tpu.memref_slice %arg8[%dma_start3A_254, %dma_start3A_255] : memref<32x137xf32, #tpu.memory_space<vmem>> -> memref<8x128xf32, #tpu.memory_space<vmem>>
        %dma_start3A_257 = arith.constant 0 : i32
        %dma_start3A_258 = arith.constant 0 : i32
        %dma_start3A_259 = tpu.memref_slice %arg4[%select_n3A_219, %dma_start3A_253, %sub3A_222, %dma_start3A_257, %dma_start3A_258] : memref<26x4x128x8x128xf32, #tpu.memory_space<hbm>> -> memref<1x1x1x8x128xf32, #tpu.memory_space<hbm>>
        %dma_start3A_260 = tpu.memref_squeeze %dma_start3A_259 : memref<1x1x1x8x128xf32, #tpu.memory_space<hbm>> -> memref<8x128xf32, #tpu.memory_space<hbm>>
        %dma_start3A_261 = arith.constant 0 : i32
        %dma_start3A_262 = arith.constant 0 : i32
        %dma_start3A_263 = tpu.memref_slice %arg4[%select_n3A_219, %dma_start3A_253, %sub3A_222, %dma_start3A_261, %dma_start3A_262] : memref<26x4x128x8x128xf32, #tpu.memory_space<hbm>> -> memref<1x1x1x8x128xf32, #tpu.memory_space<hbm>>
        %dma_start3A_264 = tpu.memref_squeeze %dma_start3A_263 : memref<1x1x1x8x128xf32, #tpu.memory_space<hbm>> -> memref<8x128xf32, #tpu.memory_space<hbm>>
        %dma_start3A_265 = arith.constant 16 : i32
        %dma_start3A_266 = arith.constant 0 : i32
        %dma_start3A_267 = tpu.memref_slice %arg8[%dma_start3A_265, %dma_start3A_266] : memref<32x137xf32, #tpu.memory_space<vmem>> -> memref<8x128xf32, #tpu.memory_space<vmem>>
        tpu.enqueue_dma source(%dma_start3A_267 : memref<8x128xf32, #tpu.memory_space<vmem>>) target(%dma_start3A_264 : memref<8x128xf32, #tpu.memory_space<hbm>>) target_semaphore(%arg12 : memref<!tpu.dma_semaphore, #tpu.memory_space<semaphore_mem>>)
        %dma_start3A_268 = arith.constant 3 : i32
        %dma_start3A_269 = arith.constant 24 : i32
        %dma_start3A_270 = arith.constant 0 : i32
        %dma_start3A_271 = tpu.memref_slice %arg8[%dma_start3A_269, %dma_start3A_270] : memref<32x137xf32, #tpu.memory_space<vmem>> -> memref<8x128xf32, #tpu.memory_space<vmem>>
        %dma_start3A_272 = arith.constant 0 : i32
        %dma_start3A_273 = arith.constant 0 : i32
        %dma_start3A_274 = tpu.memref_slice %arg4[%select_n3A_219, %dma_start3A_268, %sub3A_222, %dma_start3A_272, %dma_start3A_273] : memref<26x4x128x8x128xf32, #tpu.memory_space<hbm>> -> memref<1x1x1x8x128xf32, #tpu.memory_space<hbm>>
        %dma_start3A_275 = tpu.memref_squeeze %dma_start3A_274 : memref<1x1x1x8x128xf32, #tpu.memory_space<hbm>> -> memref<8x128xf32, #tpu.memory_space<hbm>>
        %dma_start3A_276 = arith.constant 0 : i32
        %dma_start3A_277 = arith.constant 0 : i32
        %dma_start3A_278 = tpu.memref_slice %arg4[%select_n3A_219, %dma_start3A_268, %sub3A_222, %dma_start3A_276, %dma_start3A_277] : memref<26x4x128x8x128xf32, #tpu.memory_space<hbm>> -> memref<1x1x1x8x128xf32, #tpu.memory_space<hbm>>
        %dma_start3A_279 = tpu.memref_squeeze %dma_start3A_278 : memref<1x1x1x8x128xf32, #tpu.memory_space<hbm>> -> memref<8x128xf32, #tpu.memory_space<hbm>>
        %dma_start3A_280 = arith.constant 24 : i32
        %dma_start3A_281 = arith.constant 0 : i32
        %dma_start3A_282 = tpu.memref_slice %arg8[%dma_start3A_280, %dma_start3A_281] : memref<32x137xf32, #tpu.memory_space<vmem>> -> memref<8x128xf32, #tpu.memory_space<vmem>>
        tpu.enqueue_dma source(%dma_start3A_282 : memref<8x128xf32, #tpu.memory_space<vmem>>) target(%dma_start3A_279 : memref<8x128xf32, #tpu.memory_space<hbm>>) target_semaphore(%arg12 : memref<!tpu.dma_semaphore, #tpu.memory_space<semaphore_mem>>)
      } else {
      }
      %not3A = arith.constant true
      %not3A_168 = arith.xori %eq3A_166, %not3A : i1
      %convert_element_type3A_169 = arith.extui %not3A_168 : i1 to i32
      %cond3A_170 = arith.constant 0 : i32
      %cond3A_171 = arith.cmpi ne, %convert_element_type3A_169, %cond3A_170 : i32
      scf.if %cond3A_171 {
        %dma_wait3A_172 = arith.constant 0 : i32
        %dma_wait3A_173 = arith.constant 0 : i32
        %dma_wait3A_174 = tpu.memref_slice %arg2[%dma_wait3A_172, %dma_wait3A_173] : memref<2600000x32xf32, #tpu.memory_space<hbm>> -> memref<128x32xf32, #tpu.memory_space<hbm>>
        %dma_wait3A_175 = arith.constant 0 : i32
        %dma_wait3A_176 = arith.constant 0 : i32
        %dma_wait3A_177 = tpu.memref_slice %arg2[%dma_wait3A_175, %dma_wait3A_176] : memref<2600000x32xf32, #tpu.memory_space<hbm>> -> memref<128x32xf32, #tpu.memory_space<hbm>>
        tpu.wait_dma2 semaphore(%arg11 : memref<!tpu.dma_semaphore, #tpu.memory_space<semaphore_mem>>) src(%dma_wait3A_177 : memref<128x32xf32, #tpu.memory_space<hbm>>) dst(%arg7 : memref<128x32xf32, #tpu.memory_space<vmem>>)
        %add3A_178 = arith.constant 1 : i32
        %add3A_179 = arith.addi %scan3A_155, %add3A_178 : i32
        %lt3A_180 = arith.constant 104 : i32
        %lt3A_181 = arith.cmpi slt, %add3A_179, %lt3A_180 : i32
        %convert_element_type3A_182 = arith.extui %lt3A_181 : i1 to i32
        %cond3A_183 = arith.constant 0 : i32
        %cond3A_184 = arith.cmpi ne, %convert_element_type3A_182, %cond3A_183 : i32
        scf.if %cond3A_184 {
          %add3A_283 = arith.constant 1 : i32
          %add3A_284 = arith.addi %scan3A_155, %add3A_283 : i32
          %dma_start3A_285 = arith.constant 0 : i32
          %dma_start3A_286 = tpu.memref_slice %arg5[%add3A_284, %dma_start3A_285] : memref<104x128xi32, #tpu.memory_space<vmem>> -> memref<1x128xi32, #tpu.memory_space<vmem>>
          %dma_start3A_287 = tpu.memref_squeeze %dma_start3A_286 : memref<1x128xi32, #tpu.memory_space<vmem>> -> memref<128xi32, #tpu.memory_space<vmem>>
          %dma_start3A_288 = arith.constant 0 : i32
          %dma_start3A_289 = arith.constant 0 : i32
          %dma_start3A_290 = tpu.memref_slice %arg2[%dma_start3A_288, %dma_start3A_289] : memref<2600000x32xf32, #tpu.memory_space<hbm>> -> memref<2600000x32xf32, #tpu.memory_space<hbm>>
          tpu.enqueue_indirect_dma source(%dma_start3A_290 : memref<2600000x32xf32, #tpu.memory_space<hbm>>) target(%arg6 : memref<128x32xf32, #tpu.memory_space<vmem>>) offsets(%dma_start3A_287 : memref<128xi32, #tpu.memory_space<vmem>>) semaphore(%arg10 : memref<!tpu.dma_semaphore, #tpu.memory_space<semaphore_mem>>)
        } else {
        }
        %ge3A = arith.constant 2 : i32
        %ge3A_185 = arith.cmpi sge, %scan3A_155, %ge3A : i32
        %convert_element_type3A_186 = arith.extui %ge3A_185 : i1 to i32
        %cond3A_187 = arith.constant 0 : i32
        %cond3A_188 = arith.cmpi ne, %convert_element_type3A_186, %cond3A_187 : i32
        scf.if %cond3A_188 {
          %dma_wait3A_283 = arith.constant 0 : i32
          %dma_wait3A_284 = arith.constant 0 : i32
          %dma_wait3A_285 = arith.constant 0 : i32
          %dma_wait3A_286 = arith.constant 0 : i32
          %dma_wait3A_287 = arith.constant 0 : i32
          %dma_wait3A_288 = tpu.memref_slice %arg9[%dma_wait3A_286, %dma_wait3A_287] : memref<32x137xf32, #tpu.memory_space<vmem>> -> memref<8x128xf32, #tpu.memory_space<vmem>>
          %dma_wait3A_289 = arith.constant 0 : i32
          %dma_wait3A_290 = arith.constant 0 : i32
          %dma_wait3A_291 = tpu.memref_slice %arg4[%dma_wait3A_283, %dma_wait3A_284, %dma_wait3A_285, %dma_wait3A_289, %dma_wait3A_290] : memref<26x4x128x8x128xf32, #tpu.memory_space<hbm>> -> memref<1x1x1x8x128xf32, #tpu.memory_space<hbm>>
          %dma_wait3A_292 = tpu.memref_squeeze %dma_wait3A_291 : memref<1x1x1x8x128xf32, #tpu.memory_space<hbm>> -> memref<8x128xf32, #tpu.memory_space<hbm>>
          %dma_wait3A_293 = arith.constant 0 : i32
          %dma_wait3A_294 = arith.constant 0 : i32
          %dma_wait3A_295 = tpu.memref_slice %arg4[%dma_wait3A_283, %dma_wait3A_284, %dma_wait3A_285, %dma_wait3A_293, %dma_wait3A_294] : memref<26x4x128x8x128xf32, #tpu.memory_space<hbm>> -> memref<1x1x1x8x128xf32, #tpu.memory_space<hbm>>
          %dma_wait3A_296 = tpu.memref_squeeze %dma_wait3A_295 : memref<1x1x1x8x128xf32, #tpu.memory_space<hbm>> -> memref<8x128xf32, #tpu.memory_space<hbm>>
          %dma_wait3A_297 = arith.constant 0 : i32
          %dma_wait3A_298 = arith.constant 0 : i32
          %dma_wait3A_299 = tpu.memref_slice %arg9[%dma_wait3A_297, %dma_wait3A_298] : memref<32x137xf32, #tpu.memory_space<vmem>> -> memref<8x128xf32, #tpu.memory_space<vmem>>
          tpu.wait_dma2 semaphore(%arg13 : memref<!tpu.dma_semaphore, #tpu.memory_space<semaphore_mem>>) src(%dma_wait3A_299 : memref<8x128xf32, #tpu.memory_space<vmem>>) dst(%dma_wait3A_296 : memref<8x128xf32, #tpu.memory_space<hbm>>)
          %dma_wait3A_300 = arith.constant 0 : i32
          %dma_wait3A_301 = arith.constant 0 : i32
          %dma_wait3A_302 = arith.constant 0 : i32
          %dma_wait3A_303 = arith.constant 0 : i32
          %dma_wait3A_304 = arith.constant 0 : i32
          %dma_wait3A_305 = tpu.memref_slice %arg9[%dma_wait3A_303, %dma_wait3A_304] : memref<32x137xf32, #tpu.memory_space<vmem>> -> memref<8x128xf32, #tpu.memory_space<vmem>>
          %dma_wait3A_306 = arith.constant 0 : i32
          %dma_wait3A_307 = arith.constant 0 : i32
          %dma_wait3A_308 = tpu.memref_slice %arg4[%dma_wait3A_300, %dma_wait3A_301, %dma_wait3A_302, %dma_wait3A_306, %dma_wait3A_307] : memref<26x4x128x8x128xf32, #tpu.memory_space<hbm>> -> memref<1x1x1x8x128xf32, #tpu.memory_space<hbm>>
          %dma_wait3A_309 = tpu.memref_squeeze %dma_wait3A_308 : memref<1x1x1x8x128xf32, #tpu.memory_space<hbm>> -> memref<8x128xf32, #tpu.memory_space<hbm>>
          %dma_wait3A_310 = arith.constant 0 : i32
          %dma_wait3A_311 = arith.constant 0 : i32
          %dma_wait3A_312 = tpu.memref_slice %arg4[%dma_wait3A_300, %dma_wait3A_301, %dma_wait3A_302, %dma_wait3A_310, %dma_wait3A_311] : memref<26x4x128x8x128xf32, #tpu.memory_space<hbm>> -> memref<1x1x1x8x128xf32, #tpu.memory_space<hbm>>
          %dma_wait3A_313 = tpu.memref_squeeze %dma_wait3A_312 : memref<1x1x1x8x128xf32, #tpu.memory_space<hbm>> -> memref<8x128xf32, #tpu.memory_space<hbm>>
          %dma_wait3A_314 = arith.constant 0 : i32
          %dma_wait3A_315 = arith.constant 0 : i32
          %dma_wait3A_316 = tpu.memref_slice %arg9[%dma_wait3A_314, %dma_wait3A_315] : memref<32x137xf32, #tpu.memory_space<vmem>> -> memref<8x128xf32, #tpu.memory_space<vmem>>
          tpu.wait_dma2 semaphore(%arg13 : memref<!tpu.dma_semaphore, #tpu.memory_space<semaphore_mem>>) src(%dma_wait3A_316 : memref<8x128xf32, #tpu.memory_space<vmem>>) dst(%dma_wait3A_313 : memref<8x128xf32, #tpu.memory_space<hbm>>)
          %dma_wait3A_317 = arith.constant 0 : i32
          %dma_wait3A_318 = arith.constant 0 : i32
          %dma_wait3A_319 = arith.constant 0 : i32
          %dma_wait3A_320 = arith.constant 0 : i32
          %dma_wait3A_321 = arith.constant 0 : i32
          %dma_wait3A_322 = tpu.memref_slice %arg9[%dma_wait3A_320, %dma_wait3A_321] : memref<32x137xf32, #tpu.memory_space<vmem>> -> memref<8x128xf32, #tpu.memory_space<vmem>>
          %dma_wait3A_323 = arith.constant 0 : i32
          %dma_wait3A_324 = arith.constant 0 : i32
          %dma_wait3A_325 = tpu.memref_slice %arg4[%dma_wait3A_317, %dma_wait3A_318, %dma_wait3A_319, %dma_wait3A_323, %dma_wait3A_324] : memref<26x4x128x8x128xf32, #tpu.memory_space<hbm>> -> memref<1x1x1x8x128xf32, #tpu.memory_space<hbm>>
          %dma_wait3A_326 = tpu.memref_squeeze %dma_wait3A_325 : memref<1x1x1x8x128xf32, #tpu.memory_space<hbm>> -> memref<8x128xf32, #tpu.memory_space<hbm>>
          %dma_wait3A_327 = arith.constant 0 : i32
          %dma_wait3A_328 = arith.constant 0 : i32
          %dma_wait3A_329 = tpu.memref_slice %arg4[%dma_wait3A_317, %dma_wait3A_318, %dma_wait3A_319, %dma_wait3A_327, %dma_wait3A_328] : memref<26x4x128x8x128xf32, #tpu.memory_space<hbm>> -> memref<1x1x1x8x128xf32, #tpu.memory_space<hbm>>
          %dma_wait3A_330 = tpu.memref_squeeze %dma_wait3A_329 : memref<1x1x1x8x128xf32, #tpu.memory_space<hbm>> -> memref<8x128xf32, #tpu.memory_space<hbm>>
          %dma_wait3A_331 = arith.constant 0 : i32
          %dma_wait3A_332 = arith.constant 0 : i32
          %dma_wait3A_333 = tpu.memref_slice %arg9[%dma_wait3A_331, %dma_wait3A_332] : memref<32x137xf32, #tpu.memory_space<vmem>> -> memref<8x128xf32, #tpu.memory_space<vmem>>
          tpu.wait_dma2 semaphore(%arg13 : memref<!tpu.dma_semaphore, #tpu.memory_space<semaphore_mem>>) src(%dma_wait3A_333 : memref<8x128xf32, #tpu.memory_space<vmem>>) dst(%dma_wait3A_330 : memref<8x128xf32, #tpu.memory_space<hbm>>)
          %dma_wait3A_334 = arith.constant 0 : i32
          %dma_wait3A_335 = arith.constant 0 : i32
          %dma_wait3A_336 = arith.constant 0 : i32
          %dma_wait3A_337 = arith.constant 0 : i32
          %dma_wait3A_338 = arith.constant 0 : i32
          %dma_wait3A_339 = tpu.memref_slice %arg9[%dma_wait3A_337, %dma_wait3A_338] : memref<32x137xf32, #tpu.memory_space<vmem>> -> memref<8x128xf32, #tpu.memory_space<vmem>>
          %dma_wait3A_340 = arith.constant 0 : i32
          %dma_wait3A_341 = arith.constant 0 : i32
          %dma_wait3A_342 = tpu.memref_slice %arg4[%dma_wait3A_334, %dma_wait3A_335, %dma_wait3A_336, %dma_wait3A_340, %dma_wait3A_341] : memref<26x4x128x8x128xf32, #tpu.memory_space<hbm>> -> memref<1x1x1x8x128xf32, #tpu.memory_space<hbm>>
          %dma_wait3A_343 = tpu.memref_squeeze %dma_wait3A_342 : memref<1x1x1x8x128xf32, #tpu.memory_space<hbm>> -> memref<8x128xf32, #tpu.memory_space<hbm>>
          %dma_wait3A_344 = arith.constant 0 : i32
          %dma_wait3A_345 = arith.constant 0 : i32
          %dma_wait3A_346 = tpu.memref_slice %arg4[%dma_wait3A_334, %dma_wait3A_335, %dma_wait3A_336, %dma_wait3A_344, %dma_wait3A_345] : memref<26x4x128x8x128xf32, #tpu.memory_space<hbm>> -> memref<1x1x1x8x128xf32, #tpu.memory_space<hbm>>
          %dma_wait3A_347 = tpu.memref_squeeze %dma_wait3A_346 : memref<1x1x1x8x128xf32, #tpu.memory_space<hbm>> -> memref<8x128xf32, #tpu.memory_space<hbm>>
          %dma_wait3A_348 = arith.constant 0 : i32
          %dma_wait3A_349 = arith.constant 0 : i32
          %dma_wait3A_350 = tpu.memref_slice %arg9[%dma_wait3A_348, %dma_wait3A_349] : memref<32x137xf32, #tpu.memory_space<vmem>> -> memref<8x128xf32, #tpu.memory_space<vmem>>
          tpu.wait_dma2 semaphore(%arg13 : memref<!tpu.dma_semaphore, #tpu.memory_space<semaphore_mem>>) src(%dma_wait3A_350 : memref<8x128xf32, #tpu.memory_space<vmem>>) dst(%dma_wait3A_347 : memref<8x128xf32, #tpu.memory_space<hbm>>)
        } else {
        }
        %add3A_189 = arith.constant 16 : i32
        %add3A_190 = vector.broadcast %add3A_189 : i32 to vector<16xi32>
        %add3A_191 = arith.addi %add3A_190, %iota3A : vector<16xi32>
        %scan3A_192 = arith.constant 0 : i32
        %scan3A_193 = arith.constant 0 : i32
        %scan3A_194 = arith.constant 16 : i32
        %scan3A_195 = arith.addi %scan3A_193, %scan3A_194 : i32
        %scan3A_196 = arith.constant 1 : i32
        scf.for %scan3A_283 = %scan3A_193 to %scan3A_195 step %scan3A_196  : i32 {
          %mul3A_284 = arith.constant 8 : i32
          %mul3A_285 = arith.muli %scan3A_283, %mul3A_284 : i32
          %add3A_286 = arith.constant 0 : i32
          %add3A_287 = arith.addi %mul3A_285, %add3A_286 : i32
          %mul3A_288 = arith.constant 0 : i32
          %mul3A_289 = vector.broadcast %mul3A_288 : i32 to vector<16xi32>
          %mul3A_290 = arith.muli %iota3A, %mul3A_289 : vector<16xi32>
          %add3A_291 = vector.broadcast %add3A_287 : i32 to vector<16xi32>
          %add3A_292 = arith.addi %mul3A_290, %add3A_291 : vector<16xi32>
          %get3A = arith.index_cast %add3A_287 : i32 to index
          %get3A_293 = arith.constant 0 : index
          %get3A_294 = tpu.vector_load %arg7[%get3A, %get3A_293] {strides = array<i32>} : memref<128x32xf32, #tpu.memory_space<vmem>>, vector<16xf32>,
          tpu.vector_store_idx %arg9[%iota3A, %add3A_292], %get3A_294 : memref<32x137xf32, #tpu.memory_space<vmem>>[vector<16xi32>, vector<16xi32>], vector<16xf32>,
          %get3A_295 = arith.index_cast %add3A_287 : i32 to index
          %get3A_296 = arith.constant 16 : index
          %get3A_297 = tpu.vector_load %arg7[%get3A_295, %get3A_296] {strides = array<i32>} : memref<128x32xf32, #tpu.memory_space<vmem>>, vector<16xf32>,
          tpu.vector_store_idx %arg9[%add3A_191, %add3A_292], %get3A_297 : memref<32x137xf32, #tpu.memory_space<vmem>>[vector<16xi32>, vector<16xi32>], vector<16xf32>,
          %mul3A_298 = arith.constant 8 : i32
          %mul3A_299 = arith.muli %scan3A_283, %mul3A_298 : i32
          %add3A_300 = arith.constant 1 : i32
          %add3A_301 = arith.addi %mul3A_299, %add3A_300 : i32
          %mul3A_302 = arith.constant 0 : i32
          %mul3A_303 = vector.broadcast %mul3A_302 : i32 to vector<16xi32>
          %mul3A_304 = arith.muli %iota3A, %mul3A_303 : vector<16xi32>
          %add3A_305 = vector.broadcast %add3A_301 : i32 to vector<16xi32>
          %add3A_306 = arith.addi %mul3A_304, %add3A_305 : vector<16xi32>
          %get3A_307 = arith.index_cast %add3A_301 : i32 to index
          %get3A_308 = arith.constant 0 : index
          %get3A_309 = tpu.vector_load %arg7[%get3A_307, %get3A_308] {strides = array<i32>} : memref<128x32xf32, #tpu.memory_space<vmem>>, vector<16xf32>,
          tpu.vector_store_idx %arg9[%iota3A, %add3A_306], %get3A_309 : memref<32x137xf32, #tpu.memory_space<vmem>>[vector<16xi32>, vector<16xi32>], vector<16xf32>,
          %get3A_310 = arith.index_cast %add3A_301 : i32 to index
          %get3A_311 = arith.constant 16 : index
          %get3A_312 = tpu.vector_load %arg7[%get3A_310, %get3A_311] {strides = array<i32>} : memref<128x32xf32, #tpu.memory_space<vmem>>, vector<16xf32>,
          tpu.vector_store_idx %arg9[%add3A_191, %add3A_306], %get3A_312 : memref<32x137xf32, #tpu.memory_space<vmem>>[vector<16xi32>, vector<16xi32>], vector<16xf32>,
          %mul3A_313 = arith.constant 8 : i32
          %mul3A_314 = arith.muli %scan3A_283, %mul3A_313 : i32
          %add3A_315 = arith.constant 2 : i32
          %add3A_316 = arith.addi %mul3A_314, %add3A_315 : i32
          %mul3A_317 = arith.constant 0 : i32
          %mul3A_318 = vector.broadcast %mul3A_317 : i32 to vector<16xi32>
          %mul3A_319 = arith.muli %iota3A, %mul3A_318 : vector<16xi32>
          %add3A_320 = vector.broadcast %add3A_316 : i32 to vector<16xi32>
          %add3A_321 = arith.addi %mul3A_319, %add3A_320 : vector<16xi32>
          %get3A_322 = arith.index_cast %add3A_316 : i32 to index
          %get3A_323 = arith.constant 0 : index
          %get3A_324 = tpu.vector_load %arg7[%get3A_322, %get3A_323] {strides = array<i32>} : memref<128x32xf32, #tpu.memory_space<vmem>>, vector<16xf32>,
          tpu.vector_store_idx %arg9[%iota3A, %add3A_321], %get3A_324 : memref<32x137xf32, #tpu.memory_space<vmem>>[vector<16xi32>, vector<16xi32>], vector<16xf32>,
          %get3A_325 = arith.index_cast %add3A_316 : i32 to index
          %get3A_326 = arith.constant 16 : index
          %get3A_327 = tpu.vector_load %arg7[%get3A_325, %get3A_326] {strides = array<i32>} : memref<128x32xf32, #tpu.memory_space<vmem>>, vector<16xf32>,
          tpu.vector_store_idx %arg9[%add3A_191, %add3A_321], %get3A_327 : memref<32x137xf32, #tpu.memory_space<vmem>>[vector<16xi32>, vector<16xi32>], vector<16xf32>,
          %mul3A_328 = arith.constant 8 : i32
          %mul3A_329 = arith.muli %scan3A_283, %mul3A_328 : i32
          %add3A_330 = arith.constant 3 : i32
          %add3A_331 = arith.addi %mul3A_329, %add3A_330 : i32
          %mul3A_332 = arith.constant 0 : i32
          %mul3A_333 = vector.broadcast %mul3A_332 : i32 to vector<16xi32>
          %mul3A_334 = arith.muli %iota3A, %mul3A_333 : vector<16xi32>
          %add3A_335 = vector.broadcast %add3A_331 : i32 to vector<16xi32>
          %add3A_336 = arith.addi %mul3A_334, %add3A_335 : vector<16xi32>
          %get3A_337 = arith.index_cast %add3A_331 : i32 to index
          %get3A_338 = arith.constant 0 : index
          %get3A_339 = tpu.vector_load %arg7[%get3A_337, %get3A_338] {strides = array<i32>} : memref<128x32xf32, #tpu.memory_space<vmem>>, vector<16xf32>,
          tpu.vector_store_idx %arg9[%iota3A, %add3A_336], %get3A_339 : memref<32x137xf32, #tpu.memory_space<vmem>>[vector<16xi32>, vector<16xi32>], vector<16xf32>,
          %get3A_340 = arith.index_cast %add3A_331 : i32 to index
          %get3A_341 = arith.constant 16 : index
          %get3A_342 = tpu.vector_load %arg7[%get3A_340, %get3A_341] {strides = array<i32>} : memref<128x32xf32, #tpu.memory_space<vmem>>, vector<16xf32>,
          tpu.vector_store_idx %arg9[%add3A_191, %add3A_336], %get3A_342 : memref<32x137xf32, #tpu.memory_space<vmem>>[vector<16xi32>, vector<16xi32>], vector<16xf32>,
          %mul3A_343 = arith.constant 8 : i32
          %mul3A_344 = arith.muli %scan3A_283, %mul3A_343 : i32
          %add3A_345 = arith.constant 4 : i32
          %add3A_346 = arith.addi %mul3A_344, %add3A_345 : i32
          %mul3A_347 = arith.constant 0 : i32
          %mul3A_348 = vector.broadcast %mul3A_347 : i32 to vector<16xi32>
          %mul3A_349 = arith.muli %iota3A, %mul3A_348 : vector<16xi32>
          %add3A_350 = vector.broadcast %add3A_346 : i32 to vector<16xi32>
          %add3A_351 = arith.addi %mul3A_349, %add3A_350 : vector<16xi32>
          %get3A_352 = arith.index_cast %add3A_346 : i32 to index
          %get3A_353 = arith.constant 0 : index
          %get3A_354 = tpu.vector_load %arg7[%get3A_352, %get3A_353] {strides = array<i32>} : memref<128x32xf32, #tpu.memory_space<vmem>>, vector<16xf32>,
          tpu.vector_store_idx %arg9[%iota3A, %add3A_351], %get3A_354 : memref<32x137xf32, #tpu.memory_space<vmem>>[vector<16xi32>, vector<16xi32>], vector<16xf32>,
          %get3A_355 = arith.index_cast %add3A_346 : i32 to index
          %get3A_356 = arith.constant 16 : index
          %get3A_357 = tpu.vector_load %arg7[%get3A_355, %get3A_356] {strides = array<i32>} : memref<128x32xf32, #tpu.memory_space<vmem>>, vector<16xf32>,
          tpu.vector_store_idx %arg9[%add3A_191, %add3A_351], %get3A_357 : memref<32x137xf32, #tpu.memory_space<vmem>>[vector<16xi32>, vector<16xi32>], vector<16xf32>,
          %mul3A_358 = arith.constant 8 : i32
          %mul3A_359 = arith.muli %scan3A_283, %mul3A_358 : i32
          %add3A_360 = arith.constant 5 : i32
          %add3A_361 = arith.addi %mul3A_359, %add3A_360 : i32
          %mul3A_362 = arith.constant 0 : i32
          %mul3A_363 = vector.broadcast %mul3A_362 : i32 to vector<16xi32>
          %mul3A_364 = arith.muli %iota3A, %mul3A_363 : vector<16xi32>
          %add3A_365 = vector.broadcast %add3A_361 : i32 to vector<16xi32>
          %add3A_366 = arith.addi %mul3A_364, %add3A_365 : vector<16xi32>
          %get3A_367 = arith.index_cast %add3A_361 : i32 to index
          %get3A_368 = arith.constant 0 : index
          %get3A_369 = tpu.vector_load %arg7[%get3A_367, %get3A_368] {strides = array<i32>} : memref<128x32xf32, #tpu.memory_space<vmem>>, vector<16xf32>,
          tpu.vector_store_idx %arg9[%iota3A, %add3A_366], %get3A_369 : memref<32x137xf32, #tpu.memory_space<vmem>>[vector<16xi32>, vector<16xi32>], vector<16xf32>,
          %get3A_370 = arith.index_cast %add3A_361 : i32 to index
          %get3A_371 = arith.constant 16 : index
          %get3A_372 = tpu.vector_load %arg7[%get3A_370, %get3A_371] {strides = array<i32>} : memref<128x32xf32, #tpu.memory_space<vmem>>, vector<16xf32>,
          tpu.vector_store_idx %arg9[%add3A_191, %add3A_366], %get3A_372 : memref<32x137xf32, #tpu.memory_space<vmem>>[vector<16xi32>, vector<16xi32>], vector<16xf32>,
          %mul3A_373 = arith.constant 8 : i32
          %mul3A_374 = arith.muli %scan3A_283, %mul3A_373 : i32
          %add3A_375 = arith.constant 6 : i32
          %add3A_376 = arith.addi %mul3A_374, %add3A_375 : i32
          %mul3A_377 = arith.constant 0 : i32
          %mul3A_378 = vector.broadcast %mul3A_377 : i32 to vector<16xi32>
          %mul3A_379 = arith.muli %iota3A, %mul3A_378 : vector<16xi32>
          %add3A_380 = vector.broadcast %add3A_376 : i32 to vector<16xi32>
          %add3A_381 = arith.addi %mul3A_379, %add3A_380 : vector<16xi32>
          %get3A_382 = arith.index_cast %add3A_376 : i32 to index
          %get3A_383 = arith.constant 0 : index
          %get3A_384 = tpu.vector_load %arg7[%get3A_382, %get3A_383] {strides = array<i32>} : memref<128x32xf32, #tpu.memory_space<vmem>>, vector<16xf32>,
          tpu.vector_store_idx %arg9[%iota3A, %add3A_381], %get3A_384 : memref<32x137xf32, #tpu.memory_space<vmem>>[vector<16xi32>, vector<16xi32>], vector<16xf32>,
          %get3A_385 = arith.index_cast %add3A_376 : i32 to index
          %get3A_386 = arith.constant 16 : index
          %get3A_387 = tpu.vector_load %arg7[%get3A_385, %get3A_386] {strides = array<i32>} : memref<128x32xf32, #tpu.memory_space<vmem>>, vector<16xf32>,
          tpu.vector_store_idx %arg9[%add3A_191, %add3A_381], %get3A_387 : memref<32x137xf32, #tpu.memory_space<vmem>>[vector<16xi32>, vector<16xi32>], vector<16xf32>,
          %mul3A_388 = arith.constant 8 : i32
          %mul3A_389 = arith.muli %scan3A_283, %mul3A_388 : i32
          %add3A_390 = arith.constant 7 : i32
          %add3A_391 = arith.addi %mul3A_389, %add3A_390 : i32
          %mul3A_392 = arith.constant 0 : i32
          %mul3A_393 = vector.broadcast %mul3A_392 : i32 to vector<16xi32>
          %mul3A_394 = arith.muli %iota3A, %mul3A_393 : vector<16xi32>
          %add3A_395 = vector.broadcast %add3A_391 : i32 to vector<16xi32>
          %add3A_396 = arith.addi %mul3A_394, %add3A_395 : vector<16xi32>
          %get3A_397 = arith.index_cast %add3A_391 : i32 to index
          %get3A_398 = arith.constant 0 : index
          %get3A_399 = tpu.vector_load %arg7[%get3A_397, %get3A_398] {strides = array<i32>} : memref<128x32xf32, #tpu.memory_space<vmem>>, vector<16xf32>,
          tpu.vector_store_idx %arg9[%iota3A, %add3A_396], %get3A_399 : memref<32x137xf32, #tpu.memory_space<vmem>>[vector<16xi32>, vector<16xi32>], vector<16xf32>,
          %get3A_400 = arith.index_cast %add3A_391 : i32 to index
          %get3A_401 = arith.constant 16 : index
          %get3A_402 = tpu.vector_load %arg7[%get3A_400, %get3A_401] {strides = array<i32>} : memref<128x32xf32, #tpu.memory_space<vmem>>, vector<16xf32>,
          tpu.vector_store_idx %arg9[%add3A_191, %add3A_396], %get3A_402 : memref<32x137xf32, #tpu.memory_space<vmem>>[vector<16xi32>, vector<16xi32>], vector<16xf32>,
        }
        %scan3A_197 = arith.constant 16 : i32
        %add3A_198 = arith.addi %mul3A_2, %scan3A_155 : i32
        %jit3A_199 = arith.constant 128 : i32
        %div3A = arith.divsi %add3A_198, %jit3A_199 : i32
        %sign3A = arith.constant 0 : i32
        %sign3A_200 = arith.cmpi sgt, %add3A_198, %sign3A : i32
        %sign3A_201 = arith.extui %sign3A_200 : i1 to i32
        %sign3A_202 = arith.constant 0 : i32
        %sign3A_203 = arith.cmpi slt, %add3A_198, %sign3A_202 : i32
        %sign3A_204 = arith.extui %sign3A_203 : i1 to i32
        %sign3A_205 = arith.subi %sign3A_201, %sign3A_204 : i32
        %sign3A_206 = arith.constant 0 : i32
        %sign3A_207 = arith.cmpi sgt, %jit3A_199, %sign3A_206 : i32
        %sign3A_208 = arith.extui %sign3A_207 : i1 to i32
        %sign3A_209 = arith.constant 0 : i32
        %sign3A_210 = arith.cmpi slt, %jit3A_199, %sign3A_209 : i32
        %sign3A_211 = arith.extui %sign3A_210 : i1 to i32
        %sign3A_212 = arith.subi %sign3A_208, %sign3A_211 : i32
        %ne3A_213 = arith.cmpi ne, %sign3A_205, %sign3A_212 : i32
        %rem3A_214 = arith.remsi %add3A_198, %jit3A_199 : i32
        %ne3A_215 = arith.constant 0 : i32
        %ne3A_216 = arith.cmpi ne, %rem3A_214, %ne3A_215 : i32
        %and3A_217 = arith.andi %ne3A_213, %ne3A_216 : i1
        %sub3A = arith.constant 1 : i32
        %sub3A_218 = arith.subi %div3A, %sub3A : i32
        %select_n3A_219 = arith.select %and3A_217, %sub3A_218, %div3A : i32
        %mul3A_220 = arith.constant 128 : i32
        %mul3A_221 = arith.muli %select_n3A_219, %mul3A_220 : i32
        %sub3A_222 = arith.subi %add3A_198, %mul3A_221 : i32
        %dma_start3A_223 = arith.constant 0 : i32
        %dma_start3A_224 = arith.constant 0 : i32
        %dma_start3A_225 = arith.constant 0 : i32
        %dma_start3A_226 = tpu.memref_slice %arg9[%dma_start3A_224, %dma_start3A_225] : memref<32x137xf32, #tpu.memory_space<vmem>> -> memref<8x128xf32, #tpu.memory_space<vmem>>
        %dma_start3A_227 = arith.constant 0 : i32
        %dma_start3A_228 = arith.constant 0 : i32
        %dma_start3A_229 = tpu.memref_slice %arg4[%select_n3A_219, %dma_start3A_223, %sub3A_222, %dma_start3A_227, %dma_start3A_228] : memref<26x4x128x8x128xf32, #tpu.memory_space<hbm>> -> memref<1x1x1x8x128xf32, #tpu.memory_space<hbm>>
        %dma_start3A_230 = tpu.memref_squeeze %dma_start3A_229 : memref<1x1x1x8x128xf32, #tpu.memory_space<hbm>> -> memref<8x128xf32, #tpu.memory_space<hbm>>
        %dma_start3A_231 = arith.constant 0 : i32
        %dma_start3A_232 = arith.constant 0 : i32
        %dma_start3A_233 = tpu.memref_slice %arg4[%select_n3A_219, %dma_start3A_223, %sub3A_222, %dma_start3A_231, %dma_start3A_232] : memref<26x4x128x8x128xf32, #tpu.memory_space<hbm>> -> memref<1x1x1x8x128xf32, #tpu.memory_space<hbm>>
        %dma_start3A_234 = tpu.memref_squeeze %dma_start3A_233 : memref<1x1x1x8x128xf32, #tpu.memory_space<hbm>> -> memref<8x128xf32, #tpu.memory_space<hbm>>
        %dma_start3A_235 = arith.constant 0 : i32
        %dma_start3A_236 = arith.constant 0 : i32
        %dma_start3A_237 = tpu.memref_slice %arg9[%dma_start3A_235, %dma_start3A_236] : memref<32x137xf32, #tpu.memory_space<vmem>> -> memref<8x128xf32, #tpu.memory_space<vmem>>
        tpu.enqueue_dma source(%dma_start3A_237 : memref<8x128xf32, #tpu.memory_space<vmem>>) target(%dma_start3A_234 : memref<8x128xf32, #tpu.memory_space<hbm>>) target_semaphore(%arg13 : memref<!tpu.dma_semaphore, #tpu.memory_space<semaphore_mem>>)
        %dma_start3A_238 = arith.constant 1 : i32
        %dma_start3A_239 = arith.constant 8 : i32
        %dma_start3A_240 = arith.constant 0 : i32
        %dma_start3A_241 = tpu.memref_slice %arg9[%dma_start3A_239, %dma_start3A_240] : memref<32x137xf32, #tpu.memory_space<vmem>> -> memref<8x128xf32, #tpu.memory_space<vmem>>
        %dma_start3A_242 = arith.constant 0 : i32
        %dma_start3A_243 = arith.constant 0 : i32
        %dma_start3A_244 = tpu.memref_slice %arg4[%select_n3A_219, %dma_start3A_238, %sub3A_222, %dma_start3A_242, %dma_start3A_243] : memref<26x4x128x8x128xf32, #tpu.memory_space<hbm>> -> memref<1x1x1x8x128xf32, #tpu.memory_space<hbm>>
        %dma_start3A_245 = tpu.memref_squeeze %dma_start3A_244 : memref<1x1x1x8x128xf32, #tpu.memory_space<hbm>> -> memref<8x128xf32, #tpu.memory_space<hbm>>
        %dma_start3A_246 = arith.constant 0 : i32
        %dma_start3A_247 = arith.constant 0 : i32
        %dma_start3A_248 = tpu.memref_slice %arg4[%select_n3A_219, %dma_start3A_238, %sub3A_222, %dma_start3A_246, %dma_start3A_247] : memref<26x4x128x8x128xf32, #tpu.memory_space<hbm>> -> memref<1x1x1x8x128xf32, #tpu.memory_space<hbm>>
        %dma_start3A_249 = tpu.memref_squeeze %dma_start3A_248 : memref<1x1x1x8x128xf32, #tpu.memory_space<hbm>> -> memref<8x128xf32, #tpu.memory_space<hbm>>
        %dma_start3A_250 = arith.constant 8 : i32
        %dma_start3A_251 = arith.constant 0 : i32
        %dma_start3A_252 = tpu.memref_slice %arg9[%dma_start3A_250, %dma_start3A_251] : memref<32x137xf32, #tpu.memory_space<vmem>> -> memref<8x128xf32, #tpu.memory_space<vmem>>
        tpu.enqueue_dma source(%dma_start3A_252 : memref<8x128xf32, #tpu.memory_space<vmem>>) target(%dma_start3A_249 : memref<8x128xf32, #tpu.memory_space<hbm>>) target_semaphore(%arg13 : memref<!tpu.dma_semaphore, #tpu.memory_space<semaphore_mem>>)
        %dma_start3A_253 = arith.constant 2 : i32
        %dma_start3A_254 = arith.constant 16 : i32
        %dma_start3A_255 = arith.constant 0 : i32
        %dma_start3A_256 = tpu.memref_slice %arg9[%dma_start3A_254, %dma_start3A_255] : memref<32x137xf32, #tpu.memory_space<vmem>> -> memref<8x128xf32, #tpu.memory_space<vmem>>
        %dma_start3A_257 = arith.constant 0 : i32
        %dma_start3A_258 = arith.constant 0 : i32
        %dma_start3A_259 = tpu.memref_slice %arg4[%select_n3A_219, %dma_start3A_253, %sub3A_222, %dma_start3A_257, %dma_start3A_258] : memref<26x4x128x8x128xf32, #tpu.memory_space<hbm>> -> memref<1x1x1x8x128xf32, #tpu.memory_space<hbm>>
        %dma_start3A_260 = tpu.memref_squeeze %dma_start3A_259 : memref<1x1x1x8x128xf32, #tpu.memory_space<hbm>> -> memref<8x128xf32, #tpu.memory_space<hbm>>
        %dma_start3A_261 = arith.constant 0 : i32
        %dma_start3A_262 = arith.constant 0 : i32
        %dma_start3A_263 = tpu.memref_slice %arg4[%select_n3A_219, %dma_start3A_253, %sub3A_222, %dma_start3A_261, %dma_start3A_262] : memref<26x4x128x8x128xf32, #tpu.memory_space<hbm>> -> memref<1x1x1x8x128xf32, #tpu.memory_space<hbm>>
        %dma_start3A_264 = tpu.memref_squeeze %dma_start3A_263 : memref<1x1x1x8x128xf32, #tpu.memory_space<hbm>> -> memref<8x128xf32, #tpu.memory_space<hbm>>
        %dma_start3A_265 = arith.constant 16 : i32
        %dma_start3A_266 = arith.constant 0 : i32
        %dma_start3A_267 = tpu.memref_slice %arg9[%dma_start3A_265, %dma_start3A_266] : memref<32x137xf32, #tpu.memory_space<vmem>> -> memref<8x128xf32, #tpu.memory_space<vmem>>
        tpu.enqueue_dma source(%dma_start3A_267 : memref<8x128xf32, #tpu.memory_space<vmem>>) target(%dma_start3A_264 : memref<8x128xf32, #tpu.memory_space<hbm>>) target_semaphore(%arg13 : memref<!tpu.dma_semaphore, #tpu.memory_space<semaphore_mem>>)
        %dma_start3A_268 = arith.constant 3 : i32
        %dma_start3A_269 = arith.constant 24 : i32
        %dma_start3A_270 = arith.constant 0 : i32
        %dma_start3A_271 = tpu.memref_slice %arg9[%dma_start3A_269, %dma_start3A_270] : memref<32x137xf32, #tpu.memory_space<vmem>> -> memref<8x128xf32, #tpu.memory_space<vmem>>
        %dma_start3A_272 = arith.constant 0 : i32
        %dma_start3A_273 = arith.constant 0 : i32
        %dma_start3A_274 = tpu.memref_slice %arg4[%select_n3A_219, %dma_start3A_268, %sub3A_222, %dma_start3A_272, %dma_start3A_273] : memref<26x4x128x8x128xf32, #tpu.memory_space<hbm>> -> memref<1x1x1x8x128xf32, #tpu.memory_space<hbm>>
        %dma_start3A_275 = tpu.memref_squeeze %dma_start3A_274 : memref<1x1x1x8x128xf32, #tpu.memory_space<hbm>> -> memref<8x128xf32, #tpu.memory_space<hbm>>
        %dma_start3A_276 = arith.constant 0 : i32
        %dma_start3A_277 = arith.constant 0 : i32
        %dma_start3A_278 = tpu.memref_slice %arg4[%select_n3A_219, %dma_start3A_268, %sub3A_222, %dma_start3A_276, %dma_start3A_277] : memref<26x4x128x8x128xf32, #tpu.memory_space<hbm>> -> memref<1x1x1x8x128xf32, #tpu.memory_space<hbm>>
        %dma_start3A_279 = tpu.memref_squeeze %dma_start3A_278 : memref<1x1x1x8x128xf32, #tpu.memory_space<hbm>> -> memref<8x128xf32, #tpu.memory_space<hbm>>
        %dma_start3A_280 = arith.constant 24 : i32
        %dma_start3A_281 = arith.constant 0 : i32
        %dma_start3A_282 = tpu.memref_slice %arg9[%dma_start3A_280, %dma_start3A_281] : memref<32x137xf32, #tpu.memory_space<vmem>> -> memref<8x128xf32, #tpu.memory_space<vmem>>
        tpu.enqueue_dma source(%dma_start3A_282 : memref<8x128xf32, #tpu.memory_space<vmem>>) target(%dma_start3A_279 : memref<8x128xf32, #tpu.memory_space<hbm>>) target_semaphore(%arg13 : memref<!tpu.dma_semaphore, #tpu.memory_space<semaphore_mem>>)
      } else {
      }
    }
    %scan3A_19 = arith.constant 104 : i32
    %dma_wait3A = arith.constant 0 : i32
    %dma_wait3A_20 = arith.constant 0 : i32
    %dma_wait3A_21 = arith.constant 0 : i32
    %dma_wait3A_22 = arith.constant 0 : i32
    %dma_wait3A_23 = arith.constant 0 : i32
    %dma_wait3A_24 = tpu.memref_slice %arg8[%dma_wait3A_22, %dma_wait3A_23] : memref<32x137xf32, #tpu.memory_space<vmem>> -> memref<8x128xf32, #tpu.memory_space<vmem>>
    %dma_wait3A_25 = arith.constant 0 : i32
    %dma_wait3A_26 = arith.constant 0 : i32
    %dma_wait3A_27 = tpu.memref_slice %arg4[%dma_wait3A, %dma_wait3A_20, %dma_wait3A_21, %dma_wait3A_25, %dma_wait3A_26] : memref<26x4x128x8x128xf32, #tpu.memory_space<hbm>> -> memref<1x1x1x8x128xf32, #tpu.memory_space<hbm>>
    %dma_wait3A_28 = tpu.memref_squeeze %dma_wait3A_27 : memref<1x1x1x8x128xf32, #tpu.memory_space<hbm>> -> memref<8x128xf32, #tpu.memory_space<hbm>>
    %dma_wait3A_29 = arith.constant 0 : i32
    %dma_wait3A_30 = arith.constant 0 : i32
    %dma_wait3A_31 = tpu.memref_slice %arg4[%dma_wait3A, %dma_wait3A_20, %dma_wait3A_21, %dma_wait3A_29, %dma_wait3A_30] : memref<26x4x128x8x128xf32, #tpu.memory_space<hbm>> -> memref<1x1x1x8x128xf32, #tpu.memory_space<hbm>>
    %dma_wait3A_32 = tpu.memref_squeeze %dma_wait3A_31 : memref<1x1x1x8x128xf32, #tpu.memory_space<hbm>> -> memref<8x128xf32, #tpu.memory_space<hbm>>
    %dma_wait3A_33 = arith.constant 0 : i32
    %dma_wait3A_34 = arith.constant 0 : i32
    %dma_wait3A_35 = tpu.memref_slice %arg8[%dma_wait3A_33, %dma_wait3A_34] : memref<32x137xf32, #tpu.memory_space<vmem>> -> memref<8x128xf32, #tpu.memory_space<vmem>>
    tpu.wait_dma2 semaphore(%arg12 : memref<!tpu.dma_semaphore, #tpu.memory_space<semaphore_mem>>) src(%dma_wait3A_35 : memref<8x128xf32, #tpu.memory_space<vmem>>) dst(%dma_wait3A_32 : memref<8x128xf32, #tpu.memory_space<hbm>>)
    %dma_wait3A_36 = arith.constant 0 : i32
    %dma_wait3A_37 = arith.constant 0 : i32
    %dma_wait3A_38 = arith.constant 0 : i32
    %dma_wait3A_39 = arith.constant 0 : i32
    %dma_wait3A_40 = arith.constant 0 : i32
    %dma_wait3A_41 = tpu.memref_slice %arg8[%dma_wait3A_39, %dma_wait3A_40] : memref<32x137xf32, #tpu.memory_space<vmem>> -> memref<8x128xf32, #tpu.memory_space<vmem>>
    %dma_wait3A_42 = arith.constant 0 : i32
    %dma_wait3A_43 = arith.constant 0 : i32
    %dma_wait3A_44 = tpu.memref_slice %arg4[%dma_wait3A_36, %dma_wait3A_37, %dma_wait3A_38, %dma_wait3A_42, %dma_wait3A_43] : memref<26x4x128x8x128xf32, #tpu.memory_space<hbm>> -> memref<1x1x1x8x128xf32, #tpu.memory_space<hbm>>
    %dma_wait3A_45 = tpu.memref_squeeze %dma_wait3A_44 : memref<1x1x1x8x128xf32, #tpu.memory_space<hbm>> -> memref<8x128xf32, #tpu.memory_space<hbm>>
    %dma_wait3A_46 = arith.constant 0 : i32
    %dma_wait3A_47 = arith.constant 0 : i32
    %dma_wait3A_48 = tpu.memref_slice %arg4[%dma_wait3A_36, %dma_wait3A_37, %dma_wait3A_38, %dma_wait3A_46, %dma_wait3A_47] : memref<26x4x128x8x128xf32, #tpu.memory_space<hbm>> -> memref<1x1x1x8x128xf32, #tpu.memory_space<hbm>>
    %dma_wait3A_49 = tpu.memref_squeeze %dma_wait3A_48 : memref<1x1x1x8x128xf32, #tpu.memory_space<hbm>> -> memref<8x128xf32, #tpu.memory_space<hbm>>
    %dma_wait3A_50 = arith.constant 0 : i32
    %dma_wait3A_51 = arith.constant 0 : i32
    %dma_wait3A_52 = tpu.memref_slice %arg8[%dma_wait3A_50, %dma_wait3A_51] : memref<32x137xf32, #tpu.memory_space<vmem>> -> memref<8x128xf32, #tpu.memory_space<vmem>>
    tpu.wait_dma2 semaphore(%arg12 : memref<!tpu.dma_semaphore, #tpu.memory_space<semaphore_mem>>) src(%dma_wait3A_52 : memref<8x128xf32, #tpu.memory_space<vmem>>) dst(%dma_wait3A_49 : memref<8x128xf32, #tpu.memory_space<hbm>>)
    %dma_wait3A_53 = arith.constant 0 : i32
    %dma_wait3A_54 = arith.constant 0 : i32
    %dma_wait3A_55 = arith.constant 0 : i32
    %dma_wait3A_56 = arith.constant 0 : i32
    %dma_wait3A_57 = arith.constant 0 : i32
    %dma_wait3A_58 = tpu.memref_slice %arg8[%dma_wait3A_56, %dma_wait3A_57] : memref<32x137xf32, #tpu.memory_space<vmem>> -> memref<8x128xf32, #tpu.memory_space<vmem>>
    %dma_wait3A_59 = arith.constant 0 : i32
    %dma_wait3A_60 = arith.constant 0 : i32
    %dma_wait3A_61 = tpu.memref_slice %arg4[%dma_wait3A_53, %dma_wait3A_54, %dma_wait3A_55, %dma_wait3A_59, %dma_wait3A_60] : memref<26x4x128x8x128xf32, #tpu.memory_space<hbm>> -> memref<1x1x1x8x128xf32, #tpu.memory_space<hbm>>
    %dma_wait3A_62 = tpu.memref_squeeze %dma_wait3A_61 : memref<1x1x1x8x128xf32, #tpu.memory_space<hbm>> -> memref<8x128xf32, #tpu.memory_space<hbm>>
    %dma_wait3A_63 = arith.constant 0 : i32
    %dma_wait3A_64 = arith.constant 0 : i32
    %dma_wait3A_65 = tpu.memref_slice %arg4[%dma_wait3A_53, %dma_wait3A_54, %dma_wait3A_55, %dma_wait3A_63, %dma_wait3A_64] : memref<26x4x128x8x128xf32, #tpu.memory_space<hbm>> -> memref<1x1x1x8x128xf32, #tpu.memory_space<hbm>>
    %dma_wait3A_66 = tpu.memref_squeeze %dma_wait3A_65 : memref<1x1x1x8x128xf32, #tpu.memory_space<hbm>> -> memref<8x128xf32, #tpu.memory_space<hbm>>
    %dma_wait3A_67 = arith.constant 0 : i32
    %dma_wait3A_68 = arith.constant 0 : i32
    %dma_wait3A_69 = tpu.memref_slice %arg8[%dma_wait3A_67, %dma_wait3A_68] : memref<32x137xf32, #tpu.memory_space<vmem>> -> memref<8x128xf32, #tpu.memory_space<vmem>>
    tpu.wait_dma2 semaphore(%arg12 : memref<!tpu.dma_semaphore, #tpu.memory_space<semaphore_mem>>) src(%dma_wait3A_69 : memref<8x128xf32, #tpu.memory_space<vmem>>) dst(%dma_wait3A_66 : memref<8x128xf32, #tpu.memory_space<hbm>>)
    %dma_wait3A_70 = arith.constant 0 : i32
    %dma_wait3A_71 = arith.constant 0 : i32
    %dma_wait3A_72 = arith.constant 0 : i32
    %dma_wait3A_73 = arith.constant 0 : i32
    %dma_wait3A_74 = arith.constant 0 : i32
    %dma_wait3A_75 = tpu.memref_slice %arg8[%dma_wait3A_73, %dma_wait3A_74] : memref<32x137xf32, #tpu.memory_space<vmem>> -> memref<8x128xf32, #tpu.memory_space<vmem>>
    %dma_wait3A_76 = arith.constant 0 : i32
    %dma_wait3A_77 = arith.constant 0 : i32
    %dma_wait3A_78 = tpu.memref_slice %arg4[%dma_wait3A_70, %dma_wait3A_71, %dma_wait3A_72, %dma_wait3A_76, %dma_wait3A_77] : memref<26x4x128x8x128xf32, #tpu.memory_space<hbm>> -> memref<1x1x1x8x128xf32, #tpu.memory_space<hbm>>
    %dma_wait3A_79 = tpu.memref_squeeze %dma_wait3A_78 : memref<1x1x1x8x128xf32, #tpu.memory_space<hbm>> -> memref<8x128xf32, #tpu.memory_space<hbm>>
    %dma_wait3A_80 = arith.constant 0 : i32
    %dma_wait3A_81 = arith.constant 0 : i32
    %dma_wait3A_82 = tpu.memref_slice %arg4[%dma_wait3A_70, %dma_wait3A_71, %dma_wait3A_72, %dma_wait3A_80, %dma_wait3A_81] : memref<26x4x128x8x128xf32, #tpu.memory_space<hbm>> -> memref<1x1x1x8x128xf32, #tpu.memory_space<hbm>>
    %dma_wait3A_83 = tpu.memref_squeeze %dma_wait3A_82 : memref<1x1x1x8x128xf32, #tpu.memory_space<hbm>> -> memref<8x128xf32, #tpu.memory_space<hbm>>
    %dma_wait3A_84 = arith.constant 0 : i32
    %dma_wait3A_85 = arith.constant 0 : i32
    %dma_wait3A_86 = tpu.memref_slice %arg8[%dma_wait3A_84, %dma_wait3A_85] : memref<32x137xf32, #tpu.memory_space<vmem>> -> memref<8x128xf32, #tpu.memory_space<vmem>>
    tpu.wait_dma2 semaphore(%arg12 : memref<!tpu.dma_semaphore, #tpu.memory_space<semaphore_mem>>) src(%dma_wait3A_86 : memref<8x128xf32, #tpu.memory_space<vmem>>) dst(%dma_wait3A_83 : memref<8x128xf32, #tpu.memory_space<hbm>>)
    %dma_wait3A_87 = arith.constant 0 : i32
    %dma_wait3A_88 = arith.constant 0 : i32
    %dma_wait3A_89 = arith.constant 0 : i32
    %dma_wait3A_90 = arith.constant 0 : i32
    %dma_wait3A_91 = arith.constant 0 : i32
    %dma_wait3A_92 = tpu.memref_slice %arg9[%dma_wait3A_90, %dma_wait3A_91] : memref<32x137xf32, #tpu.memory_space<vmem>> -> memref<8x128xf32, #tpu.memory_space<vmem>>
    %dma_wait3A_93 = arith.constant 0 : i32
    %dma_wait3A_94 = arith.constant 0 : i32
    %dma_wait3A_95 = tpu.memref_slice %arg4[%dma_wait3A_87, %dma_wait3A_88, %dma_wait3A_89, %dma_wait3A_93, %dma_wait3A_94] : memref<26x4x128x8x128xf32, #tpu.memory_space<hbm>> -> memref<1x1x1x8x128xf32, #tpu.memory_space<hbm>>
    %dma_wait3A_96 = tpu.memref_squeeze %dma_wait3A_95 : memref<1x1x1x8x128xf32, #tpu.memory_space<hbm>> -> memref<8x128xf32, #tpu.memory_space<hbm>>
    %dma_wait3A_97 = arith.constant 0 : i32
    %dma_wait3A_98 = arith.constant 0 : i32
    %dma_wait3A_99 = tpu.memref_slice %arg4[%dma_wait3A_87, %dma_wait3A_88, %dma_wait3A_89, %dma_wait3A_97, %dma_wait3A_98] : memref<26x4x128x8x128xf32, #tpu.memory_space<hbm>> -> memref<1x1x1x8x128xf32, #tpu.memory_space<hbm>>
    %dma_wait3A_100 = tpu.memref_squeeze %dma_wait3A_99 : memref<1x1x1x8x128xf32, #tpu.memory_space<hbm>> -> memref<8x128xf32, #tpu.memory_space<hbm>>
    %dma_wait3A_101 = arith.constant 0 : i32
    %dma_wait3A_102 = arith.constant 0 : i32
    %dma_wait3A_103 = tpu.memref_slice %arg9[%dma_wait3A_101, %dma_wait3A_102] : memref<32x137xf32, #tpu.memory_space<vmem>> -> memref<8x128xf32, #tpu.memory_space<vmem>>
    tpu.wait_dma2 semaphore(%arg13 : memref<!tpu.dma_semaphore, #tpu.memory_space<semaphore_mem>>) src(%dma_wait3A_103 : memref<8x128xf32, #tpu.memory_space<vmem>>) dst(%dma_wait3A_100 : memref<8x128xf32, #tpu.memory_space<hbm>>)
    %dma_wait3A_104 = arith.constant 0 : i32
    %dma_wait3A_105 = arith.constant 0 : i32
    %dma_wait3A_106 = arith.constant 0 : i32
    %dma_wait3A_107 = arith.constant 0 : i32
    %dma_wait3A_108 = arith.constant 0 : i32
    %dma_wait3A_109 = tpu.memref_slice %arg9[%dma_wait3A_107, %dma_wait3A_108] : memref<32x137xf32, #tpu.memory_space<vmem>> -> memref<8x128xf32, #tpu.memory_space<vmem>>
    %dma_wait3A_110 = arith.constant 0 : i32
    %dma_wait3A_111 = arith.constant 0 : i32
    %dma_wait3A_112 = tpu.memref_slice %arg4[%dma_wait3A_104, %dma_wait3A_105, %dma_wait3A_106, %dma_wait3A_110, %dma_wait3A_111] : memref<26x4x128x8x128xf32, #tpu.memory_space<hbm>> -> memref<1x1x1x8x128xf32, #tpu.memory_space<hbm>>
    %dma_wait3A_113 = tpu.memref_squeeze %dma_wait3A_112 : memref<1x1x1x8x128xf32, #tpu.memory_space<hbm>> -> memref<8x128xf32, #tpu.memory_space<hbm>>
    %dma_wait3A_114 = arith.constant 0 : i32
    %dma_wait3A_115 = arith.constant 0 : i32
    %dma_wait3A_116 = tpu.memref_slice %arg4[%dma_wait3A_104, %dma_wait3A_105, %dma_wait3A_106, %dma_wait3A_114, %dma_wait3A_115] : memref<26x4x128x8x128xf32, #tpu.memory_space<hbm>> -> memref<1x1x1x8x128xf32, #tpu.memory_space<hbm>>
    %dma_wait3A_117 = tpu.memref_squeeze %dma_wait3A_116 : memref<1x1x1x8x128xf32, #tpu.memory_space<hbm>> -> memref<8x128xf32, #tpu.memory_space<hbm>>
    %dma_wait3A_118 = arith.constant 0 : i32
    %dma_wait3A_119 = arith.constant 0 : i32
    %dma_wait3A_120 = tpu.memref_slice %arg9[%dma_wait3A_118, %dma_wait3A_119] : memref<32x137xf32, #tpu.memory_space<vmem>> -> memref<8x128xf32, #tpu.memory_space<vmem>>
    tpu.wait_dma2 semaphore(%arg13 : memref<!tpu.dma_semaphore, #tpu.memory_space<semaphore_mem>>) src(%dma_wait3A_120 : memref<8x128xf32, #tpu.memory_space<vmem>>) dst(%dma_wait3A_117 : memref<8x128xf32, #tpu.memory_space<hbm>>)
    %dma_wait3A_121 = arith.constant 0 : i32
    %dma_wait3A_122 = arith.constant 0 : i32
    %dma_wait3A_123 = arith.constant 0 : i32
    %dma_wait3A_124 = arith.constant 0 : i32
    %dma_wait3A_125 = arith.constant 0 : i32
    %dma_wait3A_126 = tpu.memref_slice %arg9[%dma_wait3A_124, %dma_wait3A_125] : memref<32x137xf32, #tpu.memory_space<vmem>> -> memref<8x128xf32, #tpu.memory_space<vmem>>
    %dma_wait3A_127 = arith.constant 0 : i32
    %dma_wait3A_128 = arith.constant 0 : i32
    %dma_wait3A_129 = tpu.memref_slice %arg4[%dma_wait3A_121, %dma_wait3A_122, %dma_wait3A_123, %dma_wait3A_127, %dma_wait3A_128] : memref<26x4x128x8x128xf32, #tpu.memory_space<hbm>> -> memref<1x1x1x8x128xf32, #tpu.memory_space<hbm>>
    %dma_wait3A_130 = tpu.memref_squeeze %dma_wait3A_129 : memref<1x1x1x8x128xf32, #tpu.memory_space<hbm>> -> memref<8x128xf32, #tpu.memory_space<hbm>>
    %dma_wait3A_131 = arith.constant 0 : i32
    %dma_wait3A_132 = arith.constant 0 : i32
    %dma_wait3A_133 = tpu.memref_slice %arg4[%dma_wait3A_121, %dma_wait3A_122, %dma_wait3A_123, %dma_wait3A_131, %dma_wait3A_132] : memref<26x4x128x8x128xf32, #tpu.memory_space<hbm>> -> memref<1x1x1x8x128xf32, #tpu.memory_space<hbm>>
    %dma_wait3A_134 = tpu.memref_squeeze %dma_wait3A_133 : memref<1x1x1x8x128xf32, #tpu.memory_space<hbm>> -> memref<8x128xf32, #tpu.memory_space<hbm>>
    %dma_wait3A_135 = arith.constant 0 : i32
    %dma_wait3A_136 = arith.constant 0 : i32
    %dma_wait3A_137 = tpu.memref_slice %arg9[%dma_wait3A_135, %dma_wait3A_136] : memref<32x137xf32, #tpu.memory_space<vmem>> -> memref<8x128xf32, #tpu.memory_space<vmem>>
    tpu.wait_dma2 semaphore(%arg13 : memref<!tpu.dma_semaphore, #tpu.memory_space<semaphore_mem>>) src(%dma_wait3A_137 : memref<8x128xf32, #tpu.memory_space<vmem>>) dst(%dma_wait3A_134 : memref<8x128xf32, #tpu.memory_space<hbm>>)
    %dma_wait3A_138 = arith.constant 0 : i32
    %dma_wait3A_139 = arith.constant 0 : i32
    %dma_wait3A_140 = arith.constant 0 : i32
    %dma_wait3A_141 = arith.constant 0 : i32
    %dma_wait3A_142 = arith.constant 0 : i32
    %dma_wait3A_143 = tpu.memref_slice %arg9[%dma_wait3A_141, %dma_wait3A_142] : memref<32x137xf32, #tpu.memory_space<vmem>> -> memref<8x128xf32, #tpu.memory_space<vmem>>
    %dma_wait3A_144 = arith.constant 0 : i32
    %dma_wait3A_145 = arith.constant 0 : i32
    %dma_wait3A_146 = tpu.memref_slice %arg4[%dma_wait3A_138, %dma_wait3A_139, %dma_wait3A_140, %dma_wait3A_144, %dma_wait3A_145] : memref<26x4x128x8x128xf32, #tpu.memory_space<hbm>> -> memref<1x1x1x8x128xf32, #tpu.memory_space<hbm>>
    %dma_wait3A_147 = tpu.memref_squeeze %dma_wait3A_146 : memref<1x1x1x8x128xf32, #tpu.memory_space<hbm>> -> memref<8x128xf32, #tpu.memory_space<hbm>>
    %dma_wait3A_148 = arith.constant 0 : i32
    %dma_wait3A_149 = arith.constant 0 : i32
    %dma_wait3A_150 = tpu.memref_slice %arg4[%dma_wait3A_138, %dma_wait3A_139, %dma_wait3A_140, %dma_wait3A_148, %dma_wait3A_149] : memref<26x4x128x8x128xf32, #tpu.memory_space<hbm>> -> memref<1x1x1x8x128xf32, #tpu.memory_space<hbm>>
    %dma_wait3A_151 = tpu.memref_squeeze %dma_wait3A_150 : memref<1x1x1x8x128xf32, #tpu.memory_space<hbm>> -> memref<8x128xf32, #tpu.memory_space<hbm>>
    %dma_wait3A_152 = arith.constant 0 : i32
    %dma_wait3A_153 = arith.constant 0 : i32
    %dma_wait3A_154 = tpu.memref_slice %arg9[%dma_wait3A_152, %dma_wait3A_153] : memref<32x137xf32, #tpu.memory_space<vmem>> -> memref<8x128xf32, #tpu.memory_space<vmem>>
    tpu.wait_dma2 semaphore(%arg13 : memref<!tpu.dma_semaphore, #tpu.memory_space<semaphore_mem>>) src(%dma_wait3A_154 : memref<8x128xf32, #tpu.memory_space<vmem>>) dst(%dma_wait3A_151 : memref<8x128xf32, #tpu.memory_space<hbm>>)
    return
  }
}

#map = affine_map<(d0, d1) -> (0, 0)>
module attributes {stable_mosaic.version = 14 : i64} {
  func.func @body(%arg0: i32, %arg1: i32, %arg2: memref<2600000x32xf32, #tpu.memory_space<hbm>>, %arg3: memref<650000x128xf32, #tpu.memory_space<hbm>>, %arg4: memref<320x32xf32, #tpu.memory_space<vmem>>, %arg5: memref<320x32xf32, #tpu.memory_space<vmem>>, %arg6: memref<80x128xf32, #tpu.memory_space<vmem>>, %arg7: memref<80x128xf32, #tpu.memory_space<vmem>>, %arg8: memref<!tpu.dma_semaphore, #tpu.memory_space<semaphore_mem>>, %arg9: memref<!tpu.dma_semaphore, #tpu.memory_space<semaphore_mem>>, %arg10: memref<!tpu.dma_semaphore, #tpu.memory_space<semaphore_mem>>, %arg11: memref<!tpu.dma_semaphore, #tpu.memory_space<semaphore_mem>>) attributes {dimension_semantics = [#tpu.dimension_semantics<core_parallel>, #tpu.dimension_semantics<subcore_parallel>], iteration_bounds = array<i64: 2, 16>, scalar_prefetch = 0 : i64, scratch_operands = 8 : i64, tpu.core_type = #tpu.core_type<sc_vector_subcore>, window_params = [{transform_indices = #map}, {transform_indices = #map}]} {
    %mul3A = arith.constant 2 : i32
    %mul3A_0 = arith.muli %arg1, %mul3A : i32
    %add3A = arith.addi %mul3A_0, %arg0 : i32
    %add3A_1 = arith.constant 0 : i32
    %add3A_2 = arith.addi %add3A, %add3A_1 : i32
    %min3A = arith.constant 8124 : i32
    %min3A_3 = arith.minsi %add3A_2, %min3A : i32
    %mul3A_4 = arith.constant 320 : i32
    %mul3A_5 = arith.muli %min3A_3, %mul3A_4 : i32
    %multiple_of3A = tpu.assume_multiple %mul3A_5, 8 : i32
    %dma_start3A = arith.constant 0 : i32
    %dma_start3A_6 = tpu.memref_slice %arg2[%multiple_of3A, %dma_start3A] : memref<2600000x32xf32, #tpu.memory_space<hbm>> -> memref<320x32xf32, #tpu.memory_space<hbm>>
    %dma_start3A_7 = arith.constant 0 : i32
    %dma_start3A_8 = tpu.memref_slice %arg2[%multiple_of3A, %dma_start3A_7] : memref<2600000x32xf32, #tpu.memory_space<hbm>> -> memref<320x32xf32, #tpu.memory_space<hbm>>
    tpu.enqueue_dma source(%dma_start3A_8 : memref<320x32xf32, #tpu.memory_space<hbm>>) target(%arg4 : memref<320x32xf32, #tpu.memory_space<vmem>>) target_semaphore(%arg8 : memref<!tpu.dma_semaphore, #tpu.memory_space<semaphore_mem>>)
    %scan3A = arith.constant 0 : i32
    %scan3A_9 = arith.constant 0 : i32
    %scan3A_10 = arith.constant 254 : i32
    %scan3A_11 = arith.addi %scan3A_9, %scan3A_10 : i32
    %scan3A_12 = arith.constant 1 : i32
    scf.for %scan3A_25 = %scan3A_9 to %scan3A_11 step %scan3A_12  : i32 {
      %jit3A = arith.constant 2 : i32
      %eq3A = arith.constant 0 : i32
      %eq3A_26 = arith.cmpi eq, %jit3A, %eq3A : i32
      %jit3A_27 = arith.constant 1 : i32
      %select_n3A = arith.select %eq3A_26, %jit3A_27, %jit3A : i32
      %rem3A = arith.remsi %scan3A_25, %select_n3A : i32
      %ne3A = arith.constant 0 : i32
      %ne3A_28 = arith.cmpi ne, %rem3A, %ne3A : i32
      %lt3A = arith.constant 0 : i32
      %lt3A_29 = arith.cmpi slt, %rem3A, %lt3A : i32
      %lt3A_30 = arith.constant 0 : i32
      %lt3A_31 = arith.cmpi slt, %select_n3A, %lt3A_30 : i32
      %ne3A_32 = arith.xori %lt3A_29, %lt3A_31 : i1
      %and3A = arith.andi %ne3A_32, %ne3A_28 : i1
      %add3A_33 = arith.addi %rem3A, %select_n3A : i32
      %select_n3A_34 = arith.select %and3A, %add3A_33, %rem3A : i32
      %eq3A_35 = arith.constant 0 : i32
      %eq3A_36 = arith.cmpi eq, %select_n3A_34, %eq3A_35 : i32
      %convert_element_type3A = arith.extui %eq3A_36 : i1 to i32
      %cond3A = arith.constant 0 : i32
      %cond3A_37 = arith.cmpi ne, %convert_element_type3A, %cond3A : i32
      scf.if %cond3A_37 {
        %dma_wait3A_42 = arith.constant 0 : i32
        %dma_wait3A_43 = arith.constant 0 : i32
        %dma_wait3A_44 = tpu.memref_slice %arg2[%dma_wait3A_42, %dma_wait3A_43] : memref<2600000x32xf32, #tpu.memory_space<hbm>> -> memref<320x32xf32, #tpu.memory_space<hbm>>
        %dma_wait3A_45 = arith.constant 0 : i32
        %dma_wait3A_46 = arith.constant 0 : i32
        %dma_wait3A_47 = tpu.memref_slice %arg2[%dma_wait3A_45, %dma_wait3A_46] : memref<2600000x32xf32, #tpu.memory_space<hbm>> -> memref<320x32xf32, #tpu.memory_space<hbm>>
        tpu.wait_dma2 semaphore(%arg8 : memref<!tpu.dma_semaphore, #tpu.memory_space<semaphore_mem>>) src(%dma_wait3A_47 : memref<320x32xf32, #tpu.memory_space<hbm>>) dst(%arg4 : memref<320x32xf32, #tpu.memory_space<vmem>>)
        %add3A_48 = arith.constant 1 : i32
        %add3A_49 = arith.addi %scan3A_25, %add3A_48 : i32
        %lt3A_50 = arith.constant 254 : i32
        %lt3A_51 = arith.cmpi slt, %add3A_49, %lt3A_50 : i32
        %convert_element_type3A_52 = arith.extui %lt3A_51 : i1 to i32
        %cond3A_53 = arith.constant 0 : i32
        %cond3A_54 = arith.cmpi ne, %convert_element_type3A_52, %cond3A_53 : i32
        scf.if %cond3A_54 {
          %add3A_98 = arith.constant 1 : i32
          %add3A_99 = arith.addi %scan3A_25, %add3A_98 : i32
          %mul3A_100 = arith.constant 32 : i32
          %mul3A_101 = arith.muli %mul3A_100, %add3A_99 : i32
          %add3A_102 = arith.addi %add3A, %mul3A_101 : i32
          %min3A_103 = arith.constant 8124 : i32
          %min3A_104 = arith.minsi %add3A_102, %min3A_103 : i32
          %mul3A_105 = arith.constant 320 : i32
          %mul3A_106 = arith.muli %min3A_104, %mul3A_105 : i32
          %multiple_of3A_107 = tpu.assume_multiple %mul3A_106, 8 : i32
          %dma_start3A_108 = arith.constant 0 : i32
          %dma_start3A_109 = tpu.memref_slice %arg2[%multiple_of3A_107, %dma_start3A_108] : memref<2600000x32xf32, #tpu.memory_space<hbm>> -> memref<320x32xf32, #tpu.memory_space<hbm>>
          %dma_start3A_110 = arith.constant 0 : i32
          %dma_start3A_111 = tpu.memref_slice %arg2[%multiple_of3A_107, %dma_start3A_110] : memref<2600000x32xf32, #tpu.memory_space<hbm>> -> memref<320x32xf32, #tpu.memory_space<hbm>>
          tpu.enqueue_dma source(%dma_start3A_111 : memref<320x32xf32, #tpu.memory_space<hbm>>) target(%arg5 : memref<320x32xf32, #tpu.memory_space<vmem>>) target_semaphore(%arg9 : memref<!tpu.dma_semaphore, #tpu.memory_space<semaphore_mem>>)
        } else {
        }
        %ge3A = arith.constant 2 : i32
        %ge3A_55 = arith.cmpi sge, %scan3A_25, %ge3A : i32
        %convert_element_type3A_56 = arith.extui %ge3A_55 : i1 to i32
        %cond3A_57 = arith.constant 0 : i32
        %cond3A_58 = arith.cmpi ne, %convert_element_type3A_56, %cond3A_57 : i32
        scf.if %cond3A_58 {
          %dma_wait3A_98 = arith.constant 0 : i32
          %dma_wait3A_99 = arith.constant 0 : i32
          %dma_wait3A_100 = tpu.memref_slice %arg3[%dma_wait3A_98, %dma_wait3A_99] : memref<650000x128xf32, #tpu.memory_space<hbm>> -> memref<80x128xf32, #tpu.memory_space<hbm>>
          %dma_wait3A_101 = arith.constant 0 : i32
          %dma_wait3A_102 = arith.constant 0 : i32
          %dma_wait3A_103 = tpu.memref_slice %arg3[%dma_wait3A_101, %dma_wait3A_102] : memref<650000x128xf32, #tpu.memory_space<hbm>> -> memref<80x128xf32, #tpu.memory_space<hbm>>
          tpu.wait_dma2 semaphore(%arg10 : memref<!tpu.dma_semaphore, #tpu.memory_space<semaphore_mem>>) src(%arg6 : memref<80x128xf32, #tpu.memory_space<vmem>>) dst(%dma_wait3A_103 : memref<80x128xf32, #tpu.memory_space<hbm>>)
        } else {
        }
        %scan3A_59 = arith.constant 0 : i32
        %scan3A_60 = arith.constant 0 : i32
        %scan3A_61 = arith.constant 40 : i32
        %scan3A_62 = arith.addi %scan3A_60, %scan3A_61 : i32
        %scan3A_63 = arith.constant 1 : i32
        scf.for %scan3A_98 = %scan3A_60 to %scan3A_62 step %scan3A_63  : i32 {
          %mul3A_99 = arith.constant 2 : i32
          %mul3A_100 = arith.muli %scan3A_98, %mul3A_99 : i32
          %add3A_101 = arith.constant 0 : i32
          %add3A_102 = arith.addi %mul3A_100, %add3A_101 : i32
          %mul3A_103 = arith.constant 4 : i32
          %mul3A_104 = arith.muli %add3A_102, %mul3A_103 : i32
          %add3A_105 = arith.constant 0 : i32
          %add3A_106 = arith.addi %mul3A_104, %add3A_105 : i32
          %get3A = arith.index_cast %add3A_106 : i32 to index
          %get3A_107 = arith.constant 0 : index
          %get3A_108 = tpu.vector_load %arg4[%get3A, %get3A_107] {strides = array<i32>} : memref<320x32xf32, #tpu.memory_space<vmem>>, vector<16xf32>,
          %swap3A = arith.index_cast %add3A_102 : i32 to index
          %swap3A_109 = arith.constant 0 : index
          %swap3A_110 = tpu.vector_load %arg6[%swap3A, %swap3A_109] {strides = array<i32>} : memref<80x128xf32, #tpu.memory_space<vmem>>, vector<16xf32>,
          tpu.vector_store %arg6[%swap3A, %swap3A_109], %get3A_108 {strides = array<i32>} : memref<80x128xf32, #tpu.memory_space<vmem>>, vector<16xf32>,
          %mul3A_111 = arith.constant 4 : i32
          %mul3A_112 = arith.muli %add3A_102, %mul3A_111 : i32
          %add3A_113 = arith.constant 0 : i32
          %add3A_114 = arith.addi %mul3A_112, %add3A_113 : i32
          %get3A_115 = arith.index_cast %add3A_114 : i32 to index
          %get3A_116 = arith.constant 16 : index
          %get3A_117 = tpu.vector_load %arg4[%get3A_115, %get3A_116] {strides = array<i32>} : memref<320x32xf32, #tpu.memory_space<vmem>>, vector<16xf32>,
          %swap3A_118 = arith.index_cast %add3A_102 : i32 to index
          %swap3A_119 = arith.constant 16 : index
          %swap3A_120 = tpu.vector_load %arg6[%swap3A_118, %swap3A_119] {strides = array<i32>} : memref<80x128xf32, #tpu.memory_space<vmem>>, vector<16xf32>,
          tpu.vector_store %arg6[%swap3A_118, %swap3A_119], %get3A_117 {strides = array<i32>} : memref<80x128xf32, #tpu.memory_space<vmem>>, vector<16xf32>,
          %mul3A_121 = arith.constant 4 : i32
          %mul3A_122 = arith.muli %add3A_102, %mul3A_121 : i32
          %add3A_123 = arith.constant 1 : i32
          %add3A_124 = arith.addi %mul3A_122, %add3A_123 : i32
          %get3A_125 = arith.index_cast %add3A_124 : i32 to index
          %get3A_126 = arith.constant 0 : index
          %get3A_127 = tpu.vector_load %arg4[%get3A_125, %get3A_126] {strides = array<i32>} : memref<320x32xf32, #tpu.memory_space<vmem>>, vector<16xf32>,
          %swap3A_128 = arith.index_cast %add3A_102 : i32 to index
          %swap3A_129 = arith.constant 32 : index
          %swap3A_130 = tpu.vector_load %arg6[%swap3A_128, %swap3A_129] {strides = array<i32>} : memref<80x128xf32, #tpu.memory_space<vmem>>, vector<16xf32>,
          tpu.vector_store %arg6[%swap3A_128, %swap3A_129], %get3A_127 {strides = array<i32>} : memref<80x128xf32, #tpu.memory_space<vmem>>, vector<16xf32>,
          %mul3A_131 = arith.constant 4 : i32
          %mul3A_132 = arith.muli %add3A_102, %mul3A_131 : i32
          %add3A_133 = arith.constant 1 : i32
          %add3A_134 = arith.addi %mul3A_132, %add3A_133 : i32
          %get3A_135 = arith.index_cast %add3A_134 : i32 to index
          %get3A_136 = arith.constant 16 : index
          %get3A_137 = tpu.vector_load %arg4[%get3A_135, %get3A_136] {strides = array<i32>} : memref<320x32xf32, #tpu.memory_space<vmem>>, vector<16xf32>,
          %swap3A_138 = arith.index_cast %add3A_102 : i32 to index
          %swap3A_139 = arith.constant 48 : index
          %swap3A_140 = tpu.vector_load %arg6[%swap3A_138, %swap3A_139] {strides = array<i32>} : memref<80x128xf32, #tpu.memory_space<vmem>>, vector<16xf32>,
          tpu.vector_store %arg6[%swap3A_138, %swap3A_139], %get3A_137 {strides = array<i32>} : memref<80x128xf32, #tpu.memory_space<vmem>>, vector<16xf32>,
          %mul3A_141 = arith.constant 4 : i32
          %mul3A_142 = arith.muli %add3A_102, %mul3A_141 : i32
          %add3A_143 = arith.constant 2 : i32
          %add3A_144 = arith.addi %mul3A_142, %add3A_143 : i32
          %get3A_145 = arith.index_cast %add3A_144 : i32 to index
          %get3A_146 = arith.constant 0 : index
          %get3A_147 = tpu.vector_load %arg4[%get3A_145, %get3A_146] {strides = array<i32>} : memref<320x32xf32, #tpu.memory_space<vmem>>, vector<16xf32>,
          %swap3A_148 = arith.index_cast %add3A_102 : i32 to index
          %swap3A_149 = arith.constant 64 : index
          %swap3A_150 = tpu.vector_load %arg6[%swap3A_148, %swap3A_149] {strides = array<i32>} : memref<80x128xf32, #tpu.memory_space<vmem>>, vector<16xf32>,
          tpu.vector_store %arg6[%swap3A_148, %swap3A_149], %get3A_147 {strides = array<i32>} : memref<80x128xf32, #tpu.memory_space<vmem>>, vector<16xf32>,
          %mul3A_151 = arith.constant 4 : i32
          %mul3A_152 = arith.muli %add3A_102, %mul3A_151 : i32
          %add3A_153 = arith.constant 2 : i32
          %add3A_154 = arith.addi %mul3A_152, %add3A_153 : i32
          %get3A_155 = arith.index_cast %add3A_154 : i32 to index
          %get3A_156 = arith.constant 16 : index
          %get3A_157 = tpu.vector_load %arg4[%get3A_155, %get3A_156] {strides = array<i32>} : memref<320x32xf32, #tpu.memory_space<vmem>>, vector<16xf32>,
          %swap3A_158 = arith.index_cast %add3A_102 : i32 to index
          %swap3A_159 = arith.constant 80 : index
          %swap3A_160 = tpu.vector_load %arg6[%swap3A_158, %swap3A_159] {strides = array<i32>} : memref<80x128xf32, #tpu.memory_space<vmem>>, vector<16xf32>,
          tpu.vector_store %arg6[%swap3A_158, %swap3A_159], %get3A_157 {strides = array<i32>} : memref<80x128xf32, #tpu.memory_space<vmem>>, vector<16xf32>,
          %mul3A_161 = arith.constant 4 : i32
          %mul3A_162 = arith.muli %add3A_102, %mul3A_161 : i32
          %add3A_163 = arith.constant 3 : i32
          %add3A_164 = arith.addi %mul3A_162, %add3A_163 : i32
          %get3A_165 = arith.index_cast %add3A_164 : i32 to index
          %get3A_166 = arith.constant 0 : index
          %get3A_167 = tpu.vector_load %arg4[%get3A_165, %get3A_166] {strides = array<i32>} : memref<320x32xf32, #tpu.memory_space<vmem>>, vector<16xf32>,
          %swap3A_168 = arith.index_cast %add3A_102 : i32 to index
          %swap3A_169 = arith.constant 96 : index
          %swap3A_170 = tpu.vector_load %arg6[%swap3A_168, %swap3A_169] {strides = array<i32>} : memref<80x128xf32, #tpu.memory_space<vmem>>, vector<16xf32>,
          tpu.vector_store %arg6[%swap3A_168, %swap3A_169], %get3A_167 {strides = array<i32>} : memref<80x128xf32, #tpu.memory_space<vmem>>, vector<16xf32>,
          %mul3A_171 = arith.constant 4 : i32
          %mul3A_172 = arith.muli %add3A_102, %mul3A_171 : i32
          %add3A_173 = arith.constant 3 : i32
          %add3A_174 = arith.addi %mul3A_172, %add3A_173 : i32
          %get3A_175 = arith.index_cast %add3A_174 : i32 to index
          %get3A_176 = arith.constant 16 : index
          %get3A_177 = tpu.vector_load %arg4[%get3A_175, %get3A_176] {strides = array<i32>} : memref<320x32xf32, #tpu.memory_space<vmem>>, vector<16xf32>,
          %swap3A_178 = arith.index_cast %add3A_102 : i32 to index
          %swap3A_179 = arith.constant 112 : index
          %swap3A_180 = tpu.vector_load %arg6[%swap3A_178, %swap3A_179] {strides = array<i32>} : memref<80x128xf32, #tpu.memory_space<vmem>>, vector<16xf32>,
          tpu.vector_store %arg6[%swap3A_178, %swap3A_179], %get3A_177 {strides = array<i32>} : memref<80x128xf32, #tpu.memory_space<vmem>>, vector<16xf32>,
          %mul3A_181 = arith.constant 2 : i32
          %mul3A_182 = arith.muli %scan3A_98, %mul3A_181 : i32
          %add3A_183 = arith.constant 1 : i32
          %add3A_184 = arith.addi %mul3A_182, %add3A_183 : i32
          %mul3A_185 = arith.constant 4 : i32
          %mul3A_186 = arith.muli %add3A_184, %mul3A_185 : i32
          %add3A_187 = arith.constant 0 : i32
          %add3A_188 = arith.addi %mul3A_186, %add3A_187 : i32
          %get3A_189 = arith.index_cast %add3A_188 : i32 to index
          %get3A_190 = arith.constant 0 : index
          %get3A_191 = tpu.vector_load %arg4[%get3A_189, %get3A_190] {strides = array<i32>} : memref<320x32xf32, #tpu.memory_space<vmem>>, vector<16xf32>,
          %swap3A_192 = arith.index_cast %add3A_184 : i32 to index
          %swap3A_193 = arith.constant 0 : index
          %swap3A_194 = tpu.vector_load %arg6[%swap3A_192, %swap3A_193] {strides = array<i32>} : memref<80x128xf32, #tpu.memory_space<vmem>>, vector<16xf32>,
          tpu.vector_store %arg6[%swap3A_192, %swap3A_193], %get3A_191 {strides = array<i32>} : memref<80x128xf32, #tpu.memory_space<vmem>>, vector<16xf32>,
          %mul3A_195 = arith.constant 4 : i32
          %mul3A_196 = arith.muli %add3A_184, %mul3A_195 : i32
          %add3A_197 = arith.constant 0 : i32
          %add3A_198 = arith.addi %mul3A_196, %add3A_197 : i32
          %get3A_199 = arith.index_cast %add3A_198 : i32 to index
          %get3A_200 = arith.constant 16 : index
          %get3A_201 = tpu.vector_load %arg4[%get3A_199, %get3A_200] {strides = array<i32>} : memref<320x32xf32, #tpu.memory_space<vmem>>, vector<16xf32>,
          %swap3A_202 = arith.index_cast %add3A_184 : i32 to index
          %swap3A_203 = arith.constant 16 : index
          %swap3A_204 = tpu.vector_load %arg6[%swap3A_202, %swap3A_203] {strides = array<i32>} : memref<80x128xf32, #tpu.memory_space<vmem>>, vector<16xf32>,
          tpu.vector_store %arg6[%swap3A_202, %swap3A_203], %get3A_201 {strides = array<i32>} : memref<80x128xf32, #tpu.memory_space<vmem>>, vector<16xf32>,
          %mul3A_205 = arith.constant 4 : i32
          %mul3A_206 = arith.muli %add3A_184, %mul3A_205 : i32
          %add3A_207 = arith.constant 1 : i32
          %add3A_208 = arith.addi %mul3A_206, %add3A_207 : i32
          %get3A_209 = arith.index_cast %add3A_208 : i32 to index
          %get3A_210 = arith.constant 0 : index
          %get3A_211 = tpu.vector_load %arg4[%get3A_209, %get3A_210] {strides = array<i32>} : memref<320x32xf32, #tpu.memory_space<vmem>>, vector<16xf32>,
          %swap3A_212 = arith.index_cast %add3A_184 : i32 to index
          %swap3A_213 = arith.constant 32 : index
          %swap3A_214 = tpu.vector_load %arg6[%swap3A_212, %swap3A_213] {strides = array<i32>} : memref<80x128xf32, #tpu.memory_space<vmem>>, vector<16xf32>,
          tpu.vector_store %arg6[%swap3A_212, %swap3A_213], %get3A_211 {strides = array<i32>} : memref<80x128xf32, #tpu.memory_space<vmem>>, vector<16xf32>,
          %mul3A_215 = arith.constant 4 : i32
          %mul3A_216 = arith.muli %add3A_184, %mul3A_215 : i32
          %add3A_217 = arith.constant 1 : i32
          %add3A_218 = arith.addi %mul3A_216, %add3A_217 : i32
          %get3A_219 = arith.index_cast %add3A_218 : i32 to index
          %get3A_220 = arith.constant 16 : index
          %get3A_221 = tpu.vector_load %arg4[%get3A_219, %get3A_220] {strides = array<i32>} : memref<320x32xf32, #tpu.memory_space<vmem>>, vector<16xf32>,
          %swap3A_222 = arith.index_cast %add3A_184 : i32 to index
          %swap3A_223 = arith.constant 48 : index
          %swap3A_224 = tpu.vector_load %arg6[%swap3A_222, %swap3A_223] {strides = array<i32>} : memref<80x128xf32, #tpu.memory_space<vmem>>, vector<16xf32>,
          tpu.vector_store %arg6[%swap3A_222, %swap3A_223], %get3A_221 {strides = array<i32>} : memref<80x128xf32, #tpu.memory_space<vmem>>, vector<16xf32>,
          %mul3A_225 = arith.constant 4 : i32
          %mul3A_226 = arith.muli %add3A_184, %mul3A_225 : i32
          %add3A_227 = arith.constant 2 : i32
          %add3A_228 = arith.addi %mul3A_226, %add3A_227 : i32
          %get3A_229 = arith.index_cast %add3A_228 : i32 to index
          %get3A_230 = arith.constant 0 : index
          %get3A_231 = tpu.vector_load %arg4[%get3A_229, %get3A_230] {strides = array<i32>} : memref<320x32xf32, #tpu.memory_space<vmem>>, vector<16xf32>,
          %swap3A_232 = arith.index_cast %add3A_184 : i32 to index
          %swap3A_233 = arith.constant 64 : index
          %swap3A_234 = tpu.vector_load %arg6[%swap3A_232, %swap3A_233] {strides = array<i32>} : memref<80x128xf32, #tpu.memory_space<vmem>>, vector<16xf32>,
          tpu.vector_store %arg6[%swap3A_232, %swap3A_233], %get3A_231 {strides = array<i32>} : memref<80x128xf32, #tpu.memory_space<vmem>>, vector<16xf32>,
          %mul3A_235 = arith.constant 4 : i32
          %mul3A_236 = arith.muli %add3A_184, %mul3A_235 : i32
          %add3A_237 = arith.constant 2 : i32
          %add3A_238 = arith.addi %mul3A_236, %add3A_237 : i32
          %get3A_239 = arith.index_cast %add3A_238 : i32 to index
          %get3A_240 = arith.constant 16 : index
          %get3A_241 = tpu.vector_load %arg4[%get3A_239, %get3A_240] {strides = array<i32>} : memref<320x32xf32, #tpu.memory_space<vmem>>, vector<16xf32>,
          %swap3A_242 = arith.index_cast %add3A_184 : i32 to index
          %swap3A_243 = arith.constant 80 : index
          %swap3A_244 = tpu.vector_load %arg6[%swap3A_242, %swap3A_243] {strides = array<i32>} : memref<80x128xf32, #tpu.memory_space<vmem>>, vector<16xf32>,
          tpu.vector_store %arg6[%swap3A_242, %swap3A_243], %get3A_241 {strides = array<i32>} : memref<80x128xf32, #tpu.memory_space<vmem>>, vector<16xf32>,
          %mul3A_245 = arith.constant 4 : i32
          %mul3A_246 = arith.muli %add3A_184, %mul3A_245 : i32
          %add3A_247 = arith.constant 3 : i32
          %add3A_248 = arith.addi %mul3A_246, %add3A_247 : i32
          %get3A_249 = arith.index_cast %add3A_248 : i32 to index
          %get3A_250 = arith.constant 0 : index
          %get3A_251 = tpu.vector_load %arg4[%get3A_249, %get3A_250] {strides = array<i32>} : memref<320x32xf32, #tpu.memory_space<vmem>>, vector<16xf32>,
          %swap3A_252 = arith.index_cast %add3A_184 : i32 to index
          %swap3A_253 = arith.constant 96 : index
          %swap3A_254 = tpu.vector_load %arg6[%swap3A_252, %swap3A_253] {strides = array<i32>} : memref<80x128xf32, #tpu.memory_space<vmem>>, vector<16xf32>,
          tpu.vector_store %arg6[%swap3A_252, %swap3A_253], %get3A_251 {strides = array<i32>} : memref<80x128xf32, #tpu.memory_space<vmem>>, vector<16xf32>,
          %mul3A_255 = arith.constant 4 : i32
          %mul3A_256 = arith.muli %add3A_184, %mul3A_255 : i32
          %add3A_257 = arith.constant 3 : i32
          %add3A_258 = arith.addi %mul3A_256, %add3A_257 : i32
          %get3A_259 = arith.index_cast %add3A_258 : i32 to index
          %get3A_260 = arith.constant 16 : index
          %get3A_261 = tpu.vector_load %arg4[%get3A_259, %get3A_260] {strides = array<i32>} : memref<320x32xf32, #tpu.memory_space<vmem>>, vector<16xf32>,
          %swap3A_262 = arith.index_cast %add3A_184 : i32 to index
          %swap3A_263 = arith.constant 112 : index
          %swap3A_264 = tpu.vector_load %arg6[%swap3A_262, %swap3A_263] {strides = array<i32>} : memref<80x128xf32, #tpu.memory_space<vmem>>, vector<16xf32>,
          tpu.vector_store %arg6[%swap3A_262, %swap3A_263], %get3A_261 {strides = array<i32>} : memref<80x128xf32, #tpu.memory_space<vmem>>, vector<16xf32>,
        }
        %scan3A_64 = arith.constant 40 : i32
        %mul3A_65 = arith.constant 32 : i32
        %mul3A_66 = arith.muli %mul3A_65, %scan3A_25 : i32
        %add3A_67 = arith.addi %add3A, %mul3A_66 : i32
        %min3A_68 = arith.constant 8124 : i32
        %min3A_69 = arith.minsi %add3A_67, %min3A_68 : i32
        %mul3A_70 = arith.constant 320 : i32
        %mul3A_71 = arith.muli %min3A_69, %mul3A_70 : i32
        %jit3A_72 = arith.constant 4 : i32
        %div3A = arith.divsi %mul3A_71, %jit3A_72 : i32
        %sign3A = arith.constant 0 : i32
        %sign3A_73 = arith.cmpi sgt, %mul3A_71, %sign3A : i32
        %sign3A_74 = arith.extui %sign3A_73 : i1 to i32
        %sign3A_75 = arith.constant 0 : i32
        %sign3A_76 = arith.cmpi slt, %mul3A_71, %sign3A_75 : i32
        %sign3A_77 = arith.extui %sign3A_76 : i1 to i32
        %sign3A_78 = arith.subi %sign3A_74, %sign3A_77 : i32
        %sign3A_79 = arith.constant 0 : i32
        %sign3A_80 = arith.cmpi sgt, %jit3A_72, %sign3A_79 : i32
        %sign3A_81 = arith.extui %sign3A_80 : i1 to i32
        %sign3A_82 = arith.constant 0 : i32
        %sign3A_83 = arith.cmpi slt, %jit3A_72, %sign3A_82 : i32
        %sign3A_84 = arith.extui %sign3A_83 : i1 to i32
        %sign3A_85 = arith.subi %sign3A_81, %sign3A_84 : i32
        %ne3A_86 = arith.cmpi ne, %sign3A_78, %sign3A_85 : i32
        %rem3A_87 = arith.remsi %mul3A_71, %jit3A_72 : i32
        %ne3A_88 = arith.constant 0 : i32
        %ne3A_89 = arith.cmpi ne, %rem3A_87, %ne3A_88 : i32
        %and3A_90 = arith.andi %ne3A_86, %ne3A_89 : i1
        %sub3A = arith.constant 1 : i32
        %sub3A_91 = arith.subi %div3A, %sub3A : i32
        %select_n3A_92 = arith.select %and3A_90, %sub3A_91, %div3A : i32
        %multiple_of3A_93 = tpu.assume_multiple %select_n3A_92, 8 : i32
        %dma_start3A_94 = arith.constant 0 : i32
        %dma_start3A_95 = tpu.memref_slice %arg3[%multiple_of3A_93, %dma_start3A_94] : memref<650000x128xf32, #tpu.memory_space<hbm>> -> memref<80x128xf32, #tpu.memory_space<hbm>>
        %dma_start3A_96 = arith.constant 0 : i32
        %dma_start3A_97 = tpu.memref_slice %arg3[%multiple_of3A_93, %dma_start3A_96] : memref<650000x128xf32, #tpu.memory_space<hbm>> -> memref<80x128xf32, #tpu.memory_space<hbm>>
        tpu.enqueue_dma source(%arg6 : memref<80x128xf32, #tpu.memory_space<vmem>>) target(%dma_start3A_97 : memref<80x128xf32, #tpu.memory_space<hbm>>) target_semaphore(%arg10 : memref<!tpu.dma_semaphore, #tpu.memory_space<semaphore_mem>>)
      } else {
      }
      %not3A = arith.constant true
      %not3A_38 = arith.xori %eq3A_36, %not3A : i1
      %convert_element_type3A_39 = arith.extui %not3A_38 : i1 to i32
      %cond3A_40 = arith.constant 0 : i32
      %cond3A_41 = arith.cmpi ne, %convert_element_type3A_39, %cond3A_40 : i32
      scf.if %cond3A_41 {
        %dma_wait3A_42 = arith.constant 0 : i32
        %dma_wait3A_43 = arith.constant 0 : i32
        %dma_wait3A_44 = tpu.memref_slice %arg2[%dma_wait3A_42, %dma_wait3A_43] : memref<2600000x32xf32, #tpu.memory_space<hbm>> -> memref<320x32xf32, #tpu.memory_space<hbm>>
        %dma_wait3A_45 = arith.constant 0 : i32
        %dma_wait3A_46 = arith.constant 0 : i32
        %dma_wait3A_47 = tpu.memref_slice %arg2[%dma_wait3A_45, %dma_wait3A_46] : memref<2600000x32xf32, #tpu.memory_space<hbm>> -> memref<320x32xf32, #tpu.memory_space<hbm>>
        tpu.wait_dma2 semaphore(%arg9 : memref<!tpu.dma_semaphore, #tpu.memory_space<semaphore_mem>>) src(%dma_wait3A_47 : memref<320x32xf32, #tpu.memory_space<hbm>>) dst(%arg5 : memref<320x32xf32, #tpu.memory_space<vmem>>)
        %add3A_48 = arith.constant 1 : i32
        %add3A_49 = arith.addi %scan3A_25, %add3A_48 : i32
        %lt3A_50 = arith.constant 254 : i32
        %lt3A_51 = arith.cmpi slt, %add3A_49, %lt3A_50 : i32
        %convert_element_type3A_52 = arith.extui %lt3A_51 : i1 to i32
        %cond3A_53 = arith.constant 0 : i32
        %cond3A_54 = arith.cmpi ne, %convert_element_type3A_52, %cond3A_53 : i32
        scf.if %cond3A_54 {
          %add3A_98 = arith.constant 1 : i32
          %add3A_99 = arith.addi %scan3A_25, %add3A_98 : i32
          %mul3A_100 = arith.constant 32 : i32
          %mul3A_101 = arith.muli %mul3A_100, %add3A_99 : i32
          %add3A_102 = arith.addi %add3A, %mul3A_101 : i32
          %min3A_103 = arith.constant 8124 : i32
          %min3A_104 = arith.minsi %add3A_102, %min3A_103 : i32
          %mul3A_105 = arith.constant 320 : i32
          %mul3A_106 = arith.muli %min3A_104, %mul3A_105 : i32
          %multiple_of3A_107 = tpu.assume_multiple %mul3A_106, 8 : i32
          %dma_start3A_108 = arith.constant 0 : i32
          %dma_start3A_109 = tpu.memref_slice %arg2[%multiple_of3A_107, %dma_start3A_108] : memref<2600000x32xf32, #tpu.memory_space<hbm>> -> memref<320x32xf32, #tpu.memory_space<hbm>>
          %dma_start3A_110 = arith.constant 0 : i32
          %dma_start3A_111 = tpu.memref_slice %arg2[%multiple_of3A_107, %dma_start3A_110] : memref<2600000x32xf32, #tpu.memory_space<hbm>> -> memref<320x32xf32, #tpu.memory_space<hbm>>
          tpu.enqueue_dma source(%dma_start3A_111 : memref<320x32xf32, #tpu.memory_space<hbm>>) target(%arg4 : memref<320x32xf32, #tpu.memory_space<vmem>>) target_semaphore(%arg8 : memref<!tpu.dma_semaphore, #tpu.memory_space<semaphore_mem>>)
        } else {
        }
        %ge3A = arith.constant 2 : i32
        %ge3A_55 = arith.cmpi sge, %scan3A_25, %ge3A : i32
        %convert_element_type3A_56 = arith.extui %ge3A_55 : i1 to i32
        %cond3A_57 = arith.constant 0 : i32
        %cond3A_58 = arith.cmpi ne, %convert_element_type3A_56, %cond3A_57 : i32
        scf.if %cond3A_58 {
          %dma_wait3A_98 = arith.constant 0 : i32
          %dma_wait3A_99 = arith.constant 0 : i32
          %dma_wait3A_100 = tpu.memref_slice %arg3[%dma_wait3A_98, %dma_wait3A_99] : memref<650000x128xf32, #tpu.memory_space<hbm>> -> memref<80x128xf32, #tpu.memory_space<hbm>>
          %dma_wait3A_101 = arith.constant 0 : i32
          %dma_wait3A_102 = arith.constant 0 : i32
          %dma_wait3A_103 = tpu.memref_slice %arg3[%dma_wait3A_101, %dma_wait3A_102] : memref<650000x128xf32, #tpu.memory_space<hbm>> -> memref<80x128xf32, #tpu.memory_space<hbm>>
          tpu.wait_dma2 semaphore(%arg11 : memref<!tpu.dma_semaphore, #tpu.memory_space<semaphore_mem>>) src(%arg7 : memref<80x128xf32, #tpu.memory_space<vmem>>) dst(%dma_wait3A_103 : memref<80x128xf32, #tpu.memory_space<hbm>>)
        } else {
        }
        %scan3A_59 = arith.constant 0 : i32
        %scan3A_60 = arith.constant 0 : i32
        %scan3A_61 = arith.constant 40 : i32
        %scan3A_62 = arith.addi %scan3A_60, %scan3A_61 : i32
        %scan3A_63 = arith.constant 1 : i32
        scf.for %scan3A_98 = %scan3A_60 to %scan3A_62 step %scan3A_63  : i32 {
          %mul3A_99 = arith.constant 2 : i32
          %mul3A_100 = arith.muli %scan3A_98, %mul3A_99 : i32
          %add3A_101 = arith.constant 0 : i32
          %add3A_102 = arith.addi %mul3A_100, %add3A_101 : i32
          %mul3A_103 = arith.constant 4 : i32
          %mul3A_104 = arith.muli %add3A_102, %mul3A_103 : i32
          %add3A_105 = arith.constant 0 : i32
          %add3A_106 = arith.addi %mul3A_104, %add3A_105 : i32
          %get3A = arith.index_cast %add3A_106 : i32 to index
          %get3A_107 = arith.constant 0 : index
          %get3A_108 = tpu.vector_load %arg5[%get3A, %get3A_107] {strides = array<i32>} : memref<320x32xf32, #tpu.memory_space<vmem>>, vector<16xf32>,
          %swap3A = arith.index_cast %add3A_102 : i32 to index
          %swap3A_109 = arith.constant 0 : index
          %swap3A_110 = tpu.vector_load %arg7[%swap3A, %swap3A_109] {strides = array<i32>} : memref<80x128xf32, #tpu.memory_space<vmem>>, vector<16xf32>,
          tpu.vector_store %arg7[%swap3A, %swap3A_109], %get3A_108 {strides = array<i32>} : memref<80x128xf32, #tpu.memory_space<vmem>>, vector<16xf32>,
          %mul3A_111 = arith.constant 4 : i32
          %mul3A_112 = arith.muli %add3A_102, %mul3A_111 : i32
          %add3A_113 = arith.constant 0 : i32
          %add3A_114 = arith.addi %mul3A_112, %add3A_113 : i32
          %get3A_115 = arith.index_cast %add3A_114 : i32 to index
          %get3A_116 = arith.constant 16 : index
          %get3A_117 = tpu.vector_load %arg5[%get3A_115, %get3A_116] {strides = array<i32>} : memref<320x32xf32, #tpu.memory_space<vmem>>, vector<16xf32>,
          %swap3A_118 = arith.index_cast %add3A_102 : i32 to index
          %swap3A_119 = arith.constant 16 : index
          %swap3A_120 = tpu.vector_load %arg7[%swap3A_118, %swap3A_119] {strides = array<i32>} : memref<80x128xf32, #tpu.memory_space<vmem>>, vector<16xf32>,
          tpu.vector_store %arg7[%swap3A_118, %swap3A_119], %get3A_117 {strides = array<i32>} : memref<80x128xf32, #tpu.memory_space<vmem>>, vector<16xf32>,
          %mul3A_121 = arith.constant 4 : i32
          %mul3A_122 = arith.muli %add3A_102, %mul3A_121 : i32
          %add3A_123 = arith.constant 1 : i32
          %add3A_124 = arith.addi %mul3A_122, %add3A_123 : i32
          %get3A_125 = arith.index_cast %add3A_124 : i32 to index
          %get3A_126 = arith.constant 0 : index
          %get3A_127 = tpu.vector_load %arg5[%get3A_125, %get3A_126] {strides = array<i32>} : memref<320x32xf32, #tpu.memory_space<vmem>>, vector<16xf32>,
          %swap3A_128 = arith.index_cast %add3A_102 : i32 to index
          %swap3A_129 = arith.constant 32 : index
          %swap3A_130 = tpu.vector_load %arg7[%swap3A_128, %swap3A_129] {strides = array<i32>} : memref<80x128xf32, #tpu.memory_space<vmem>>, vector<16xf32>,
          tpu.vector_store %arg7[%swap3A_128, %swap3A_129], %get3A_127 {strides = array<i32>} : memref<80x128xf32, #tpu.memory_space<vmem>>, vector<16xf32>,
          %mul3A_131 = arith.constant 4 : i32
          %mul3A_132 = arith.muli %add3A_102, %mul3A_131 : i32
          %add3A_133 = arith.constant 1 : i32
          %add3A_134 = arith.addi %mul3A_132, %add3A_133 : i32
          %get3A_135 = arith.index_cast %add3A_134 : i32 to index
          %get3A_136 = arith.constant 16 : index
          %get3A_137 = tpu.vector_load %arg5[%get3A_135, %get3A_136] {strides = array<i32>} : memref<320x32xf32, #tpu.memory_space<vmem>>, vector<16xf32>,
          %swap3A_138 = arith.index_cast %add3A_102 : i32 to index
          %swap3A_139 = arith.constant 48 : index
          %swap3A_140 = tpu.vector_load %arg7[%swap3A_138, %swap3A_139] {strides = array<i32>} : memref<80x128xf32, #tpu.memory_space<vmem>>, vector<16xf32>,
          tpu.vector_store %arg7[%swap3A_138, %swap3A_139], %get3A_137 {strides = array<i32>} : memref<80x128xf32, #tpu.memory_space<vmem>>, vector<16xf32>,
          %mul3A_141 = arith.constant 4 : i32
          %mul3A_142 = arith.muli %add3A_102, %mul3A_141 : i32
          %add3A_143 = arith.constant 2 : i32
          %add3A_144 = arith.addi %mul3A_142, %add3A_143 : i32
          %get3A_145 = arith.index_cast %add3A_144 : i32 to index
          %get3A_146 = arith.constant 0 : index
          %get3A_147 = tpu.vector_load %arg5[%get3A_145, %get3A_146] {strides = array<i32>} : memref<320x32xf32, #tpu.memory_space<vmem>>, vector<16xf32>,
          %swap3A_148 = arith.index_cast %add3A_102 : i32 to index
          %swap3A_149 = arith.constant 64 : index
          %swap3A_150 = tpu.vector_load %arg7[%swap3A_148, %swap3A_149] {strides = array<i32>} : memref<80x128xf32, #tpu.memory_space<vmem>>, vector<16xf32>,
          tpu.vector_store %arg7[%swap3A_148, %swap3A_149], %get3A_147 {strides = array<i32>} : memref<80x128xf32, #tpu.memory_space<vmem>>, vector<16xf32>,
          %mul3A_151 = arith.constant 4 : i32
          %mul3A_152 = arith.muli %add3A_102, %mul3A_151 : i32
          %add3A_153 = arith.constant 2 : i32
          %add3A_154 = arith.addi %mul3A_152, %add3A_153 : i32
          %get3A_155 = arith.index_cast %add3A_154 : i32 to index
          %get3A_156 = arith.constant 16 : index
          %get3A_157 = tpu.vector_load %arg5[%get3A_155, %get3A_156] {strides = array<i32>} : memref<320x32xf32, #tpu.memory_space<vmem>>, vector<16xf32>,
          %swap3A_158 = arith.index_cast %add3A_102 : i32 to index
          %swap3A_159 = arith.constant 80 : index
          %swap3A_160 = tpu.vector_load %arg7[%swap3A_158, %swap3A_159] {strides = array<i32>} : memref<80x128xf32, #tpu.memory_space<vmem>>, vector<16xf32>,
          tpu.vector_store %arg7[%swap3A_158, %swap3A_159], %get3A_157 {strides = array<i32>} : memref<80x128xf32, #tpu.memory_space<vmem>>, vector<16xf32>,
          %mul3A_161 = arith.constant 4 : i32
          %mul3A_162 = arith.muli %add3A_102, %mul3A_161 : i32
          %add3A_163 = arith.constant 3 : i32
          %add3A_164 = arith.addi %mul3A_162, %add3A_163 : i32
          %get3A_165 = arith.index_cast %add3A_164 : i32 to index
          %get3A_166 = arith.constant 0 : index
          %get3A_167 = tpu.vector_load %arg5[%get3A_165, %get3A_166] {strides = array<i32>} : memref<320x32xf32, #tpu.memory_space<vmem>>, vector<16xf32>,
          %swap3A_168 = arith.index_cast %add3A_102 : i32 to index
          %swap3A_169 = arith.constant 96 : index
          %swap3A_170 = tpu.vector_load %arg7[%swap3A_168, %swap3A_169] {strides = array<i32>} : memref<80x128xf32, #tpu.memory_space<vmem>>, vector<16xf32>,
          tpu.vector_store %arg7[%swap3A_168, %swap3A_169], %get3A_167 {strides = array<i32>} : memref<80x128xf32, #tpu.memory_space<vmem>>, vector<16xf32>,
          %mul3A_171 = arith.constant 4 : i32
          %mul3A_172 = arith.muli %add3A_102, %mul3A_171 : i32
          %add3A_173 = arith.constant 3 : i32
          %add3A_174 = arith.addi %mul3A_172, %add3A_173 : i32
          %get3A_175 = arith.index_cast %add3A_174 : i32 to index
          %get3A_176 = arith.constant 16 : index
          %get3A_177 = tpu.vector_load %arg5[%get3A_175, %get3A_176] {strides = array<i32>} : memref<320x32xf32, #tpu.memory_space<vmem>>, vector<16xf32>,
          %swap3A_178 = arith.index_cast %add3A_102 : i32 to index
          %swap3A_179 = arith.constant 112 : index
          %swap3A_180 = tpu.vector_load %arg7[%swap3A_178, %swap3A_179] {strides = array<i32>} : memref<80x128xf32, #tpu.memory_space<vmem>>, vector<16xf32>,
          tpu.vector_store %arg7[%swap3A_178, %swap3A_179], %get3A_177 {strides = array<i32>} : memref<80x128xf32, #tpu.memory_space<vmem>>, vector<16xf32>,
          %mul3A_181 = arith.constant 2 : i32
          %mul3A_182 = arith.muli %scan3A_98, %mul3A_181 : i32
          %add3A_183 = arith.constant 1 : i32
          %add3A_184 = arith.addi %mul3A_182, %add3A_183 : i32
          %mul3A_185 = arith.constant 4 : i32
          %mul3A_186 = arith.muli %add3A_184, %mul3A_185 : i32
          %add3A_187 = arith.constant 0 : i32
          %add3A_188 = arith.addi %mul3A_186, %add3A_187 : i32
          %get3A_189 = arith.index_cast %add3A_188 : i32 to index
          %get3A_190 = arith.constant 0 : index
          %get3A_191 = tpu.vector_load %arg5[%get3A_189, %get3A_190] {strides = array<i32>} : memref<320x32xf32, #tpu.memory_space<vmem>>, vector<16xf32>,
          %swap3A_192 = arith.index_cast %add3A_184 : i32 to index
          %swap3A_193 = arith.constant 0 : index
          %swap3A_194 = tpu.vector_load %arg7[%swap3A_192, %swap3A_193] {strides = array<i32>} : memref<80x128xf32, #tpu.memory_space<vmem>>, vector<16xf32>,
          tpu.vector_store %arg7[%swap3A_192, %swap3A_193], %get3A_191 {strides = array<i32>} : memref<80x128xf32, #tpu.memory_space<vmem>>, vector<16xf32>,
          %mul3A_195 = arith.constant 4 : i32
          %mul3A_196 = arith.muli %add3A_184, %mul3A_195 : i32
          %add3A_197 = arith.constant 0 : i32
          %add3A_198 = arith.addi %mul3A_196, %add3A_197 : i32
          %get3A_199 = arith.index_cast %add3A_198 : i32 to index
          %get3A_200 = arith.constant 16 : index
          %get3A_201 = tpu.vector_load %arg5[%get3A_199, %get3A_200] {strides = array<i32>} : memref<320x32xf32, #tpu.memory_space<vmem>>, vector<16xf32>,
          %swap3A_202 = arith.index_cast %add3A_184 : i32 to index
          %swap3A_203 = arith.constant 16 : index
          %swap3A_204 = tpu.vector_load %arg7[%swap3A_202, %swap3A_203] {strides = array<i32>} : memref<80x128xf32, #tpu.memory_space<vmem>>, vector<16xf32>,
          tpu.vector_store %arg7[%swap3A_202, %swap3A_203], %get3A_201 {strides = array<i32>} : memref<80x128xf32, #tpu.memory_space<vmem>>, vector<16xf32>,
          %mul3A_205 = arith.constant 4 : i32
          %mul3A_206 = arith.muli %add3A_184, %mul3A_205 : i32
          %add3A_207 = arith.constant 1 : i32
          %add3A_208 = arith.addi %mul3A_206, %add3A_207 : i32
          %get3A_209 = arith.index_cast %add3A_208 : i32 to index
          %get3A_210 = arith.constant 0 : index
          %get3A_211 = tpu.vector_load %arg5[%get3A_209, %get3A_210] {strides = array<i32>} : memref<320x32xf32, #tpu.memory_space<vmem>>, vector<16xf32>,
          %swap3A_212 = arith.index_cast %add3A_184 : i32 to index
          %swap3A_213 = arith.constant 32 : index
          %swap3A_214 = tpu.vector_load %arg7[%swap3A_212, %swap3A_213] {strides = array<i32>} : memref<80x128xf32, #tpu.memory_space<vmem>>, vector<16xf32>,
          tpu.vector_store %arg7[%swap3A_212, %swap3A_213], %get3A_211 {strides = array<i32>} : memref<80x128xf32, #tpu.memory_space<vmem>>, vector<16xf32>,
          %mul3A_215 = arith.constant 4 : i32
          %mul3A_216 = arith.muli %add3A_184, %mul3A_215 : i32
          %add3A_217 = arith.constant 1 : i32
          %add3A_218 = arith.addi %mul3A_216, %add3A_217 : i32
          %get3A_219 = arith.index_cast %add3A_218 : i32 to index
          %get3A_220 = arith.constant 16 : index
          %get3A_221 = tpu.vector_load %arg5[%get3A_219, %get3A_220] {strides = array<i32>} : memref<320x32xf32, #tpu.memory_space<vmem>>, vector<16xf32>,
          %swap3A_222 = arith.index_cast %add3A_184 : i32 to index
          %swap3A_223 = arith.constant 48 : index
          %swap3A_224 = tpu.vector_load %arg7[%swap3A_222, %swap3A_223] {strides = array<i32>} : memref<80x128xf32, #tpu.memory_space<vmem>>, vector<16xf32>,
          tpu.vector_store %arg7[%swap3A_222, %swap3A_223], %get3A_221 {strides = array<i32>} : memref<80x128xf32, #tpu.memory_space<vmem>>, vector<16xf32>,
          %mul3A_225 = arith.constant 4 : i32
          %mul3A_226 = arith.muli %add3A_184, %mul3A_225 : i32
          %add3A_227 = arith.constant 2 : i32
          %add3A_228 = arith.addi %mul3A_226, %add3A_227 : i32
          %get3A_229 = arith.index_cast %add3A_228 : i32 to index
          %get3A_230 = arith.constant 0 : index
          %get3A_231 = tpu.vector_load %arg5[%get3A_229, %get3A_230] {strides = array<i32>} : memref<320x32xf32, #tpu.memory_space<vmem>>, vector<16xf32>,
          %swap3A_232 = arith.index_cast %add3A_184 : i32 to index
          %swap3A_233 = arith.constant 64 : index
          %swap3A_234 = tpu.vector_load %arg7[%swap3A_232, %swap3A_233] {strides = array<i32>} : memref<80x128xf32, #tpu.memory_space<vmem>>, vector<16xf32>,
          tpu.vector_store %arg7[%swap3A_232, %swap3A_233], %get3A_231 {strides = array<i32>} : memref<80x128xf32, #tpu.memory_space<vmem>>, vector<16xf32>,
          %mul3A_235 = arith.constant 4 : i32
          %mul3A_236 = arith.muli %add3A_184, %mul3A_235 : i32
          %add3A_237 = arith.constant 2 : i32
          %add3A_238 = arith.addi %mul3A_236, %add3A_237 : i32
          %get3A_239 = arith.index_cast %add3A_238 : i32 to index
          %get3A_240 = arith.constant 16 : index
          %get3A_241 = tpu.vector_load %arg5[%get3A_239, %get3A_240] {strides = array<i32>} : memref<320x32xf32, #tpu.memory_space<vmem>>, vector<16xf32>,
          %swap3A_242 = arith.index_cast %add3A_184 : i32 to index
          %swap3A_243 = arith.constant 80 : index
          %swap3A_244 = tpu.vector_load %arg7[%swap3A_242, %swap3A_243] {strides = array<i32>} : memref<80x128xf32, #tpu.memory_space<vmem>>, vector<16xf32>,
          tpu.vector_store %arg7[%swap3A_242, %swap3A_243], %get3A_241 {strides = array<i32>} : memref<80x128xf32, #tpu.memory_space<vmem>>, vector<16xf32>,
          %mul3A_245 = arith.constant 4 : i32
          %mul3A_246 = arith.muli %add3A_184, %mul3A_245 : i32
          %add3A_247 = arith.constant 3 : i32
          %add3A_248 = arith.addi %mul3A_246, %add3A_247 : i32
          %get3A_249 = arith.index_cast %add3A_248 : i32 to index
          %get3A_250 = arith.constant 0 : index
          %get3A_251 = tpu.vector_load %arg5[%get3A_249, %get3A_250] {strides = array<i32>} : memref<320x32xf32, #tpu.memory_space<vmem>>, vector<16xf32>,
          %swap3A_252 = arith.index_cast %add3A_184 : i32 to index
          %swap3A_253 = arith.constant 96 : index
          %swap3A_254 = tpu.vector_load %arg7[%swap3A_252, %swap3A_253] {strides = array<i32>} : memref<80x128xf32, #tpu.memory_space<vmem>>, vector<16xf32>,
          tpu.vector_store %arg7[%swap3A_252, %swap3A_253], %get3A_251 {strides = array<i32>} : memref<80x128xf32, #tpu.memory_space<vmem>>, vector<16xf32>,
          %mul3A_255 = arith.constant 4 : i32
          %mul3A_256 = arith.muli %add3A_184, %mul3A_255 : i32
          %add3A_257 = arith.constant 3 : i32
          %add3A_258 = arith.addi %mul3A_256, %add3A_257 : i32
          %get3A_259 = arith.index_cast %add3A_258 : i32 to index
          %get3A_260 = arith.constant 16 : index
          %get3A_261 = tpu.vector_load %arg5[%get3A_259, %get3A_260] {strides = array<i32>} : memref<320x32xf32, #tpu.memory_space<vmem>>, vector<16xf32>,
          %swap3A_262 = arith.index_cast %add3A_184 : i32 to index
          %swap3A_263 = arith.constant 112 : index
          %swap3A_264 = tpu.vector_load %arg7[%swap3A_262, %swap3A_263] {strides = array<i32>} : memref<80x128xf32, #tpu.memory_space<vmem>>, vector<16xf32>,
          tpu.vector_store %arg7[%swap3A_262, %swap3A_263], %get3A_261 {strides = array<i32>} : memref<80x128xf32, #tpu.memory_space<vmem>>, vector<16xf32>,
        }
        %scan3A_64 = arith.constant 40 : i32
        %mul3A_65 = arith.constant 32 : i32
        %mul3A_66 = arith.muli %mul3A_65, %scan3A_25 : i32
        %add3A_67 = arith.addi %add3A, %mul3A_66 : i32
        %min3A_68 = arith.constant 8124 : i32
        %min3A_69 = arith.minsi %add3A_67, %min3A_68 : i32
        %mul3A_70 = arith.constant 320 : i32
        %mul3A_71 = arith.muli %min3A_69, %mul3A_70 : i32
        %jit3A_72 = arith.constant 4 : i32
        %div3A = arith.divsi %mul3A_71, %jit3A_72 : i32
        %sign3A = arith.constant 0 : i32
        %sign3A_73 = arith.cmpi sgt, %mul3A_71, %sign3A : i32
        %sign3A_74 = arith.extui %sign3A_73 : i1 to i32
        %sign3A_75 = arith.constant 0 : i32
        %sign3A_76 = arith.cmpi slt, %mul3A_71, %sign3A_75 : i32
        %sign3A_77 = arith.extui %sign3A_76 : i1 to i32
        %sign3A_78 = arith.subi %sign3A_74, %sign3A_77 : i32
        %sign3A_79 = arith.constant 0 : i32
        %sign3A_80 = arith.cmpi sgt, %jit3A_72, %sign3A_79 : i32
        %sign3A_81 = arith.extui %sign3A_80 : i1 to i32
        %sign3A_82 = arith.constant 0 : i32
        %sign3A_83 = arith.cmpi slt, %jit3A_72, %sign3A_82 : i32
        %sign3A_84 = arith.extui %sign3A_83 : i1 to i32
        %sign3A_85 = arith.subi %sign3A_81, %sign3A_84 : i32
        %ne3A_86 = arith.cmpi ne, %sign3A_78, %sign3A_85 : i32
        %rem3A_87 = arith.remsi %mul3A_71, %jit3A_72 : i32
        %ne3A_88 = arith.constant 0 : i32
        %ne3A_89 = arith.cmpi ne, %rem3A_87, %ne3A_88 : i32
        %and3A_90 = arith.andi %ne3A_86, %ne3A_89 : i1
        %sub3A = arith.constant 1 : i32
        %sub3A_91 = arith.subi %div3A, %sub3A : i32
        %select_n3A_92 = arith.select %and3A_90, %sub3A_91, %div3A : i32
        %multiple_of3A_93 = tpu.assume_multiple %select_n3A_92, 8 : i32
        %dma_start3A_94 = arith.constant 0 : i32
        %dma_start3A_95 = tpu.memref_slice %arg3[%multiple_of3A_93, %dma_start3A_94] : memref<650000x128xf32, #tpu.memory_space<hbm>> -> memref<80x128xf32, #tpu.memory_space<hbm>>
        %dma_start3A_96 = arith.constant 0 : i32
        %dma_start3A_97 = tpu.memref_slice %arg3[%multiple_of3A_93, %dma_start3A_96] : memref<650000x128xf32, #tpu.memory_space<hbm>> -> memref<80x128xf32, #tpu.memory_space<hbm>>
        tpu.enqueue_dma source(%arg7 : memref<80x128xf32, #tpu.memory_space<vmem>>) target(%dma_start3A_97 : memref<80x128xf32, #tpu.memory_space<hbm>>) target_semaphore(%arg11 : memref<!tpu.dma_semaphore, #tpu.memory_space<semaphore_mem>>)
      } else {
      }
    }
    %scan3A_13 = arith.constant 254 : i32
    %dma_wait3A = arith.constant 0 : i32
    %dma_wait3A_14 = arith.constant 0 : i32
    %dma_wait3A_15 = tpu.memref_slice %arg3[%dma_wait3A, %dma_wait3A_14] : memref<650000x128xf32, #tpu.memory_space<hbm>> -> memref<80x128xf32, #tpu.memory_space<hbm>>
    %dma_wait3A_16 = arith.constant 0 : i32
    %dma_wait3A_17 = arith.constant 0 : i32
    %dma_wait3A_18 = tpu.memref_slice %arg3[%dma_wait3A_16, %dma_wait3A_17] : memref<650000x128xf32, #tpu.memory_space<hbm>> -> memref<80x128xf32, #tpu.memory_space<hbm>>
    tpu.wait_dma2 semaphore(%arg10 : memref<!tpu.dma_semaphore, #tpu.memory_space<semaphore_mem>>) src(%arg6 : memref<80x128xf32, #tpu.memory_space<vmem>>) dst(%dma_wait3A_18 : memref<80x128xf32, #tpu.memory_space<hbm>>)
    %dma_wait3A_19 = arith.constant 0 : i32
    %dma_wait3A_20 = arith.constant 0 : i32
    %dma_wait3A_21 = tpu.memref_slice %arg3[%dma_wait3A_19, %dma_wait3A_20] : memref<650000x128xf32, #tpu.memory_space<hbm>> -> memref<80x128xf32, #tpu.memory_space<hbm>>
    %dma_wait3A_22 = arith.constant 0 : i32
    %dma_wait3A_23 = arith.constant 0 : i32
    %dma_wait3A_24 = tpu.memref_slice %arg3[%dma_wait3A_22, %dma_wait3A_23] : memref<650000x128xf32, #tpu.memory_space<hbm>> -> memref<80x128xf32, #tpu.memory_space<hbm>>
    tpu.wait_dma2 semaphore(%arg11 : memref<!tpu.dma_semaphore, #tpu.memory_space<semaphore_mem>>) src(%arg7 : memref<80x128xf32, #tpu.memory_space<vmem>>) dst(%dma_wait3A_24 : memref<80x128xf32, #tpu.memory_space<hbm>>)
    return
  }
}

</mosaic_0001>

<sc_bundles>
// kernel: kernel.4.cloned.1.call-start
scs
__scs_entry_jumppad:
0x0: {  	(pc) =	sbr.rel $0x88, $3  }
0x1: {  	(tag) =	ssettag $0x0;
	lr =	simm.s32 $0x1  }
0x2: {  	[smem:$0x3F9F] =	sst lr;
	_ =	strace $0xD0000000  }
0x3: {  	_ = 	snop  }
0x4: {  	_ = 	snop  }
0x5: {  	_ = 	snop  }
0x6: {  	_ = 	snop  }
0x7: {  	_ = 	snop  }
__scs_overlays_trampoline_lowered:
0x8: {  	[smem:$0x3FAE] =	sst s0  }
0x9: {  	[smem:$0x3FAF] =	sst s1  }
0xa: {  	[smem:$0x3FB0] =	sst s2  }
0xb: {  	[smem:$0x3FB1] =	sst s3  }
0xc: {  	[smem:$0x3FB2] =	sst s4  }
0xd: {  	[smem:$0x3FB3] =	sst s5  }
0xe: {  	[smem:$0x3FB4] =	sst s6  }
0xf: {  	[smem:$0x3FB5] =	sst s7  }
0x10: {  	[smem:$0x3FB6] =	sst s8  }
0x11: {  	[smem:$0x3FB7] =	sst s9;
	s0 =	simm.s32 @!p0 $0x0  }
0x12: {  	s1 =	sld [smem:$0x3F9D];
	s0 =	simm.s32 @p0 $0x1  }
0x13: {  	[smem:$0x3FB8] =	sst s0;
	s0 =	simm.s32 @!p1 $0x0  }
0x14: {  	s2 =	sld [smem:$0x3F9C];
	s0 =	simm.s32 @p1 $0x1  }
0x15: {  	[smem:$0x3FB9] =	sst s0;
	s0 =	simm.s32 @!p2 $0x0  }
0x16: {  	s3 =	sld [smem:$0x3FDB];
	s0 =	simm.s32 @p2 $0x1  }
0x17: {  	s4 =	simm.s32 $0x1BF5;
	[smem:$0x3FBB] =	sst s0  }
0x18: {  	s0 =	sld [smem:$0x3F9E];
	_ =	swait.ge [sflag:s4], $0x0  }
0x19: {  	s7 =	sld [smem:$0x3F9F]  }
0x1a: {  	s8 =	sadd.s32 $0xFFFFE003, lr  }
0x1b: {  	s9 =	sadd.s32 $0xFFFFFEF7, lr;
	s5 =	simm.s32 $0xFFFFFFFF;
	p2 =	slt.u32 s8, $0xFFFFF086  }
0x1c: {  	p1 =	slt.u32 s9, $0xF7A;
	s5 =	simm.s32 @!p2 $0x0  }
0x1d: {  	s5 =	simm.s32 @p1 $0x1;
	p0 =	seq.s32 s7, s2  }
0x1e: {  	s7 =	smul.u32 @!p0 $0xF7A, s2;
	p2 =	seq.s32 @!p0 s5, $0x0  }
0x1f: {  	s9 =	smul.u32 $0xF7A, s1;
	s8 =	simm.s32 @!p0 $0x1BF5;
	p2 =	por !p2, p0  }
0x20: {  	[sflag:s8] =	ssyncset.s32 @!p0 $0xFFFFF086;
	s6 =	sadd.s32 @!p0 s3, s7;
	s7 =	simm.s32 @!p0 $0x108  }
0x21: {  	s3 =	sadd.s32 s3, s9;
	s6 =	sadd.s32 @!p0 $0x88, s6;
	s7 =	simm.s32 @p2 $0x1082  }
0x22: {  	[simem:s7], [sflag:s8] =	dma.local @!p0 [hbm:s6], $0xF7A  }
0x23: {  	s9 =	sor.u32 $0xD0000000, s2;
	s6 =	simm.s32 $0x108;
	_ =	swait.ge @!p0 [sflag:s8], $0x0  }
0x24: {  	s3 =	sadd.s32 $0x88, s3;
	s6 =	simm.s32 @!p1 $0x1082;
	[sflag:s4] =	ssyncset.s32 $0xFFFFF086  }
0x25: {  	[simem:s6], [sflag:s4] =	dma.local [hbm:s3], $0xF7A  }
0x26: {  	[smem:$0x3F9F] =	sst s1;
	(tag) =	ssettag s2;
	_ =	strace s9  }
0x27: {  	s1 =	sld [smem:$0x3FAF]  }
0x28: {  	s2 =	sld [smem:$0x3FB0]  }
0x29: {  	s4 =	sld [smem:$0x3FB2]  }
0x2a: {  	p0 =	seq.s32 s5, $0x0;
	s5 =	sld [smem:$0x3FB3]  }
0x2b: {  	s6 =	sld [smem:$0x3FB4]  }
0x2c: {  	s7 =	sld [smem:$0x3FB5]  }
0x2d: {  	s3 =	simm.s32 $0x108;
	s8 =	sld [smem:$0x3FB6]  }
0x2e: {  	s3 =	simm.s32 @!p0 $0x1082;
	s9 =	sld [smem:$0x3FB7]  }
0x2f: {  	lr =	sadd.s32 s0, s3;
	s0 =	sld [smem:$0x3FAE]  }
0x30: {  	s3 =	sld [smem:$0x3FB1]  }
0x31: {  	[smem:$0x3FBA] =	sst s10  }
0x32: {  	s10 =	sld [smem:$0x3FB8];
	_ =	sdelay $0x3  }
0x33: {  	p0 =	seq.s32 s10, $0x1;
	s10 =	sld [smem:$0x3FBA];
	_ =	sdelay $0x3  }
0x34: {  	[smem:$0x3FBA] =	sst s10  }
0x35: {  	s10 =	sld [smem:$0x3FB9];
	_ =	sdelay $0x3  }
0x36: {  	p1 =	seq.s32 s10, $0x1;
	s10 =	sld [smem:$0x3FBA];
	_ =	sdelay $0x3  }
0x37: {  	[smem:$0x3FBA] =	sst s10  }
0x38: {  	s10 =	sld [smem:$0x3FBB]  }
0x39: {  	_ = 	snop;
	(pc) =	sbr.ind lr, $3  }
0x3a: {  	_ = 	snop  }
0x3b: {  	_ = 	snop  }
0x3c: {  	p2 =	seq.s32 s10, $0x1;
	s10 =	sld [smem:$0x3FBA]  }
0x3d: {  	_ =	shalt  }
0x3e: {  	_ =	shalt  }
0x3f: {  	_ =	shalt  }
0x40: {  	_ =	shalt  }
0x41: {  	_ =	shalt  }
0x42: {  	_ =	shalt  }
0x43: {  	_ =	shalt  }
0x44: {  	_ =	shalt  }
0x45: {  	_ =	shalt  }
0x46: {  	_ =	shalt  }
0x47: {  	_ =	shalt  }
0x48: {  	_ =	shalt  }
0x49: {  	_ =	shalt  }
0x4a: {  	_ =	shalt  }
0x4b: {  	_ =	shalt  }
0x4c: {  	_ =	shalt  }
0x4d: {  	_ =	shalt  }
0x4e: {  	_ =	shalt  }
0x4f: {  	_ =	shalt  }
0x50: {  	_ =	shalt  }
0x51: {  	_ =	shalt  }
0x52: {  	_ =	shalt  }
0x53: {  	_ =	shalt  }
0x54: {  	_ =	shalt  }
0x55: {  	_ =	shalt  }
0x56: {  	_ =	shalt  }
0x57: {  	_ =	shalt  }
0x58: {  	_ =	shalt  }
0x59: {  	_ =	shalt  }
0x5a: {  	_ =	shalt  }
0x5b: {  	_ =	shalt  }
0x5c: {  	_ =	shalt  }
0x5d: {  	_ =	shalt  }
0x5e: {  	_ =	shalt  }
0x5f: {  	_ =	shalt  }
0x60: {  	_ =	shalt  }
0x61: {  	_ =	shalt  }
0x62: {  	_ =	shalt  }
0x63: {  	_ =	shalt  }
0x64: {  	_ =	shalt  }
0x65: {  	_ =	shalt  }
0x66: {  	_ =	shalt  }
0x67: {  	_ =	shalt  }
0x68: {  	_ =	shalt  }
0x69: {  	_ =	shalt  }
0x6a: {  	_ =	shalt  }
0x6b: {  	_ =	shalt  }
0x6c: {  	_ =	shalt  }
0x6d: {  	_ =	shalt  }
0x6e: {  	_ =	shalt  }
0x6f: {  	_ =	shalt  }
0x70: {  	_ =	shalt  }
0x71: {  	_ =	shalt  }
0x72: {  	_ =	shalt  }
0x73: {  	_ =	shalt  }
0x74: {  	_ =	shalt  }
0x75: {  	_ =	shalt  }
0x76: {  	_ =	shalt  }
0x77: {  	_ =	shalt  }
0x78: {  	_ =	shalt  }
0x79: {  	_ =	shalt  }
0x7a: {  	_ =	shalt  }
0x7b: {  	_ =	shalt  }
0x7c: {  	_ =	shalt  }
0x7d: {  	_ =	shalt  }
0x7e: {  	_ =	shalt  }
0x7f: {  	_ =	shalt  }
0x80: {  	_ =	shalt  }
0x81: {  	_ =	shalt  }
0x82: {  	_ =	shalt  }
0x83: {  	_ =	shalt  }
0x84: {  	_ =	shalt  }
0x85: {  	_ =	shalt  }
0x86: {  	_ =	shalt  }
0x87: {  	_ =	shalt  }
.Lfunc_end0:
.L_simem_size_0:
called_computation_lowered:
.L_overlay_start_0:
0x88: {  	s2 =	sld [smem:$0x3FD9]  }
0x89: {  	s3 =	sld [smem:$0x3FFE];
	_ =	sdelay $0x1  }
0x8a: {  	s1 =	srdreg.scid  }
0x8b: {  	s0 =	sand.u32 $0x1, s1  }
0x8c: {  	s16 =	sshll.u32 s0, $0xA;
	s2 =	sadd.s32 s3, s2  }
0x8d: {  	s2 =	sadd.s32 s2, s16  }
0x8e: {  	[smem:$0x3FC6] =	sst s2  }
0x8f: {  	_ = 	snop  }
0x90: {  	(tm) =	ssettm $0x1  }
0x91: {  	s17 =	sld [smem:$0x3FFB];
	_ =	sdelay $0x3  }
0x92: {  	_ =	strace s17  }
0x93: {  	s2 =	sld [smem:$0x3FFC];
	_ =	sdelay $0x3  }
0x94: {  	_ =	strace s2  }
0x95: {  	s2 =	sld [smem:$0x3FFD];
	_ =	sdelay $0x3  }
0x96: {  	_ =	strace s2  }
0x97: {  	_ =	strace $0x8FFFFFFF  }
0x98: {  	s18 =	sld [smem:$0x3FDB];
	_ =	sdelay $0x1  }
0x99: {  	s19 =	simm.s32 $_scs_section_size  }
0x9a: {  	s4 =	simm.s32 $_size__tile_overlayer_lowered;
	s5 =	simm.s32 $_tile_overlayer_lowered  }
0x9b: {  	s22 =	simm.s32 $0x1BFF;
	s21 =	sshll.u32 s5, $0x1;
	s2 =	sadd.s32 s19, s18  }
0x9c: {  	s6 =	simm.s32 $0x0;
	s20 =	sshll.u32 s4, $0x1;
	s4 =	sadd.s32 s21, s2  }
0x9d: {  	[timem:s6], [sflag:s22] =	dma.local [hbm:s4], s20  }
0x9e: {  	_ =	swait.ge [sflag:s22], s20  }
0x9f: {  	s3 =	ssub.s32 $0x0, s20;
	[sflag:s22] =	ssyncset.done $0x0  }
0xa0: {  	[sflag:s22] =	ssyncadd.s32 s3;
	_ =	sdelay $0x1  }
0xa1: {  	s23 =	simm.s32 $0x1B8B  }
0xa2: {  	_ =	swait.ge [sflag:s23], $0x1  }
0xa3: {  	[sflag:s23] =	ssyncset.done $0x0  }
0xa4: {  	s25 =	simm.s32 $0x1B8E;
	s24 =	sld [smem:$0x3FFE];
	[sflag:s23] =	ssyncadd.s32 $0xFFFFFFFF  }
0xa5: {  	s26 =	simm.s32 $execute0_lowered;
	[smem:$0x3FD2] =	sst s25  }
0xa6: {  	s4 =	sshll.u32 s26, $0x1;
	_ =	strace $0x80000046;
	[dreg:$0x1] =	wrdreg $0xFFFFFFFF  }
0xa7: {  	s28 =	simm.s32 $_size_execute0_lowered;
	s2 =	sadd.s32 s2, s4;
	[dreg:$0x0] =	wrdreg $0x0  }
0xa8: {  	s4 =	sshll.u32 s28, $0x1;
	[dreg:$0x2] =	wrdreg s2  }
0xa9: {  	[dreg:$0x3] =	wrdreg s4  }
0xaa: {  	[dreg:$0x4] =	wrdreg $0xC0  }
0xab: {  	_ =	task [dreg:s6], $0x5FFFF  }
0xac: {  	[dreg:$0x1] =	wrdreg $0xFFFFFFFF  }
0xad: {  	[dreg:$0x0] =	wrdreg $0x60  }
0xae: {  	[dreg:$0x2] =	wrdreg s24  }
0xaf: {  	[dreg:$0x3] =	wrdreg $0x9  }
0xb0: {  	_ =	task.clear_ibuf [dreg:s6], $0x4FFFF;
	_ =	strace $0x90000046  }
0xb1: {  	s29 =	simm.s32 $0x9;
	_ =	strace $0x80000048  }
0xb2: {  	_ =	swait.ge [sflag:s29], $0x1  }
0xb3: {  	[sflag:s29] =	ssyncadd.s32 $0xFFFFFFFF  }
0xb4: {  	_ =	strace $0x90000048  }
0xb5: {  	_ =	sfence  }
0xb6: {  	s30 =	sld [smem:$0x0];
	_ =	sdelay $0x2  }
0xb7: {  	s31 =	sshll.u32 s1, $0xD;
	s1 =	sshrl.u32 s1, $0x2  }
0xb8: {  	s3 =	sand.u32 $0x4000, s31;
	s1 =	sadd.s32 s1, s30  }
0xb9: {  	s0 =	sor.u32 s3, s0;
	s1 =	sshll.u32 s1, $0x11  }
0xba: {  	s0 =	sor.u32 s1, s0  }
0xbb: {  	s0 =	sadd.s32 $0x8F2B, s0  }
0xbc: {  	[sflag:s0] =	ssyncadd.remote.s32 $0x1  }
0xbd: {  	_ =	sfence.sel $0xFFFF  }
0xbe: {  	[dreg:$0x0] =	wrdreg $0xFFFFFFFF;
	(pc) =	sbr.abs _section_cstart, $3  }
0xbf: {  	[dreg:$0x1] =	wrdreg $0xFFFFFFFF  }
0xc0: {  	_ =	task.clear_ibuf [dreg:s6], $0x2FFFF;
	_ =	strace $0x9FFFFFFF  }
0xc1: {  	(tm) =	ssettm $0x7FFFFFFF  }
tec
execute0_lowered:
.L_overlay_start_1:
0x0: {  	(tag) =	ssettag $0x1  }
0x1: {  	s5 =	rddreg [dreg:$0x0]  }
0x2: {  	s0 =	rddreg [dreg:$0x1]  }
0x3: {  	s3 =	srdreg.scid;
	s1 =	stileid.u32  }
0x4: {  	s2 =	simm.s32 $0x0;
	s9 =	simm.s32 $0x1;
	s10 =	simm.s32 $0xA000  }
0x5: {  	s11 =	simm.s32 $0x14000;
	s12 =	simm.s32 $0x3;
	s13 =	simm.s32 $0x4  }
0x6: {  	s14 =	simm.s32 $0x2;
	s15 =	simm.s32 $0x16800;
	s16 =	simm.s32 $0x0  }
.Ltmp0:
0x7: {  	s4 =	sand.u32 $0x1, s3;
	s31 =	sshll.u32 s1, $0x1;
	(pc) =	sbr.rel .LBB2_1-.Ltmp0, $4  }
0x8: {  	[smem:$0x7FF] =	sst s2;
	s3 =	sor.u32 s4, s31;
	s6 =	ssub.s32 $0x2, s4  }
0x9: {  	_ =	strace $0x80000047;
	s7 =	smul.u32 $0x1400, s3;
	s8 =	sshrl.u32 s6, $0x1  }
0xa: {  	s4 =	sadd.s32 $0xA00, s5;
	s5 =	sadd.s32 $0x27ACE00, s5;
	s8 =	ssub.s32 s6, s8  }
0xb: {  	s6 =	sadd.s32 s4, s7;
	s7 =	sor.u32 $0x20, s3;
	s8 =	smax.u32 s8, $0x1  }
.LBB2_10:
0xc: {  	s16 =	sadd.s32 $0x1, s16  }
0xd: {  	_ =	swait.ge [sflag:s12], $0x2800;
	p0 =	sne.s32 s16, s8  }
.Ltmp1:
0xe: {  	[sflag:s12] =	ssyncset.done $0x0;
	(pc) =	sbr.rel @!p0 .LBB2_11-.Ltmp1, $4  }
0xf: {  	[sflag:s12] =	ssyncadd.s32 $0xFFFFD800  }
0x10: {  	_ =	swait.ge [sflag:s13], $0x2800  }
0x11: {  	[sflag:s13] =	ssyncset.done $0x0  }
0x12: {  	[sflag:s13] =	ssyncadd.s32 $0xFFFFD800  }
.LBB2_1:
.Ltmp2:
0x13: {  	(pc) =	sbr.rel .LBB2_2-.Ltmp2, $3  }
0x14: {  	_ =	sdelay $0x1  }
0x15: {  	[tilespmem:s2], [sflag:$0x1] =	stream.linear.gather [hbm4b:s6+s2], $0xA000, $0x38;
	[tilespmem:$0x19000] =	vst v63  }
0x16: {  	s17 =	simm.s32 $0x0  }
.LBB2_8:
0x17: {  	v0 =	vld [tilespmem:s20+$0xA000];
	_ =	sdelay $0x3  }
0x18: {  	s19 =	sadd.s32 $0x100, s19  }
0x19: {  	[tilespmem:s19+$0xFFFFFF80] =	vst v0  }
0x1a: {  	v0 =	vld [tilespmem:s20+$0xA010];
	_ =	sdelay $0x4  }
0x1b: {  	[tilespmem:s19+$0xFFFFFF90] =	vst v0  }
0x1c: {  	v0 =	vld [tilespmem:s20+$0xA080];
	_ =	sdelay $0x4  }
0x1d: {  	[tilespmem:s19+$0xFFFFFFA0] =	vst v0  }
0x1e: {  	v0 =	vld [tilespmem:s20+$0xA090];
	_ =	sdelay $0x4  }
0x1f: {  	[tilespmem:s19+$0xFFFFFFB0] =	vst v0  }
0x20: {  	v0 =	vld [tilespmem:s20+$0xA100];
	_ =	sdelay $0x4  }
0x21: {  	[tilespmem:s19+$0xFFFFFFC0] =	vst v0  }
0x22: {  	v0 =	vld [tilespmem:s20+$0xA110];
	_ =	sdelay $0x4  }
0x23: {  	[tilespmem:s19+$0xFFFFFFD0] =	vst v0  }
0x24: {  	v0 =	vld [tilespmem:s20+$0xA180];
	_ =	sdelay $0x4  }
0x25: {  	[tilespmem:s19+$0xFFFFFFE0] =	vst v0  }
0x26: {  	v0 =	vld [tilespmem:s20+$0xA190];
	_ =	sdelay $0x4  }
0x27: {  	[tilespmem:s19+$0xFFFFFFF0] =	vst v0  }
0x28: {  	v0 =	vld [tilespmem:s20+$0xA200];
	_ =	sdelay $0x4  }
0x29: {  	[tilespmem:s19+$0x0] =	vst v0  }
0x2a: {  	v0 =	vld [tilespmem:s20+$0xA210];
	_ =	sdelay $0x4  }
0x2b: {  	[tilespmem:s19+$0x10] =	vst v0  }
0x2c: {  	v0 =	vld [tilespmem:s20+$0xA280];
	_ =	sdelay $0x4  }
0x2d: {  	[tilespmem:s19+$0x20] =	vst v0  }
0x2e: {  	v0 =	vld [tilespmem:s20+$0xA290];
	_ =	sdelay $0x4  }
0x2f: {  	[tilespmem:s19+$0x30] =	vst v0  }
0x30: {  	v0 =	vld [tilespmem:s20+$0xA300];
	_ =	sdelay $0x4  }
0x31: {  	[tilespmem:s19+$0x40] =	vst v0  }
0x32: {  	v0 =	vld [tilespmem:s20+$0xA310];
	_ =	sdelay $0x4  }
0x33: {  	[tilespmem:s19+$0x50] =	vst v0  }
0x34: {  	v0 =	vld [tilespmem:s20+$0xA380];
	_ =	sdelay $0x4  }
0x35: {  	[tilespmem:s19+$0x60] =	vst v0  }
0x36: {  	v0 =	vld [tilespmem:s20+$0xA390]  }
0x37: {  	s18 =	sor.u32 s3, s18  }
0x38: {  	s18 =	smin.u32 s18, $0x1FBC  }
0x39: {  	s18 =	smul.u32 $0x500, s18;
	_ =	sdelay $0x1  }
0x3a: {  	s18 =	sadd.s32 s5, s18;
	[tilespmem:s19+$0x70] =	vst v0  }
0x3b: {  	[hbm4b:s18+s2] =	stream.linear.scatter [tilespmem:s15], [sflag:$0x4], $0x2800, $0x38;
	[tilespmem:$0x19000] =	vst v63  }
.LBB2_9:
0x3c: {  	s17 =	sadd.s32 $0x1, s17  }
0x3d: {  	p0 =	sne.s32 s17, $0xFE  }
.Ltmp3:
0x3e: {  	_ = 	snop;
	(pc) =	sbr.rel @!p0 .LBB2_10-.Ltmp3, $1  }
0x3f: {  	_ =	sdelay $0x3  }
.LBB2_2:
0x40: {  	s18 =	sand.u32 $0x1, s17  }
0x41: {  	p0 =	seq.s32 s18, $0x1  }
.Ltmp4:
0x42: {  	_ = 	snop;
	(pc) =	sbr.rel @p0 .LBB2_6-.Ltmp4, $2  }
0x43: {  	_ =	sdelay $0x2  }
0x44: {  	s18 =	sshll.u32 s17, $0x5  }
0x45: {  	s18 =	sor.u32 s18, s3  }
0x46: {  	s19 =	sor.u32 $0x20, s18  }
0x47: {  	s19 =	smin.u32 s19, $0x1FBC  }
0x48: {  	_ =	swait.ge [sflag:s9], $0xA000;
	s19 =	smul.u32 $0x1400, s19  }
0x49: {  	[sflag:s9] =	ssyncset.done $0x0  }
0x4a: {  	p0 =	slt.u32 s17, $0x2;
	[sflag:s9] =	ssyncadd.s32 $0xFFFF6000;
	s19 =	sadd.s32 s4, s19  }
0x4b: {  	[tilespmem:s10], [sflag:$0x2] =	stream.linear.gather [hbm4b:s19+s2], $0xA000, $0x38;
	[tilespmem:$0x19000] =	vst v63  }
0x4c: {  	s19 =	simm.s32 @!p0 $0x3  }
0x4d: {  	_ =	swait.ge @!p0 [sflag:s19], $0x2800  }
0x4e: {  	[sflag:s19] =	ssyncset.done @!p0 $0x0  }
0x4f: {  	s20 =	simm.s32 $0x0;
	[sflag:s19] =	ssyncadd.s32 @!p0 $0xFFFFD800  }
0x50: {  	v0 =	vld [tilespmem:s20+$0x0];
	_ =	sdelay $0x3  }
0x51: {  	s19 =	simm.s32 $0x14080  }
0x52: {  	[tilespmem:s19+$0xFFFFFF80] =	vst v0  }
0x53: {  	v0 =	vld [tilespmem:s20+$0x10];
	_ =	sdelay $0x4  }
0x54: {  	[tilespmem:s19+$0xFFFFFF90] =	vst v0  }
0x55: {  	v0 =	vld [tilespmem:s20+$0x80];
	_ =	sdelay $0x4  }
0x56: {  	[tilespmem:s19+$0xFFFFFFA0] =	vst v0  }
0x57: {  	v0 =	vld [tilespmem:s20+$0x90];
	_ =	sdelay $0x4  }
0x58: {  	[tilespmem:s19+$0xFFFFFFB0] =	vst v0  }
0x59: {  	v0 =	vld [tilespmem:s20+$0x100];
	_ =	sdelay $0x4  }
0x5a: {  	[tilespmem:s19+$0xFFFFFFC0] =	vst v0  }
0x5b: {  	v0 =	vld [tilespmem:s20+$0x110];
	_ =	sdelay $0x4  }
0x5c: {  	[tilespmem:s19+$0xFFFFFFD0] =	vst v0  }
0x5d: {  	v0 =	vld [tilespmem:s20+$0x180];
	_ =	sdelay $0x4  }
0x5e: {  	[tilespmem:s19+$0xFFFFFFE0] =	vst v0  }
0x5f: {  	v0 =	vld [tilespmem:s20+$0x190];
	_ =	sdelay $0x4  }
0x60: {  	[tilespmem:s19+$0xFFFFFFF0] =	vst v0  }
0x61: {  	v0 =	vld [tilespmem:s20+$0x200];
	_ =	sdelay $0x4  }
0x62: {  	[tilespmem:s19+$0x0] =	vst v0  }
0x63: {  	v0 =	vld [tilespmem:s20+$0x210];
	_ =	sdelay $0x4  }
0x64: {  	[tilespmem:s19+$0x10] =	vst v0  }
0x65: {  	v0 =	vld [tilespmem:s20+$0x280];
	_ =	sdelay $0x4  }
0x66: {  	[tilespmem:s19+$0x20] =	vst v0  }
0x67: {  	v0 =	vld [tilespmem:s20+$0x290];
	_ =	sdelay $0x4  }
0x68: {  	[tilespmem:s19+$0x30] =	vst v0  }
0x69: {  	v0 =	vld [tilespmem:s20+$0x300];
	_ =	sdelay $0x4  }
0x6a: {  	[tilespmem:s19+$0x40] =	vst v0  }
0x6b: {  	v0 =	vld [tilespmem:s20+$0x310];
	_ =	sdelay $0x4  }
0x6c: {  	[tilespmem:s19+$0x50] =	vst v0  }
0x6d: {  	v0 =	vld [tilespmem:s20+$0x380];
	_ =	sdelay $0x4  }
0x6e: {  	[tilespmem:s19+$0x60] =	vst v0  }
0x6f: {  	v0 =	vld [tilespmem:s20+$0x390];
	_ =	sdelay $0x4  }
0x70: {  	s21 =	simm.s32 $0x2000;
	s20 =	simm.s32 $0x400;
	[tilespmem:s19+$0x70] =	vst v0  }
.LBB2_4:
0x71: {  	p0 =	sne.s32 s21, $0x27000;
	v0 =	vld [tilespmem:s20+$0x0];
	_ =	sdelay $0x3  }
0x72: {  	s19 =	sadd.s32 $0x100, s19  }
0x73: {  	[tilespmem:s19+$0xFFFFFF80] =	vst v0  }
0x74: {  	v0 =	vld [tilespmem:s20+$0x10];
	_ =	sdelay $0x4  }
0x75: {  	[tilespmem:s19+$0xFFFFFF90] =	vst v0  }
0x76: {  	v0 =	vld [tilespmem:s20+$0x80];
	_ =	sdelay $0x4  }
0x77: {  	[tilespmem:s19+$0xFFFFFFA0] =	vst v0  }
0x78: {  	v0 =	vld [tilespmem:s20+$0x90];
	_ =	sdelay $0x4  }
0x79: {  	[tilespmem:s19+$0xFFFFFFB0] =	vst v0  }
0x7a: {  	v0 =	vld [tilespmem:s20+$0x100];
	_ =	sdelay $0x4  }
0x7b: {  	[tilespmem:s19+$0xFFFFFFC0] =	vst v0  }
0x7c: {  	v0 =	vld [tilespmem:s20+$0x110];
	_ =	sdelay $0x4  }
0x7d: {  	[tilespmem:s19+$0xFFFFFFD0] =	vst v0  }
0x7e: {  	v0 =	vld [tilespmem:s20+$0x180];
	_ =	sdelay $0x4  }
0x7f: {  	[tilespmem:s19+$0xFFFFFFE0] =	vst v0  }
0x80: {  	v0 =	vld [tilespmem:s20+$0x190];
	_ =	sdelay $0x4  }
0x81: {  	[tilespmem:s19+$0xFFFFFFF0] =	vst v0  }
0x82: {  	v0 =	vld [tilespmem:s20+$0x200];
	_ =	sdelay $0x4  }
0x83: {  	[tilespmem:s19+$0x0] =	vst v0  }
0x84: {  	v0 =	vld [tilespmem:s20+$0x210];
	_ =	sdelay $0x4  }
0x85: {  	[tilespmem:s19+$0x10] =	vst v0  }
0x86: {  	v0 =	vld [tilespmem:s20+$0x280];
	_ =	sdelay $0x4  }
0x87: {  	[tilespmem:s19+$0x20] =	vst v0  }
0x88: {  	v0 =	vld [tilespmem:s20+$0x290];
	_ =	sdelay $0x4  }
0x89: {  	[tilespmem:s19+$0x30] =	vst v0  }
0x8a: {  	v0 =	vld [tilespmem:s20+$0x300];
	_ =	sdelay $0x4  }
0x8b: {  	[tilespmem:s19+$0x40] =	vst v0  }
0x8c: {  	v0 =	vld [tilespmem:s20+$0x310];
	_ =	sdelay $0x4  }
0x8d: {  	[tilespmem:s19+$0x50] =	vst v0  }
0x8e: {  	v0 =	vld [tilespmem:s20+$0x380];
	_ =	sdelay $0x4  }
0x8f: {  	[tilespmem:s19+$0x60] =	vst v0  }
0x90: {  	v0 =	vld [tilespmem:s20+$0x390]  }
.Ltmp5:
0x91: {  	(pc) =	sbr.rel @p0 .LBB2_4-.Ltmp5, $2  }
0x92: {  	_ =	sdelay $0x2  }
0x93: {  	s20 =	sshra.s32 s21, $0x2;
	s21 =	sadd.s32 $0x1000, s21;
	[tilespmem:s19+$0x70] =	vst v0  }
0x94: {  	v0 =	vld [tilespmem:s20+$0x0];
	_ =	sdelay $0x3  }
0x95: {  	s19 =	sadd.s32 $0x100, s19  }
0x96: {  	[tilespmem:s19+$0xFFFFFF80] =	vst v0  }
0x97: {  	v0 =	vld [tilespmem:s20+$0x10];
	_ =	sdelay $0x4  }
0x98: {  	[tilespmem:s19+$0xFFFFFF90] =	vst v0  }
0x99: {  	v0 =	vld [tilespmem:s20+$0x80];
	_ =	sdelay $0x4  }
0x9a: {  	[tilespmem:s19+$0xFFFFFFA0] =	vst v0  }
0x9b: {  	v0 =	vld [tilespmem:s20+$0x90];
	_ =	sdelay $0x4  }
0x9c: {  	[tilespmem:s19+$0xFFFFFFB0] =	vst v0  }
0x9d: {  	v0 =	vld [tilespmem:s20+$0x100];
	_ =	sdelay $0x4  }
0x9e: {  	[tilespmem:s19+$0xFFFFFFC0] =	vst v0  }
0x9f: {  	v0 =	vld [tilespmem:s20+$0x110];
	_ =	sdelay $0x4  }
0xa0: {  	[tilespmem:s19+$0xFFFFFFD0] =	vst v0  }
0xa1: {  	v0 =	vld [tilespmem:s20+$0x180];
	_ =	sdelay $0x4  }
0xa2: {  	[tilespmem:s19+$0xFFFFFFE0] =	vst v0  }
0xa3: {  	v0 =	vld [tilespmem:s20+$0x190];
	_ =	sdelay $0x4  }
0xa4: {  	[tilespmem:s19+$0xFFFFFFF0] =	vst v0  }
0xa5: {  	v0 =	vld [tilespmem:s20+$0x200];
	_ =	sdelay $0x4  }
0xa6: {  	[tilespmem:s19+$0x0] =	vst v0  }
0xa7: {  	v0 =	vld [tilespmem:s20+$0x210];
	_ =	sdelay $0x4  }
0xa8: {  	[tilespmem:s19+$0x10] =	vst v0  }
0xa9: {  	v0 =	vld [tilespmem:s20+$0x280];
	_ =	sdelay $0x4  }
0xaa: {  	[tilespmem:s19+$0x20] =	vst v0  }
0xab: {  	v0 =	vld [tilespmem:s20+$0x290];
	_ =	sdelay $0x4  }
0xac: {  	[tilespmem:s19+$0x30] =	vst v0  }
0xad: {  	v0 =	vld [tilespmem:s20+$0x300];
	_ =	sdelay $0x4  }
0xae: {  	[tilespmem:s19+$0x40] =	vst v0  }
0xaf: {  	v0 =	vld [tilespmem:s20+$0x310];
	_ =	sdelay $0x4  }
0xb0: {  	[tilespmem:s19+$0x50] =	vst v0  }
0xb1: {  	v0 =	vld [tilespmem:s20+$0x380];
	_ =	sdelay $0x4  }
0xb2: {  	[tilespmem:s19+$0x60] =	vst v0  }
0xb3: {  	v0 =	vld [tilespmem:s20+$0x390];
	_ =	sdelay $0x1  }
.Ltmp6:
0xb4: {  	s18 =	smin.u32 s18, $0x1FBC;
	(pc) =	sbr.rel .LBB2_9-.Ltmp6, $3  }
0xb5: {  	s18 =	smul.u32 $0x500, s18;
	_ =	sdelay $0x1  }
0xb6: {  	s18 =	sadd.s32 s5, s18;
	[tilespmem:s19+$0x70] =	vst v0  }
0xb7: {  	[hbm4b:s18+s2] =	stream.linear.scatter [tilespmem:s11], [sflag:$0x3], $0x2800, $0x38;
	[tilespmem:$0x19000] =	vst v63  }
.LBB2_6:
0xb8: {  	p0 =	seq.s32 s17, $0xFD  }
0xb9: {  	s19 =	sshll.u32 @!p0 s17, $0x5  }
0xba: {  	s19 =	sadd.s32 @!p0 s7, s19  }
0xbb: {  	s19 =	smin.u32 @!p0 s19, $0x1FBC  }
0xbc: {  	_ =	swait.ge [sflag:s14], $0xA000;
	s19 =	smul.u32 @!p0 $0x1400, s19  }
0xbd: {  	[sflag:s14] =	ssyncset.done $0x0;
	s20 =	simm.s32 @!p0 $0x0  }
0xbe: {  	p1 =	slt.u32 @!p0 s17, $0x2;
	[sflag:s14] =	ssyncadd.s32 $0xFFFF6000;
	s19 =	sadd.s32 @!p0 s4, s19  }
0xbf: {  	[tilespmem:s20], [sflag:$0x1] =	stream.linear.gather @!p0 [hbm4b:s19+s20], $0xA000, $0x38;
	[tilespmem:$0x19000] =	vst v63  }
0xc0: {  	p0 =	por p0, !p1  }
0xc1: {  	_ =	swait.ge @p0 [sflag:s13], $0x2800  }
0xc2: {  	[sflag:s13] =	ssyncset.done @p0 $0x0  }
0xc3: {  	s31 =	simm.s32 $0x0;
	[sflag:s13] =	ssyncadd.s32 @p0 $0xFFFFD800  }
0xc4: {  	v0 =	vld [tilespmem:s31+$0xA000];
	_ =	sdelay $0x3  }
0xc5: {  	s19 =	simm.s32 $0x16880  }
0xc6: {  	[tilespmem:s19+$0xFFFFFF80] =	vst v0  }
0xc7: {  	v0 =	vld [tilespmem:s31+$0xA010];
	_ =	sdelay $0x4  }
0xc8: {  	[tilespmem:s19+$0xFFFFFF90] =	vst v0  }
0xc9: {  	v0 =	vld [tilespmem:s31+$0xA080];
	_ =	sdelay $0x4  }
0xca: {  	[tilespmem:s19+$0xFFFFFFA0] =	vst v0  }
0xcb: {  	v0 =	vld [tilespmem:s31+$0xA090];
	_ =	sdelay $0x4  }
0xcc: {  	[tilespmem:s19+$0xFFFFFFB0] =	vst v0  }
0xcd: {  	v0 =	vld [tilespmem:s31+$0xA100];
	_ =	sdelay $0x4  }
0xce: {  	[tilespmem:s19+$0xFFFFFFC0] =	vst v0  }
0xcf: {  	v0 =	vld [tilespmem:s31+$0xA110];
	_ =	sdelay $0x4  }
0xd0: {  	[tilespmem:s19+$0xFFFFFFD0] =	vst v0  }
0xd1: {  	v0 =	vld [tilespmem:s31+$0xA180];
	_ =	sdelay $0x4  }
0xd2: {  	[tilespmem:s19+$0xFFFFFFE0] =	vst v0  }
0xd3: {  	v0 =	vld [tilespmem:s31+$0xA190];
	_ =	sdelay $0x4  }
0xd4: {  	[tilespmem:s19+$0xFFFFFFF0] =	vst v0  }
0xd5: {  	v0 =	vld [tilespmem:s31+$0xA200];
	_ =	sdelay $0x4  }
0xd6: {  	[tilespmem:s19+$0x0] =	vst v0  }
0xd7: {  	v0 =	vld [tilespmem:s31+$0xA210];
	_ =	sdelay $0x4  }
0xd8: {  	[tilespmem:s19+$0x10] =	vst v0  }
0xd9: {  	v0 =	vld [tilespmem:s31+$0xA280];
	_ =	sdelay $0x4  }
0xda: {  	[tilespmem:s19+$0x20] =	vst v0  }
0xdb: {  	v0 =	vld [tilespmem:s31+$0xA290];
	_ =	sdelay $0x4  }
0xdc: {  	[tilespmem:s19+$0x30] =	vst v0  }
0xdd: {  	v0 =	vld [tilespmem:s31+$0xA300];
	_ =	sdelay $0x4  }
0xde: {  	[tilespmem:s19+$0x40] =	vst v0  }
0xdf: {  	v0 =	vld [tilespmem:s31+$0xA310];
	_ =	sdelay $0x4  }
0xe0: {  	[tilespmem:s19+$0x50] =	vst v0  }
0xe1: {  	v0 =	vld [tilespmem:s31+$0xA380];
	_ =	sdelay $0x4  }
0xe2: {  	[tilespmem:s19+$0x60] =	vst v0  }
0xe3: {  	v0 =	vld [tilespmem:s31+$0xA390];
	_ =	sdelay $0x4  }
0xe4: {  	s21 =	simm.s32 $0x2000;
	s20 =	simm.s32 $0x400;
	[tilespmem:s19+$0x70] =	vst v0  }
.LBB2_7:
0xe5: {  	p0 =	sne.s32 s21, $0x27000;
	v0 =	vld [tilespmem:s20+$0xA000];
	_ =	sdelay $0x3  }
0xe6: {  	s19 =	sadd.s32 $0x100, s19  }
0xe7: {  	[tilespmem:s19+$0xFFFFFF80] =	vst v0  }
0xe8: {  	v0 =	vld [tilespmem:s20+$0xA010];
	_ =	sdelay $0x4  }
0xe9: {  	[tilespmem:s19+$0xFFFFFF90] =	vst v0  }
0xea: {  	v0 =	vld [tilespmem:s20+$0xA080];
	_ =	sdelay $0x4  }
0xeb: {  	[tilespmem:s19+$0xFFFFFFA0] =	vst v0  }
0xec: {  	v0 =	vld [tilespmem:s20+$0xA090];
	_ =	sdelay $0x4  }
0xed: {  	[tilespmem:s19+$0xFFFFFFB0] =	vst v0  }
0xee: {  	v0 =	vld [tilespmem:s20+$0xA100];
	_ =	sdelay $0x4  }
0xef: {  	[tilespmem:s19+$0xFFFFFFC0] =	vst v0  }
0xf0: {  	v0 =	vld [tilespmem:s20+$0xA110];
	_ =	sdelay $0x4  }
0xf1: {  	[tilespmem:s19+$0xFFFFFFD0] =	vst v0  }
0xf2: {  	v0 =	vld [tilespmem:s20+$0xA180];
	_ =	sdelay $0x4  }
0xf3: {  	[tilespmem:s19+$0xFFFFFFE0] =	vst v0  }
0xf4: {  	v0 =	vld [tilespmem:s20+$0xA190];
	_ =	sdelay $0x4  }
0xf5: {  	[tilespmem:s19+$0xFFFFFFF0] =	vst v0  }
0xf6: {  	v0 =	vld [tilespmem:s20+$0xA200];
	_ =	sdelay $0x4  }
0xf7: {  	[tilespmem:s19+$0x0] =	vst v0  }
0xf8: {  	v0 =	vld [tilespmem:s20+$0xA210];
	_ =	sdelay $0x4  }
0xf9: {  	[tilespmem:s19+$0x10] =	vst v0  }
0xfa: {  	v0 =	vld [tilespmem:s20+$0xA280];
	_ =	sdelay $0x4  }
0xfb: {  	[tilespmem:s19+$0x20] =	vst v0  }
0xfc: {  	v0 =	vld [tilespmem:s20+$0xA290];
	_ =	sdelay $0x4  }
0xfd: {  	[tilespmem:s19+$0x30] =	vst v0  }
0xfe: {  	v0 =	vld [tilespmem:s20+$0xA300];
	_ =	sdelay $0x4  }
0xff: {  	[tilespmem:s19+$0x40] =	vst v0  }
0x100: {  	v0 =	vld [tilespmem:s20+$0xA310];
	_ =	sdelay $0x4  }
0x101: {  	[tilespmem:s19+$0x50] =	vst v0  }
0x102: {  	v0 =	vld [tilespmem:s20+$0xA380];
	_ =	sdelay $0x4  }
0x103: {  	[tilespmem:s19+$0x60] =	vst v0  }
0x104: {  	v0 =	vld [tilespmem:s20+$0xA390]  }
.Ltmp7:
0x105: {  	(pc) =	sbr.rel @p0 .LBB2_7-.Ltmp7, $2  }
0x106: {  	_ =	sdelay $0x2  }
0x107: {  	s20 =	sshra.s32 s21, $0x2;
	s21 =	sadd.s32 $0x1000, s21;
	[tilespmem:s19+$0x70] =	vst v0  }
.Ltmp8:
0x108: {  	_ = 	snop;
	(pc) =	sbr.rel .LBB2_8-.Ltmp8, $1  }
0x109: {  	_ =	sdelay $0x3  }
.LBB2_11:
0x10a: {  	_ =	sfence.sel $0x180000  }
0x10b: {  	[bflag:$0x0] =	sbarrier.arrive $0xFFFF  }
0x10c: {  	p0 =	sne.s32 s1, $0x0;
	_ =	strace $0x90000047  }
0x10d: {  	s0 =	sadd.s32 @!p0 $0x100000, s0;
	[bflag:$0x2] =	sbarrier.arrive $0xFFFF  }
0x10e: {  	[sflag:s0] =	ssyncadd.tile.s32 @!p0 $0x1;
	_ =	shalt  }
.Lfunc_end2:
_tile_overlayer_lowered:
.L_overlay_start_2:
0x10f: {  	(tag) =	ssettag $0x2  }
0x110: {  	s0 =	rddreg [dreg:$0x0];
	s2 =	stileid.u32  }
0x111: {  	s1 =	rddreg [dreg:$0x1];
	p0 =	sne.s32 s2, $0x0  }
0x112: {  	s3 =	rddreg [dreg:$0x2];
	[bflag:$0x3] =	sbarrier.arrive $0xFFFF;
	s2 =	simm.s32 @!p0 $0x1C05  }
0x113: {  	[timem:s3], [sflag:s2] =	dma.local @!p0 [hbm:s0], s1  }
0x114: {  	s0 =	simm.s32 @!p0 $0x5  }
0x115: {  	_ =	swait.ge @!p0 [sflag:s0], s1  }
0x116: {  	s1 =	ssub.s32 @!p0 $0x0, s1;
	[sflag:s0] =	ssyncset.done @!p0 $0x0  }
0x117: {  	[sflag:s0] =	ssyncadd.s32 @!p0 s1  }
0x118: {  	[bflag:$0x3] =	sbarrier.arrive $0xFFFF  }
0x119: {  	_ =	shalt  }

// kernel: kernel.7.cloned.1.call-start
scs
__scs_entry_jumppad:
0x0: {  	(pc) =	sbr.rel $0x88, $3  }
0x1: {  	(tag) =	ssettag $0x0;
	lr =	simm.s32 $0x1  }
0x2: {  	[smem:$0x3F9F] =	sst lr;
	_ =	strace $0xD0000000  }
0x3: {  	_ = 	snop  }
0x4: {  	_ = 	snop  }
0x5: {  	_ = 	snop  }
0x6: {  	_ = 	snop  }
0x7: {  	_ = 	snop  }
__scs_overlays_trampoline_lowered:
0x8: {  	[smem:$0x3FAE] =	sst s0  }
0x9: {  	[smem:$0x3FAF] =	sst s1  }
0xa: {  	[smem:$0x3FB0] =	sst s2  }
0xb: {  	[smem:$0x3FB1] =	sst s3  }
0xc: {  	[smem:$0x3FB2] =	sst s4  }
0xd: {  	[smem:$0x3FB3] =	sst s5  }
0xe: {  	[smem:$0x3FB4] =	sst s6  }
0xf: {  	[smem:$0x3FB5] =	sst s7  }
0x10: {  	[smem:$0x3FB6] =	sst s8  }
0x11: {  	[smem:$0x3FB7] =	sst s9;
	s0 =	simm.s32 @!p0 $0x0  }
0x12: {  	s1 =	sld [smem:$0x3F9D];
	s0 =	simm.s32 @p0 $0x1  }
0x13: {  	[smem:$0x3FB8] =	sst s0;
	s0 =	simm.s32 @!p1 $0x0  }
0x14: {  	s2 =	sld [smem:$0x3F9C];
	s0 =	simm.s32 @p1 $0x1  }
0x15: {  	[smem:$0x3FB9] =	sst s0;
	s0 =	simm.s32 @!p2 $0x0  }
0x16: {  	s3 =	sld [smem:$0x3FDB];
	s0 =	simm.s32 @p2 $0x1  }
0x17: {  	s4 =	simm.s32 $0x1BF5;
	[smem:$0x3FBB] =	sst s0  }
0x18: {  	s0 =	sld [smem:$0x3F9E];
	_ =	swait.ge [sflag:s4], $0x0  }
0x19: {  	s7 =	sld [smem:$0x3F9F]  }
0x1a: {  	s8 =	sadd.s32 $0xFFFFE003, lr  }
0x1b: {  	s9 =	sadd.s32 $0xFFFFFEF7, lr;
	s5 =	simm.s32 $0xFFFFFFFF;
	p2 =	slt.u32 s8, $0xFFFFF086  }
0x1c: {  	p1 =	slt.u32 s9, $0xF7A;
	s5 =	simm.s32 @!p2 $0x0  }
0x1d: {  	s5 =	simm.s32 @p1 $0x1;
	p0 =	seq.s32 s7, s2  }
0x1e: {  	s7 =	smul.u32 @!p0 $0xF7A, s2;
	p2 =	seq.s32 @!p0 s5, $0x0  }
0x1f: {  	s9 =	smul.u32 $0xF7A, s1;
	s8 =	simm.s32 @!p0 $0x1BF5;
	p2 =	por !p2, p0  }
0x20: {  	[sflag:s8] =	ssyncset.s32 @!p0 $0xFFFFF086;
	s6 =	sadd.s32 @!p0 s3, s7;
	s7 =	simm.s32 @!p0 $0x108  }
0x21: {  	s3 =	sadd.s32 s3, s9;
	s6 =	sadd.s32 @!p0 $0x88, s6;
	s7 =	simm.s32 @p2 $0x1082  }
0x22: {  	[simem:s7], [sflag:s8] =	dma.local @!p0 [hbm:s6], $0xF7A  }
0x23: {  	s9 =	sor.u32 $0xD0000000, s2;
	s6 =	simm.s32 $0x108;
	_ =	swait.ge @!p0 [sflag:s8], $0x0  }
0x24: {  	s3 =	sadd.s32 $0x88, s3;
	s6 =	simm.s32 @!p1 $0x1082;
	[sflag:s4] =	ssyncset.s32 $0xFFFFF086  }
0x25: {  	[simem:s6], [sflag:s4] =	dma.local [hbm:s3], $0xF7A  }
0x26: {  	[smem:$0x3F9F] =	sst s1;
	(tag) =	ssettag s2;
	_ =	strace s9  }
0x27: {  	s1 =	sld [smem:$0x3FAF]  }
0x28: {  	s2 =	sld [smem:$0x3FB0]  }
0x29: {  	s4 =	sld [smem:$0x3FB2]  }
0x2a: {  	p0 =	seq.s32 s5, $0x0;
	s5 =	sld [smem:$0x3FB3]  }
0x2b: {  	s6 =	sld [smem:$0x3FB4]  }
0x2c: {  	s7 =	sld [smem:$0x3FB5]  }
0x2d: {  	s3 =	simm.s32 $0x108;
	s8 =	sld [smem:$0x3FB6]  }
0x2e: {  	s3 =	simm.s32 @!p0 $0x1082;
	s9 =	sld [smem:$0x3FB7]  }
0x2f: {  	lr =	sadd.s32 s0, s3;
	s0 =	sld [smem:$0x3FAE]  }
0x30: {  	s3 =	sld [smem:$0x3FB1]  }
0x31: {  	[smem:$0x3FBA] =	sst s10  }
0x32: {  	s10 =	sld [smem:$0x3FB8];
	_ =	sdelay $0x3  }
0x33: {  	p0 =	seq.s32 s10, $0x1;
	s10 =	sld [smem:$0x3FBA];
	_ =	sdelay $0x3  }
0x34: {  	[smem:$0x3FBA] =	sst s10  }
0x35: {  	s10 =	sld [smem:$0x3FB9];
	_ =	sdelay $0x3  }
0x36: {  	p1 =	seq.s32 s10, $0x1;
	s10 =	sld [smem:$0x3FBA];
	_ =	sdelay $0x3  }
0x37: {  	[smem:$0x3FBA] =	sst s10  }
0x38: {  	s10 =	sld [smem:$0x3FBB]  }
0x39: {  	_ = 	snop;
	(pc) =	sbr.ind lr, $3  }
0x3a: {  	_ = 	snop  }
0x3b: {  	_ = 	snop  }
0x3c: {  	p2 =	seq.s32 s10, $0x1;
	s10 =	sld [smem:$0x3FBA]  }
0x3d: {  	_ =	shalt  }
0x3e: {  	_ =	shalt  }
0x3f: {  	_ =	shalt  }
0x40: {  	_ =	shalt  }
0x41: {  	_ =	shalt  }
0x42: {  	_ =	shalt  }
0x43: {  	_ =	shalt  }
0x44: {  	_ =	shalt  }
0x45: {  	_ =	shalt  }
0x46: {  	_ =	shalt  }
0x47: {  	_ =	shalt  }
0x48: {  	_ =	shalt  }
0x49: {  	_ =	shalt  }
0x4a: {  	_ =	shalt  }
0x4b: {  	_ =	shalt  }
0x4c: {  	_ =	shalt  }
0x4d: {  	_ =	shalt  }
0x4e: {  	_ =	shalt  }
0x4f: {  	_ =	shalt  }
0x50: {  	_ =	shalt  }
0x51: {  	_ =	shalt  }
0x52: {  	_ =	shalt  }
0x53: {  	_ =	shalt  }
0x54: {  	_ =	shalt  }
0x55: {  	_ =	shalt  }
0x56: {  	_ =	shalt  }
0x57: {  	_ =	shalt  }
0x58: {  	_ =	shalt  }
0x59: {  	_ =	shalt  }
0x5a: {  	_ =	shalt  }
0x5b: {  	_ =	shalt  }
0x5c: {  	_ =	shalt  }
0x5d: {  	_ =	shalt  }
0x5e: {  	_ =	shalt  }
0x5f: {  	_ =	shalt  }
0x60: {  	_ =	shalt  }
0x61: {  	_ =	shalt  }
0x62: {  	_ =	shalt  }
0x63: {  	_ =	shalt  }
0x64: {  	_ =	shalt  }
0x65: {  	_ =	shalt  }
0x66: {  	_ =	shalt  }
0x67: {  	_ =	shalt  }
0x68: {  	_ =	shalt  }
0x69: {  	_ =	shalt  }
0x6a: {  	_ =	shalt  }
0x6b: {  	_ =	shalt  }
0x6c: {  	_ =	shalt  }
0x6d: {  	_ =	shalt  }
0x6e: {  	_ =	shalt  }
0x6f: {  	_ =	shalt  }
0x70: {  	_ =	shalt  }
0x71: {  	_ =	shalt  }
0x72: {  	_ =	shalt  }
0x73: {  	_ =	shalt  }
0x74: {  	_ =	shalt  }
0x75: {  	_ =	shalt  }
0x76: {  	_ =	shalt  }
0x77: {  	_ =	shalt  }
0x78: {  	_ =	shalt  }
0x79: {  	_ =	shalt  }
0x7a: {  	_ =	shalt  }
0x7b: {  	_ =	shalt  }
0x7c: {  	_ =	shalt  }
0x7d: {  	_ =	shalt  }
0x7e: {  	_ =	shalt  }
0x7f: {  	_ =	shalt  }
0x80: {  	_ =	shalt  }
0x81: {  	_ =	shalt  }
0x82: {  	_ =	shalt  }
0x83: {  	_ =	shalt  }
0x84: {  	_ =	shalt  }
0x85: {  	_ =	shalt  }
0x86: {  	_ =	shalt  }
0x87: {  	_ =	shalt  }
.Lfunc_end0:
.L_simem_size_0:
called_computation.1_lowered:
.L_overlay_start_0:
0x88: {  	s2 =	sld [smem:$0x3FD9]  }
0x89: {  	s3 =	sld [smem:$0x3FFE];
	_ =	sdelay $0x1  }
0x8a: {  	s1 =	srdreg.scid  }
0x8b: {  	s0 =	sand.u32 $0x1, s1  }
0x8c: {  	s17 =	sshll.u32 s0, $0xA;
	s2 =	sadd.s32 s3, s2  }
0x8d: {  	s2 =	sadd.s32 s2, s17  }
0x8e: {  	[smem:$0x3FC6] =	sst s2  }
0x8f: {  	_ = 	snop  }
0x90: {  	s2 =	sld [smem:$0x3FD0];
	(tm) =	ssettm $0x1  }
0x91: {  	s18 =	sld [smem:$0x3FFB];
	_ =	sdelay $0x3  }
0x92: {  	_ =	strace s18  }
0x93: {  	s3 =	sld [smem:$0x3FFC];
	_ =	sdelay $0x3  }
0x94: {  	_ =	strace s3  }
0x95: {  	s3 =	sld [smem:$0x3FFD];
	_ =	sdelay $0x3  }
0x96: {  	_ =	strace s3  }
0x97: {  	_ =	strace $0x8FFFFFFF  }
0x98: {  	s19 =	sld [smem:$0x3FDB];
	_ =	sdelay $0x1  }
0x99: {  	s4 =	simm.s32 $_scs_section_size  }
0x9a: {  	s5 =	simm.s32 $_size__tile_overlayer_lowered;
	s6 =	simm.s32 $_tile_overlayer_lowered  }
0x9b: {  	s22 =	simm.s32 $0x1BFF;
	s21 =	sshll.u32 s6, $0x1;
	s3 =	sadd.s32 s4, s19  }
0x9c: {  	s7 =	simm.s32 $0x0;
	s20 =	sshll.u32 s5, $0x1;
	s5 =	sadd.s32 s21, s3  }
0x9d: {  	[timem:s7], [sflag:s22] =	dma.local [hbm:s5], s20  }
0x9e: {  	_ =	swait.ge [sflag:s22], s20  }
0x9f: {  	s4 =	ssub.s32 $0x0, s20;
	[sflag:s22] =	ssyncset.done $0x0  }
0xa0: {  	[sflag:s22] =	ssyncadd.s32 s4;
	_ =	sdelay $0x1  }
0xa1: {  	s23 =	simm.s32 $0x1B8B  }
0xa2: {  	_ =	swait.ge [sflag:s23], $0x1  }
0xa3: {  	[sflag:s23] =	ssyncset.done $0x0  }
0xa4: {  	s25 =	simm.s32 $0x1B8E;
	s24 =	sld [smem:$0x3FFE];
	[sflag:s23] =	ssyncadd.s32 $0xFFFFFFFF  }
0xa5: {  	s26 =	simm.s32 $execute0_lowered;
	[smem:$0x3FD2] =	sst s25  }
0xa6: {  	s5 =	sshll.u32 s26, $0x1;
	_ =	strace $0x80000049;
	[dreg:$0x1] =	wrdreg $0xFFFFFFFF  }
0xa7: {  	s28 =	simm.s32 $_size_execute0_lowered;
	s3 =	sadd.s32 s3, s5;
	[dreg:$0x0] =	wrdreg $0x0  }
0xa8: {  	s5 =	sshll.u32 s28, $0x1;
	[dreg:$0x2] =	wrdreg s3  }
0xa9: {  	[dreg:$0x3] =	wrdreg s5  }
0xaa: {  	[dreg:$0x4] =	wrdreg $0xC0  }
0xab: {  	_ =	task [dreg:s7], $0x5FFFF  }
0xac: {  	[dreg:$0x1] =	wrdreg $0xFFFFFFFF  }
0xad: {  	[dreg:$0x0] =	wrdreg $0x60  }
0xae: {  	[dreg:$0x2] =	wrdreg s24  }
0xaf: {  	[dreg:$0x3] =	wrdreg s2  }
0xb0: {  	[dreg:$0x4] =	wrdreg $0x9  }
0xb1: {  	_ =	task.clear_ibuf [dreg:s7], $0x5FFFF;
	_ =	strace $0x90000049  }
0xb2: {  	s29 =	simm.s32 $0x9;
	_ =	strace $0x8000004B  }
0xb3: {  	_ =	swait.ge [sflag:s29], $0x1  }
0xb4: {  	[sflag:s29] =	ssyncadd.s32 $0xFFFFFFFF  }
0xb5: {  	_ =	strace $0x9000004B  }
0xb6: {  	_ =	sfence  }
0xb7: {  	s30 =	sld [smem:$0x0];
	_ =	sdelay $0x2  }
0xb8: {  	s31 =	sshll.u32 s1, $0xD;
	s1 =	sshrl.u32 s1, $0x2  }
0xb9: {  	s3 =	sand.u32 $0x4000, s31;
	s1 =	sadd.s32 s1, s30  }
0xba: {  	s0 =	sor.u32 s3, s0;
	s1 =	sshll.u32 s1, $0x11  }
0xbb: {  	s0 =	sor.u32 s1, s0  }
0xbc: {  	s0 =	sadd.s32 $0x8F2B, s0  }
0xbd: {  	[sflag:s0] =	ssyncadd.remote.s32 $0x1  }
0xbe: {  	_ =	sfence.sel $0xFFFF  }
0xbf: {  	[dreg:$0x0] =	wrdreg $0xFFFFFFFF;
	(pc) =	sbr.abs _section_cstart, $3  }
0xc0: {  	[dreg:$0x1] =	wrdreg $0xFFFFFFFF  }
0xc1: {  	_ =	task.clear_ibuf [dreg:s7], $0x2FFFF;
	_ =	strace $0x9FFFFFFF  }
0xc2: {  	(tm) =	ssettm $0x7FFFFFFF  }
0xc3: {  	_ =	shalt  }
tec
execute0_lowered:
.L_overlay_start_1:
0x0: {  	(tag) =	ssettag $0x1  }
0x1: {  	s0 =	rddreg [dreg:$0x0]  }
0x2: {  	s2 =	rddreg [dreg:$0x1]  }
0x3: {  	s1 =	srdreg.scid;
	s8 =	stileid.u32;
	s3 =	simm.s32 $0x0  }
0x4: {  	s10 =	simm.s32 $0x80;
	s12 =	simm.s32 $0x1;
	s14 =	simm.s32 $0x5400  }
0x5: {  	s23 =	simm.s32 $0x4;
	s24 =	simm.s32 $0x2;
	s19 =	simm.s32 $0x6F90  }
0x6: {  	s20 =	simm.s32 $0x7020;
	s21 =	simm.s32 $0x70B0;
	s22 =	simm.s32 $0x7140  }
0x7: {  	s28 =	simm.s32 $0x7260;
	s29 =	simm.s32 $0x72F0;
	s30 =	simm.s32 $0x7380  }
0x8: {  	s31 =	simm.s32 $0x7410;
	s11 =	simm.s32 $0x75C0;
	s1 =	sand.u32 $0x1, s1  }
0x9: {  	s4 =	sshll.u32 s8, $0x1;
	[smem:$0x7FF] =	sst s3;
	s8 =	smul.u32 $0xD0, s8  }
0xa: {  	v0 =	vlaneseq.u32;
	s5 =	sor.u32 s1, s4;
	s7 =	ssub.s32 $0x2, s1;
	s1 =	smul.u32 $0x68, s1  }
0xb: {  	v1 =	vimm.s32 $0x0;
	vm0 =	vcmask $0x300;
	s9 =	simm.s32 $0x7770;
	v0 =	vmul.u32 $0x90, v0;
	_ =	strace $0x8000004A;
	s6 =	smul.u32 $0x680, s5  }
0xc: {  	s15 =	simm.s32 $0x0;
	v1 =	vsel vm0, $0x3, v1;
	s4 =	sadd.s32 $0x27ACE00, s0;
	s5 =	smul.u32 $0x68, s5  }
.Ltmp0:
0xd: {  	s25 =	sshrl.u32 s7, $0x1;
	v2 =	vadd.s32 $0x900, v0;
	v3 =	vor.u32 $0x1, v0;
	v4 =	vadd.s32 $0x901, v0;
	s8 =	sadd.s32 s1, s8;
	(pc) =	sbr.rel .LBB2_1-.Ltmp0, $4  }
0xe: {  	v5 =	vor.u32 $0x2, v0;
	v6 =	vadd.s32 $0x902, v0;
	v7 =	vor.u32 $0x3, v0;
	s1 =	simm.s32 $0x7530;
	s0 =	sadd.s32 s6, s0;
	s6 =	ssub.s32 s7, s25  }
0xf: {  	v8 =	vadd.s32 $0x903, v0;
	v9 =	vor.u32 $0x4, v0;
	v10 =	vadd.s32 $0x904, v0;
	s25 =	simm.s32 $0x6600;
	s7 =	simm.s32 $0x76E0;
	s0 =	sadd.s32 $0x3198000, s0  }
0x10: {  	v11 =	vor.u32 $0x5, v0;
	v12 =	vadd.s32 $0x905, v0;
	v13 =	vor.u32 $0x6, v0;
	s26 =	smax.u32 s6, $0x1;
	s6 =	simm.s32 $0x7650;
	[dreg:$0x3] =	wrdreg s0  }
0x11: {  	v14 =	vadd.s32 $0x906, v0;
	v15 =	vor.u32 $0x7, v0;
	v16 =	vadd.s32 $0x907, v0;
	[dreg:$0x4] =	wrdreg s26;
	s26 =	simm.s32 $0x71D0;
	s0 =	simm.s32 $0x74A0  }
.LBB2_12:
0x12: {  	s13 =	simm.s32 $0x3  }
0x13: {  	_ =	swait.ge [sflag:s13], $0x400  }
0x14: {  	[sflag:s13] =	ssyncset.done $0x0  }
0x15: {  	[sflag:s13] =	ssyncadd.s32 $0xFFFFFC00  }
0x16: {  	_ =	swait.ge [sflag:s13], $0x400  }
0x17: {  	[sflag:s13] =	ssyncset.done $0x0  }
0x18: {  	[sflag:s13] =	ssyncadd.s32 $0xFFFFFC00  }
0x19: {  	_ =	swait.ge [sflag:s13], $0x400  }
0x1a: {  	[sflag:s13] =	ssyncset.done $0x0  }
0x1b: {  	[sflag:s13] =	ssyncadd.s32 $0xFFFFFC00  }
0x1c: {  	_ =	swait.ge [sflag:s13], $0x400  }
0x1d: {  	[sflag:s13] =	ssyncset.done $0x0  }
0x1e: {  	[sflag:s13] =	ssyncadd.s32 $0xFFFFFC00  }
0x1f: {  	_ =	swait.ge [sflag:s23], $0x400  }
0x20: {  	[sflag:s23] =	ssyncset.done $0x0  }
0x21: {  	[sflag:s23] =	ssyncadd.s32 $0xFFFFFC00  }
0x22: {  	_ =	swait.ge [sflag:s23], $0x400  }
0x23: {  	[sflag:s23] =	ssyncset.done $0x0  }
0x24: {  	[sflag:s23] =	ssyncadd.s32 $0xFFFFFC00  }
0x25: {  	_ =	swait.ge [sflag:s23], $0x400  }
0x26: {  	[sflag:s23] =	ssyncset.done $0x0  }
0x27: {  	[sflag:s23] =	ssyncadd.s32 $0xFFFFFC00  }
0x28: {  	_ =	swait.ge [sflag:s23], $0x400  }
0x29: {  	s15 =	rddreg [dreg:$0x5]  }
0x2a: {  	s18 =	rddreg [dreg:$0x4];
	s15 =	sadd.s32 $0x1, s15  }
0x2b: {  	p0 =	sne.s32 s15, s18  }
.Ltmp1:
0x2c: {  	_ = 	snop;
	(pc) =	sbr.rel @!p0 .LBB2_13-.Ltmp1, $3  }
0x2d: {  	_ =	sdelay $0x1  }
0x2e: {  	[sflag:s23] =	ssyncset.done $0x0  }
0x2f: {  	[sflag:s23] =	ssyncadd.s32 $0xFFFFFC00  }
.LBB2_1:
0x30: {  	[dreg:$0x5] =	wrdreg s15  }
0x31: {  	s13 =	rddreg [dreg:$0x3];
	s17 =	simm.s32 $0x5  }
0x32: {  	[tilespmem:s3], [sflag:$0x5] =	stream.linear.gather [hbm4b:s13+s3], $0x3400, $0x38;
	[tilespmem:$0x7800] =	vst v63  }
0x33: {  	_ =	swait.ge [sflag:s17], $0x3400  }
0x34: {  	[sflag:s17] =	ssyncset.done $0x0  }
0x35: {  	s13 =	simm.s32 $0x40;
	[sflag:s17] =	ssyncadd.s32 $0xFFFFCC00  }
0x36: {  	v18 =	vld [tilespmem:s13+$0xFFFFFFC0]  }
0x37: {  	s18 =	sadd.s32 $0x0, s8;
	v20 =	vld [tilespmem:s13+$0xFFFFFFD0]  }
0x38: {  	s15 =	sshrl.u32 s18, $0x7;
	v21 =	vld [tilespmem:s13+$0xFFFFFFE0]  }
0x39: {  	s15 =	smul.u32 $0x186A0, s15;
	v19 =	vld [tilespmem:s13+$0x0]  }
0x3a: {  	v17 =	vld [tilespmem:s13+$0x10]  }
0x3b: {  	v22 =	vadd.s32 s15, v18;
	v18 =	vld [tilespmem:s13+$0x20]  }
0x3c: {  	s16 =	simm.s32 $0x1;
	s17 =	simm.s32 $0x40;
	[tilespmem:s13+$0xFFFFFFC0] =	vst v22;
	v22 =	vadd.s32 s15, v20;
	v20 =	vld [tilespmem:s13+$0x30]  }
.LBB2_2:
0x3d: {  	p0 =	sne.s32 s16, $0x67;
	[tilespmem:s13+$0xFFFFFFD0] =	vst v22;
	v21 =	vadd.s32 s15, v21;
	v22 =	vld [tilespmem:s13+$0xFFFFFFF0];
	s17 =	sadd.s32 $0x80, s17  }
0x3e: {  	v23 =	vld [tilespmem:s17+$0xFFFFFFC0];
	[tilespmem:s13+$0xFFFFFFE0] =	vst v21;
	v19 =	vadd.s32 s15, v19  }
0x3f: {  	s18 =	sadd.s32 s16, s8;
	v24 =	vld [tilespmem:s17+$0xFFFFFFD0];
	[tilespmem:s13+$0x0] =	vst v19;
	v17 =	vadd.s32 s15, v17  }
.Ltmp2:
0x40: {  	s18 =	sshrl.u32 s18, $0x7;
	v21 =	vld [tilespmem:s17+$0xFFFFFFE0];
	[tilespmem:s13+$0x10] =	vst v17;
	v17 =	vadd.s32 s15, v18;
	(pc) =	sbr.rel @p0 .LBB2_2-.Ltmp2, $4  }
0x41: {  	s18 =	smul.u32 $0x186A0, s18;
	v19 =	vld [tilespmem:s17+$0x0];
	[tilespmem:s13+$0x20] =	vst v17;
	v18 =	vadd.s32 s15, v20  }
0x42: {  	v17 =	vld [tilespmem:s17+$0x10];
	v20 =	vadd.s32 s15, v22;
	[tilespmem:s13+$0x30] =	vst v18  }
0x43: {  	s15 =	smov.u32 s18;
	v22 =	vadd.s32 s18, v23;
	v18 =	vld [tilespmem:s17+$0x20];
	[tilespmem:s13+$0xFFFFFFF0] =	vst v20;
	s13 =	smov.u32 s17  }
0x44: {  	s16 =	sadd.s32 $0x1, s16;
	[tilespmem:s17+$0xFFFFFFC0] =	vst v22;
	v22 =	vadd.s32 s15, v24;
	v20 =	vld [tilespmem:s17+$0x30]  }
0x45: {  	[tilespmem:s13+$0xFFFFFFD0] =	vst v22;
	v21 =	vadd.s32 s15, v21;
	v63 =	vld [tilespmem:s13+$0xFFFFFFF0]  }
0x46: {  	[tilespmem:s13+$0xFFFFFFE0] =	vst v21;
	v19 =	vadd.s32 s15, v19  }
0x47: {  	[tilespmem:s13+$0x0] =	vst v19;
	v17 =	vadd.s32 s15, v17  }
.Ltmp3:
0x48: {  	[tilespmem:s13+$0x10] =	vst v17;
	v17 =	vadd.s32 s15, v18;
	(pc) =	sbr.rel .LBB2_4-.Ltmp3, $4  }
0x49: {  	[tilespmem:s13+$0x20] =	vst v17;
	v17 =	vadd.s32 s15, v20  }
0x4a: {  	v18 =	vadd.s32 s15, v63;
	[tilespmem:s13+$0x30] =	vst v17  }
0x4b: {  	s18 =	simm.s32 $0x3400;
	[tilespmem:s13+$0xFFFFFFF0] =	vst v18;
	s13 =	simm.s32 $0x0  }
0x4c: {  	[tilespmem:s18], [sflag:$0x1] =	stream.indirect.gather [hbm4b:s4+s10], $0x20, s13, s10, $0xb8;
	[tilespmem:$0x7800] =	vst v63  }
.LBB2_10:
0x4d: {  	v19 =	vmov s18  }
0x4e: {  	v19 =	vshrl.u32 v19, $0x3  }
0x4f: {  	v19 =	vshll.u32 v19, v1  }
0x50: {  	v19 =	vbroadcast v19, $0x0  }
0x51: {  	[tilespmem:v18+s25+$0x0] =	vst.idx.msk $0xffff, v17;
	s15 =	sadd.s32 $0x100, s15  }
0x52: {  	v17 =	vld [tilespmem:s15+$0xFFFFFF80];
	v18 =	vadd.s32 v0, v19;
	_ =	sdelay $0x4  }
0x53: {  	[tilespmem:v18+s25+$0x0] =	vst.idx.msk $0xffff, v17  }
0x54: {  	s17 =	sadd.s32 $0xFFFFFFFA, s16;
	v18 =	vadd.s32 v2, v19;
	v17 =	vld [tilespmem:s15+$0xFFFFFF90]  }
0x55: {  	v19 =	vmov s17  }
0x56: {  	v19 =	vshrl.u32 v19, $0x3  }
0x57: {  	v19 =	vshll.u32 v19, v1  }
0x58: {  	v19 =	vbroadcast v19, $0x0  }
0x59: {  	[tilespmem:v18+s25+$0x0] =	vst.idx.msk $0xffff, v17  }
0x5a: {  	v18 =	vadd.s32 v3, v19;
	v17 =	vld [tilespmem:s15+$0xFFFFFFA0];
	_ =	sdelay $0x4  }
0x5b: {  	[tilespmem:v18+s25+$0x0] =	vst.idx.msk $0xffff, v17  }
0x5c: {  	s18 =	sadd.s32 $0xFFFFFFFB, s16;
	v18 =	vadd.s32 v4, v19;
	v17 =	vld [tilespmem:s15+$0xFFFFFFB0]  }
0x5d: {  	v19 =	vmov s18  }
0x5e: {  	v19 =	vshrl.u32 v19, $0x3  }
0x5f: {  	v19 =	vshll.u32 v19, v1  }
0x60: {  	v19 =	vbroadcast v19, $0x0  }
0x61: {  	[tilespmem:v18+s25+$0x0] =	vst.idx.msk $0xffff, v17  }
0x62: {  	v18 =	vadd.s32 v5, v19;
	v17 =	vld [tilespmem:s15+$0xFFFFFFC0];
	_ =	sdelay $0x4  }
0x63: {  	[tilespmem:v18+s25+$0x0] =	vst.idx.msk $0xffff, v17  }
0x64: {  	s18 =	sadd.s32 $0xFFFFFFFC, s16;
	v18 =	vadd.s32 v6, v19;
	v17 =	vld [tilespmem:s15+$0xFFFFFFD0]  }
0x65: {  	v19 =	vmov s18  }
0x66: {  	v19 =	vshrl.u32 v19, $0x3  }
0x67: {  	v19 =	vshll.u32 v19, v1  }
0x68: {  	v19 =	vbroadcast v19, $0x0  }
0x69: {  	[tilespmem:v18+s25+$0x0] =	vst.idx.msk $0xffff, v17  }
0x6a: {  	v18 =	vadd.s32 v7, v19;
	v17 =	vld [tilespmem:s15+$0xFFFFFFE0];
	_ =	sdelay $0x4  }
0x6b: {  	[tilespmem:v18+s25+$0x0] =	vst.idx.msk $0xffff, v17  }
0x6c: {  	s18 =	sadd.s32 $0xFFFFFFFD, s16;
	v18 =	vadd.s32 v8, v19;
	v17 =	vld [tilespmem:s15+$0xFFFFFFF0]  }
0x6d: {  	v19 =	vmov s18  }
0x6e: {  	v19 =	vshrl.u32 v19, $0x3  }
0x6f: {  	v19 =	vshll.u32 v19, v1  }
0x70: {  	v19 =	vbroadcast v19, $0x0  }
0x71: {  	[tilespmem:v18+s25+$0x0] =	vst.idx.msk $0xffff, v17  }
0x72: {  	v18 =	vadd.s32 v9, v19;
	v17 =	vld [tilespmem:s15+$0x0];
	_ =	sdelay $0x4  }
0x73: {  	[tilespmem:v18+s25+$0x0] =	vst.idx.msk $0xffff, v17  }
0x74: {  	s18 =	sadd.s32 $0xFFFFFFFE, s16;
	v18 =	vadd.s32 v10, v19;
	v17 =	vld [tilespmem:s15+$0x10]  }
0x75: {  	v19 =	vmov s18  }
0x76: {  	v19 =	vshrl.u32 v19, $0x3  }
0x77: {  	v19 =	vshll.u32 v19, v1  }
0x78: {  	v19 =	vbroadcast v19, $0x0  }
0x79: {  	[tilespmem:v18+s25+$0x0] =	vst.idx.msk $0xffff, v17  }
0x7a: {  	v18 =	vadd.s32 v11, v19;
	v17 =	vld [tilespmem:s15+$0x20];
	_ =	sdelay $0x4  }
0x7b: {  	[tilespmem:v18+s25+$0x0] =	vst.idx.msk $0xffff, v17  }
0x7c: {  	s18 =	sadd.s32 $0xFFFFFFFF, s16;
	v18 =	vadd.s32 v12, v19;
	v17 =	vld [tilespmem:s15+$0x30]  }
0x7d: {  	v19 =	vmov s18  }
0x7e: {  	v19 =	vshrl.u32 v19, $0x3  }
0x7f: {  	v19 =	vshll.u32 v19, v1  }
0x80: {  	v19 =	vbroadcast v19, $0x0  }
0x81: {  	[tilespmem:v18+s25+$0x0] =	vst.idx.msk $0xffff, v17  }
0x82: {  	v18 =	vadd.s32 v13, v19;
	v17 =	vld [tilespmem:s15+$0x40];
	_ =	sdelay $0x4  }
0x83: {  	[tilespmem:v18+s25+$0x0] =	vst.idx.msk $0xffff, v17  }
0x84: {  	v18 =	vadd.s32 v14, v19;
	v17 =	vld [tilespmem:s15+$0x50]  }
0x85: {  	v19 =	vmov s16  }
0x86: {  	v19 =	vshrl.u32 v19, $0x3  }
0x87: {  	v19 =	vshll.u32 v19, v1  }
0x88: {  	v19 =	vbroadcast v19, $0x0  }
0x89: {  	[tilespmem:v18+s25+$0x0] =	vst.idx.msk $0xffff, v17  }
0x8a: {  	v18 =	vadd.s32 v15, v19;
	v17 =	vld [tilespmem:s15+$0x60];
	_ =	sdelay $0x4  }
0x8b: {  	s16 =	sadd.s32 s5, s13;
	[tilespmem:v18+s25+$0x0] =	vst.idx.msk $0xffff, v17  }
0x8c: {  	s17 =	sshrl.u32 s16, $0x7;
	v18 =	vadd.s32 v16, v19;
	v17 =	vld [tilespmem:s15+$0x70]  }
0x8d: {  	s16 =	sshll.u32 s16, $0xA;
	s18 =	sshll.u32 s17, $0x11  }
0x8e: {  	s16 =	ssub.s32 s16, s18;
	s15 =	sshll.u32 s17, $0x13  }
0x8f: {  	s15 =	sadd.s32 s15, s16  }
0x90: {  	s16 =	sshrl.u32 s15, $0x3  }
0x91: {  	s16 =	sadd.s32 s2, s16;
	[tilespmem:v18+s25+$0x0] =	vst.idx.msk $0xffff, v17  }
0x92: {  	[hbm4b:s16+s3] =	stream.linear.scatter [tilespmem:s25], [sflag:$0x4], $0x80, $0x38;
	[tilespmem:$0x7800] =	vst v63  }
0x93: {  	s18 =	simm.s32 $0x6690;
	s17 =	sadd.s32 $0x10, s16  }
0x94: {  	[hbm4b:s17+s3] =	stream.linear.scatter [tilespmem:s18], [sflag:$0x4], $0x80, $0x38;
	[tilespmem:$0x7800] =	vst v63  }
0x95: {  	s17 =	sadd.s32 $0x20, s16;
	s18 =	simm.s32 $0x6720  }
0x96: {  	[hbm4b:s17+s3] =	stream.linear.scatter [tilespmem:s18], [sflag:$0x4], $0x80, $0x38;
	[tilespmem:$0x7800] =	vst v63  }
0x97: {  	s17 =	sadd.s32 $0x30, s16;
	s18 =	simm.s32 $0x67B0  }
0x98: {  	[hbm4b:s17+s3] =	stream.linear.scatter [tilespmem:s18], [sflag:$0x4], $0x80, $0x38;
	[tilespmem:$0x7800] =	vst v63  }
0x99: {  	s17 =	sadd.s32 $0x40, s16;
	s18 =	simm.s32 $0x6840  }
0x9a: {  	[hbm4b:s17+s3] =	stream.linear.scatter [tilespmem:s18], [sflag:$0x4], $0x80, $0x38;
	[tilespmem:$0x7800] =	vst v63  }
0x9b: {  	s17 =	sadd.s32 $0x50, s16;
	s18 =	simm.s32 $0x68D0  }
0x9c: {  	[hbm4b:s17+s3] =	stream.linear.scatter [tilespmem:s18], [sflag:$0x4], $0x80, $0x38;
	[tilespmem:$0x7800] =	vst v63  }
0x9d: {  	s17 =	sadd.s32 $0x60, s16;
	s18 =	simm.s32 $0x6960  }
0x9e: {  	[hbm4b:s17+s3] =	stream.linear.scatter [tilespmem:s18], [sflag:$0x4], $0x80, $0x38;
	[tilespmem:$0x7800] =	vst v63  }
0x9f: {  	s16 =	sadd.s32 $0x70, s16;
	s18 =	simm.s32 $0x69F0;
	s17 =	sadd.s32 $0x20000, s15  }
0xa0: {  	[hbm4b:s16+s3] =	stream.linear.scatter [tilespmem:s18], [sflag:$0x4], $0x80, $0x38;
	[tilespmem:$0x7800] =	vst v63  }
0xa1: {  	s16 =	sshrl.u32 s17, $0x3  }
0xa2: {  	s18 =	simm.s32 $0x6A80;
	s16 =	sadd.s32 s2, s16  }
0xa3: {  	[hbm4b:s16+s3] =	stream.linear.scatter [tilespmem:s18], [sflag:$0x4], $0x80, $0x38;
	[tilespmem:$0x7800] =	vst v63  }
0xa4: {  	s17 =	sadd.s32 $0x10, s16;
	s18 =	simm.s32 $0x6B10  }
0xa5: {  	[hbm4b:s17+s3] =	stream.linear.scatter [tilespmem:s18], [sflag:$0x4], $0x80, $0x38;
	[tilespmem:$0x7800] =	vst v63  }
0xa6: {  	s17 =	sadd.s32 $0x20, s16;
	s18 =	simm.s32 $0x6BA0  }
0xa7: {  	[hbm4b:s17+s3] =	stream.linear.scatter [tilespmem:s18], [sflag:$0x4], $0x80, $0x38;
	[tilespmem:$0x7800] =	vst v63  }
0xa8: {  	s17 =	sadd.s32 $0x30, s16;
	s18 =	simm.s32 $0x6C30  }
0xa9: {  	[hbm4b:s17+s3] =	stream.linear.scatter [tilespmem:s18], [sflag:$0x4], $0x80, $0x38;
	[tilespmem:$0x7800] =	vst v63  }
0xaa: {  	s17 =	sadd.s32 $0x40, s16;
	s18 =	simm.s32 $0x6CC0  }
0xab: {  	[hbm4b:s17+s3] =	stream.linear.scatter [tilespmem:s18], [sflag:$0x4], $0x80, $0x38;
	[tilespmem:$0x7800] =	vst v63  }
0xac: {  	s17 =	sadd.s32 $0x50, s16;
	s18 =	simm.s32 $0x6D50  }
0xad: {  	[hbm4b:s17+s3] =	stream.linear.scatter [tilespmem:s18], [sflag:$0x4], $0x80, $0x38;
	[tilespmem:$0x7800] =	vst v63  }
0xae: {  	s17 =	sadd.s32 $0x60, s16;
	s18 =	simm.s32 $0x6DE0  }
0xaf: {  	[hbm4b:s17+s3] =	stream.linear.scatter [tilespmem:s18], [sflag:$0x4], $0x80, $0x38;
	[tilespmem:$0x7800] =	vst v63  }
0xb0: {  	s16 =	sadd.s32 $0x70, s16;
	s18 =	simm.s32 $0x6E70;
	s17 =	sadd.s32 $0x40000, s15  }
0xb1: {  	[hbm4b:s16+s3] =	stream.linear.scatter [tilespmem:s18], [sflag:$0x4], $0x80, $0x38;
	[tilespmem:$0x7800] =	vst v63  }
0xb2: {  	s16 =	sshrl.u32 s17, $0x3  }
0xb3: {  	s18 =	simm.s32 $0x6F00;
	s16 =	sadd.s32 s2, s16  }
0xb4: {  	[hbm4b:s16+s3] =	stream.linear.scatter [tilespmem:s18], [sflag:$0x4], $0x80, $0x38;
	[tilespmem:$0x7800] =	vst v63  }
0xb5: {  	s18 =	sadd.s32 $0x10, s16  }
0xb6: {  	[hbm4b:s18+s3] =	stream.linear.scatter [tilespmem:s19], [sflag:$0x4], $0x80, $0x38;
	[tilespmem:$0x7800] =	vst v63  }
0xb7: {  	s18 =	sadd.s32 $0x20, s16  }
0xb8: {  	[hbm4b:s18+s3] =	stream.linear.scatter [tilespmem:s20], [sflag:$0x4], $0x80, $0x38;
	[tilespmem:$0x7800] =	vst v63  }
0xb9: {  	s18 =	sadd.s32 $0x30, s16  }
0xba: {  	[hbm4b:s18+s3] =	stream.linear.scatter [tilespmem:s21], [sflag:$0x4], $0x80, $0x38;
	[tilespmem:$0x7800] =	vst v63  }
0xbb: {  	s18 =	sadd.s32 $0x40, s16  }
0xbc: {  	[hbm4b:s18+s3] =	stream.linear.scatter [tilespmem:s22], [sflag:$0x4], $0x80, $0x38;
	[tilespmem:$0x7800] =	vst v63  }
0xbd: {  	s18 =	sadd.s32 $0x50, s16  }
0xbe: {  	[hbm4b:s18+s3] =	stream.linear.scatter [tilespmem:s26], [sflag:$0x4], $0x80, $0x38;
	[tilespmem:$0x7800] =	vst v63  }
0xbf: {  	s15 =	sadd.s32 $0x60000, s15;
	s18 =	sadd.s32 $0x60, s16  }
0xc0: {  	[hbm4b:s18+s3] =	stream.linear.scatter [tilespmem:s28], [sflag:$0x4], $0x80, $0x38;
	[tilespmem:$0x7800] =	vst v63  }
0xc1: {  	s15 =	sshrl.u32 s15, $0x3;
	s16 =	sadd.s32 $0x70, s16  }
0xc2: {  	[hbm4b:s16+s3] =	stream.linear.scatter [tilespmem:s29], [sflag:$0x4], $0x80, $0x38;
	[tilespmem:$0x7800] =	vst v63  }
0xc3: {  	s15 =	sadd.s32 s2, s15  }
0xc4: {  	[hbm4b:s15+s3] =	stream.linear.scatter [tilespmem:s30], [sflag:$0x4], $0x80, $0x38;
	[tilespmem:$0x7800] =	vst v63  }
0xc5: {  	s17 =	sadd.s32 $0x10, s15  }
0xc6: {  	[hbm4b:s17+s3] =	stream.linear.scatter [tilespmem:s31], [sflag:$0x4], $0x80, $0x38;
	[tilespmem:$0x7800] =	vst v63  }
0xc7: {  	s18 =	sadd.s32 $0x20, s15  }
0xc8: {  	[hbm4b:s18+s3] =	stream.linear.scatter [tilespmem:s0], [sflag:$0x4], $0x80, $0x38;
	[tilespmem:$0x7800] =	vst v63  }
0xc9: {  	s17 =	sadd.s32 $0x30, s15  }
0xca: {  	[hbm4b:s17+s3] =	stream.linear.scatter [tilespmem:s1], [sflag:$0x4], $0x80, $0x38;
	[tilespmem:$0x7800] =	vst v63  }
0xcb: {  	s18 =	sadd.s32 $0x40, s15  }
0xcc: {  	[hbm4b:s18+s3] =	stream.linear.scatter [tilespmem:s11], [sflag:$0x4], $0x80, $0x38;
	[tilespmem:$0x7800] =	vst v63  }
0xcd: {  	s17 =	sadd.s32 $0x50, s15  }
0xce: {  	[hbm4b:s17+s3] =	stream.linear.scatter [tilespmem:s6], [sflag:$0x4], $0x80, $0x38;
	[tilespmem:$0x7800] =	vst v63  }
0xcf: {  	s18 =	sadd.s32 $0x60, s15  }
0xd0: {  	[hbm4b:s18+s3] =	stream.linear.scatter [tilespmem:s7], [sflag:$0x4], $0x80, $0x38;
	[tilespmem:$0x7800] =	vst v63  }
0xd1: {  	s15 =	sadd.s32 $0x70, s15  }
0xd2: {  	[hbm4b:s15+s3] =	stream.linear.scatter [tilespmem:s9], [sflag:$0x4], $0x80, $0x38;
	[tilespmem:$0x7800] =	vst v63  }
.LBB2_11:
0xd3: {  	s13 =	sadd.s32 $0x1, s13  }
0xd4: {  	p0 =	sne.s32 s13, $0x68  }
.Ltmp4:
0xd5: {  	_ = 	snop;
	(pc) =	sbr.rel @!p0 .LBB2_12-.Ltmp4, $1  }
0xd6: {  	_ =	sdelay $0x3  }
.LBB2_4:
0xd7: {  	s15 =	sand.u32 $0x1, s13  }
0xd8: {  	p0 =	seq.s32 s15, $0x1  }
.Ltmp5:
0xd9: {  	_ = 	snop;
	(pc) =	sbr.rel @p0 .LBB2_8-.Ltmp5, $1  }
0xda: {  	_ =	sdelay $0x3  }
0xdb: {  	_ =	swait.ge [sflag:s12], $0x1000;
	s15 =	sshll.u32 s13, $0x7  }
0xdc: {  	s16 =	simm.s32 $0x4400;
	[sflag:s12] =	ssyncset.done $0x0;
	s15 =	sand.u32 $0x3FFFFF80, s15  }
0xdd: {  	p0 =	slt.u32 s13, $0x2;
	[sflag:s12] =	ssyncadd.s32 $0xFFFFF000;
	s15 =	sadd.s32 $0x80, s15  }
0xde: {  	[tilespmem:s16], [sflag:$0x2] =	stream.indirect.gather [hbm4b:s4+s10], $0x20, s15, s10, $0xb8;
	[tilespmem:$0x7800] =	vst v63  }
0xdf: {  	s15 =	simm.s32 @!p0 $0x3  }
0xe0: {  	_ =	swait.ge @!p0 [sflag:s15], $0x400  }
0xe1: {  	[sflag:s15] =	ssyncset.done @!p0 $0x0  }
0xe2: {  	[sflag:s15] =	ssyncadd.s32 @!p0 $0xFFFFFC00  }
0xe3: {  	_ =	swait.ge @!p0 [sflag:s15], $0x400  }
0xe4: {  	[sflag:s15] =	ssyncset.done @!p0 $0x0  }
0xe5: {  	[sflag:s15] =	ssyncadd.s32 @!p0 $0xFFFFFC00  }
0xe6: {  	s17 =	simm.s32 $0x0;
	_ =	swait.ge @!p0 [sflag:s15], $0x400  }
0xe7: {  	v17 =	vmov s17;
	[sflag:s15] =	ssyncset.done @!p0 $0x0  }
0xe8: {  	v17 =	vshrl.u32 v17, $0x3;
	[sflag:s15] =	ssyncadd.s32 @!p0 $0xFFFFFC00  }
0xe9: {  	v17 =	vshll.u32 v17, v1;
	_ =	swait.ge @!p0 [sflag:s15], $0x400  }
0xea: {  	v17 =	vbroadcast v17, $0x0;
	[sflag:s15] =	ssyncset.done @!p0 $0x0  }
0xeb: {  	[sflag:s15] =	ssyncadd.s32 @!p0 $0xFFFFFC00;
	s15 =	simm.s32 $0x3480  }
0xec: {  	v19 =	vadd.s32 v0, v17;
	v18 =	vld [tilespmem:s15+$0xFFFFFF80];
	_ =	sdelay $0x4  }
0xed: {  	[tilespmem:v19+s14+$0x0] =	vst.idx.msk $0xffff, v18  }
0xee: {  	s18 =	simm.s32 $0x1;
	v17 =	vadd.s32 v2, v17;
	v18 =	vld [tilespmem:s15+$0xFFFFFF90]  }
0xef: {  	v19 =	vmov s18  }
0xf0: {  	v19 =	vshrl.u32 v19, $0x3  }
0xf1: {  	v19 =	vshll.u32 v19, v1  }
0xf2: {  	v19 =	vbroadcast v19, $0x0  }
0xf3: {  	[tilespmem:v17+s14+$0x0] =	vst.idx.msk $0xffff, v18  }
0xf4: {  	v18 =	vadd.s32 v3, v19;
	v17 =	vld [tilespmem:s15+$0xFFFFFFA0];
	_ =	sdelay $0x4  }
0xf5: {  	[tilespmem:v18+s14+$0x0] =	vst.idx.msk $0xffff, v17  }
0xf6: {  	s17 =	simm.s32 $0x2;
	v18 =	vadd.s32 v4, v19;
	v17 =	vld [tilespmem:s15+$0xFFFFFFB0]  }
0xf7: {  	v19 =	vmov s17  }
0xf8: {  	v19 =	vshrl.u32 v19, $0x3  }
0xf9: {  	v19 =	vshll.u32 v19, v1  }
0xfa: {  	v19 =	vbroadcast v19, $0x0  }
0xfb: {  	[tilespmem:v18+s14+$0x0] =	vst.idx.msk $0xffff, v17  }
0xfc: {  	v18 =	vadd.s32 v5, v19;
	v17 =	vld [tilespmem:s15+$0xFFFFFFC0];
	_ =	sdelay $0x4  }
0xfd: {  	[tilespmem:v18+s14+$0x0] =	vst.idx.msk $0xffff, v17  }
0xfe: {  	s18 =	simm.s32 $0x3;
	v18 =	vadd.s32 v6, v19;
	v17 =	vld [tilespmem:s15+$0xFFFFFFD0]  }
0xff: {  	v19 =	vmov s18  }
0x100: {  	v19 =	vshrl.u32 v19, $0x3  }
0x101: {  	v19 =	vshll.u32 v19, v1  }
0x102: {  	v19 =	vbroadcast v19, $0x0  }
0x103: {  	[tilespmem:v18+s14+$0x0] =	vst.idx.msk $0xffff, v17  }
0x104: {  	v18 =	vadd.s32 v7, v19;
	v17 =	vld [tilespmem:s15+$0xFFFFFFE0];
	_ =	sdelay $0x4  }
0x105: {  	[tilespmem:v18+s14+$0x0] =	vst.idx.msk $0xffff, v17  }
0x106: {  	s17 =	simm.s32 $0x4;
	v18 =	vadd.s32 v8, v19;
	v17 =	vld [tilespmem:s15+$0xFFFFFFF0]  }
0x107: {  	v19 =	vmov s17  }
0x108: {  	v19 =	vshrl.u32 v19, $0x3  }
0x109: {  	v19 =	vshll.u32 v19, v1  }
0x10a: {  	v19 =	vbroadcast v19, $0x0  }
0x10b: {  	[tilespmem:v18+s14+$0x0] =	vst.idx.msk $0xffff, v17  }
0x10c: {  	v18 =	vadd.s32 v9, v19;
	v17 =	vld [tilespmem:s15+$0x0];
	_ =	sdelay $0x4  }
0x10d: {  	[tilespmem:v18+s14+$0x0] =	vst.idx.msk $0xffff, v17  }
0x10e: {  	s18 =	simm.s32 $0x5;
	v18 =	vadd.s32 v10, v19;
	v17 =	vld [tilespmem:s15+$0x10]  }
0x10f: {  	v19 =	vmov s18  }
0x110: {  	v19 =	vshrl.u32 v19, $0x3  }
0x111: {  	v19 =	vshll.u32 v19, v1  }
0x112: {  	v19 =	vbroadcast v19, $0x0  }
0x113: {  	[tilespmem:v18+s14+$0x0] =	vst.idx.msk $0xffff, v17  }
0x114: {  	v18 =	vadd.s32 v11, v19;
	v17 =	vld [tilespmem:s15+$0x20];
	_ =	sdelay $0x4  }
0x115: {  	[tilespmem:v18+s14+$0x0] =	vst.idx.msk $0xffff, v17  }
0x116: {  	s17 =	simm.s32 $0x6;
	v18 =	vadd.s32 v12, v19;
	v17 =	vld [tilespmem:s15+$0x30]  }
0x117: {  	v19 =	vmov s17  }
0x118: {  	v19 =	vshrl.u32 v19, $0x3  }
0x119: {  	v19 =	vshll.u32 v19, v1  }
0x11a: {  	v19 =	vbroadcast v19, $0x0  }
0x11b: {  	[tilespmem:v18+s14+$0x0] =	vst.idx.msk $0xffff, v17  }
0x11c: {  	v18 =	vadd.s32 v13, v19;
	v17 =	vld [tilespmem:s15+$0x40];
	_ =	sdelay $0x4  }
0x11d: {  	[tilespmem:v18+s14+$0x0] =	vst.idx.msk $0xffff, v17  }
0x11e: {  	s18 =	simm.s32 $0x7;
	v18 =	vadd.s32 v14, v19;
	v17 =	vld [tilespmem:s15+$0x50]  }
0x11f: {  	v19 =	vmov s18  }
0x120: {  	v19 =	vshrl.u32 v19, $0x3  }
0x121: {  	v19 =	vshll.u32 v19, v1  }
0x122: {  	v19 =	vbroadcast v19, $0x0  }
0x123: {  	[tilespmem:v18+s14+$0x0] =	vst.idx.msk $0xffff, v17  }
0x124: {  	v18 =	vadd.s32 v15, v19;
	v17 =	vld [tilespmem:s15+$0x60];
	_ =	sdelay $0x4  }
0x125: {  	[tilespmem:v18+s14+$0x0] =	vst.idx.msk $0xffff, v17  }
0x126: {  	s16 =	simm.s32 $0xF;
	s17 =	simm.s32 $0x17;
	s18 =	simm.s32 $0x8;
	v18 =	vadd.s32 v16, v19;
	v17 =	vld [tilespmem:s15+$0x70]  }
.LBB2_6:
0x127: {  	p0 =	sne.s32 s17, $0x7F;
	v19 =	vmov s18  }
0x128: {  	v19 =	vshrl.u32 v19, $0x3  }
0x129: {  	v19 =	vshll.u32 v19, v1  }
0x12a: {  	v19 =	vbroadcast v19, $0x0  }
0x12b: {  	s15 =	sadd.s32 $0x100, s15;
	[tilespmem:v18+s14+$0x0] =	vst.idx.msk $0xffff, v17  }
0x12c: {  	v17 =	vld [tilespmem:s15+$0xFFFFFF80];
	v18 =	vadd.s32 v0, v19;
	_ =	sdelay $0x4  }
0x12d: {  	[tilespmem:v18+s14+$0x0] =	vst.idx.msk $0xffff, v17  }
0x12e: {  	s18 =	sadd.s32 $0xFFFFFFFA, s16;
	v18 =	vadd.s32 v2, v19;
	v17 =	vld [tilespmem:s15+$0xFFFFFF90]  }
0x12f: {  	v19 =	vmov s18  }
0x130: {  	v19 =	vshrl.u32 v19, $0x3  }
0x131: {  	v19 =	vshll.u32 v19, v1  }
0x132: {  	v19 =	vbroadcast v19, $0x0  }
0x133: {  	[tilespmem:v18+s14+$0x0] =	vst.idx.msk $0xffff, v17  }
0x134: {  	v18 =	vadd.s32 v3, v19;
	v17 =	vld [tilespmem:s15+$0xFFFFFFA0];
	_ =	sdelay $0x4  }
0x135: {  	[tilespmem:v18+s14+$0x0] =	vst.idx.msk $0xffff, v17  }
0x136: {  	s18 =	sadd.s32 $0xFFFFFFFB, s16;
	v18 =	vadd.s32 v4, v19;
	v17 =	vld [tilespmem:s15+$0xFFFFFFB0]  }
0x137: {  	v19 =	vmov s18  }
0x138: {  	v19 =	vshrl.u32 v19, $0x3  }
0x139: {  	v19 =	vshll.u32 v19, v1  }
0x13a: {  	v19 =	vbroadcast v19, $0x0  }
0x13b: {  	[tilespmem:v18+s14+$0x0] =	vst.idx.msk $0xffff, v17  }
0x13c: {  	v18 =	vadd.s32 v5, v19;
	v17 =	vld [tilespmem:s15+$0xFFFFFFC0];
	_ =	sdelay $0x4  }
0x13d: {  	[tilespmem:v18+s14+$0x0] =	vst.idx.msk $0xffff, v17  }
0x13e: {  	s18 =	sadd.s32 $0xFFFFFFFC, s16;
	v18 =	vadd.s32 v6, v19;
	v17 =	vld [tilespmem:s15+$0xFFFFFFD0]  }
0x13f: {  	v19 =	vmov s18  }
0x140: {  	v19 =	vshrl.u32 v19, $0x3  }
0x141: {  	v19 =	vshll.u32 v19, v1  }
0x142: {  	v19 =	vbroadcast v19, $0x0  }
0x143: {  	[tilespmem:v18+s14+$0x0] =	vst.idx.msk $0xffff, v17  }
0x144: {  	v18 =	vadd.s32 v7, v19;
	v17 =	vld [tilespmem:s15+$0xFFFFFFE0];
	_ =	sdelay $0x4  }
0x145: {  	[tilespmem:v18+s14+$0x0] =	vst.idx.msk $0xffff, v17  }
0x146: {  	s18 =	sadd.s32 $0xFFFFFFFD, s16;
	v18 =	vadd.s32 v8, v19;
	v17 =	vld [tilespmem:s15+$0xFFFFFFF0]  }
0x147: {  	v19 =	vmov s18  }
0x148: {  	v19 =	vshrl.u32 v19, $0x3  }
0x149: {  	v19 =	vshll.u32 v19, v1  }
0x14a: {  	v19 =	vbroadcast v19, $0x0  }
0x14b: {  	[tilespmem:v18+s14+$0x0] =	vst.idx.msk $0xffff, v17  }
0x14c: {  	v18 =	vadd.s32 v9, v19;
	v17 =	vld [tilespmem:s15+$0x0];
	_ =	sdelay $0x4  }
0x14d: {  	[tilespmem:v18+s14+$0x0] =	vst.idx.msk $0xffff, v17  }
0x14e: {  	s18 =	sadd.s32 $0xFFFFFFFE, s16;
	v18 =	vadd.s32 v10, v19;
	v17 =	vld [tilespmem:s15+$0x10]  }
0x14f: {  	v19 =	vmov s18  }
0x150: {  	v19 =	vshrl.u32 v19, $0x3  }
0x151: {  	v19 =	vshll.u32 v19, v1  }
0x152: {  	v19 =	vbroadcast v19, $0x0  }
0x153: {  	[tilespmem:v18+s14+$0x0] =	vst.idx.msk $0xffff, v17  }
0x154: {  	v18 =	vadd.s32 v11, v19;
	v17 =	vld [tilespmem:s15+$0x20];
	_ =	sdelay $0x4  }
0x155: {  	[tilespmem:v18+s14+$0x0] =	vst.idx.msk $0xffff, v17  }
0x156: {  	s18 =	sadd.s32 $0xFFFFFFFF, s16;
	v18 =	vadd.s32 v12, v19;
	v17 =	vld [tilespmem:s15+$0x30]  }
0x157: {  	v19 =	vmov s18  }
0x158: {  	v19 =	vshrl.u32 v19, $0x3  }
0x159: {  	v19 =	vshll.u32 v19, v1  }
0x15a: {  	v19 =	vbroadcast v19, $0x0  }
0x15b: {  	[tilespmem:v18+s14+$0x0] =	vst.idx.msk $0xffff, v17  }
0x15c: {  	v18 =	vadd.s32 v13, v19;
	v17 =	vld [tilespmem:s15+$0x40];
	_ =	sdelay $0x4  }
0x15d: {  	[tilespmem:v18+s14+$0x0] =	vst.idx.msk $0xffff, v17  }
0x15e: {  	v18 =	vadd.s32 v14, v19;
	v17 =	vld [tilespmem:s15+$0x50]  }
0x15f: {  	v19 =	vmov s16;
	s16 =	smov.u32 s17  }
0x160: {  	v19 =	vshrl.u32 v19, $0x3  }
0x161: {  	v19 =	vshll.u32 v19, v1  }
0x162: {  	v19 =	vbroadcast v19, $0x0  }
0x163: {  	[tilespmem:v18+s14+$0x0] =	vst.idx.msk $0xffff, v17  }
0x164: {  	v18 =	vadd.s32 v15, v19;
	v17 =	vld [tilespmem:s15+$0x60];
	_ =	sdelay $0x1  }
.Ltmp6:
0x165: {  	(pc) =	sbr.rel @p0 .LBB2_6-.Ltmp6, $3  }
0x166: {  	_ =	sdelay $0x1  }
0x167: {  	[tilespmem:v18+s14+$0x0] =	vst.idx.msk $0xffff, v17  }
0x168: {  	s17 =	sadd.s32 $0x8, s17;
	s18 =	sadd.s32 $0xFFFFFFF9, s16;
	v18 =	vadd.s32 v16, v19;
	v17 =	vld [tilespmem:s15+$0x70]  }
0x169: {  	v19 =	vmov s18  }
0x16a: {  	v19 =	vshrl.u32 v19, $0x3  }
0x16b: {  	v19 =	vshll.u32 v19, v1  }
0x16c: {  	v19 =	vbroadcast v19, $0x0  }
0x16d: {  	s15 =	sadd.s32 $0x100, s15;
	[tilespmem:v18+s14+$0x0] =	vst.idx.msk $0xffff, v17  }
0x16e: {  	v17 =	vld [tilespmem:s15+$0xFFFFFF80];
	v18 =	vadd.s32 v0, v19;
	_ =	sdelay $0x4  }
0x16f: {  	[tilespmem:v18+s14+$0x0] =	vst.idx.msk $0xffff, v17  }
0x170: {  	s17 =	sadd.s32 $0xFFFFFFFA, s16;
	v18 =	vadd.s32 v2, v19;
	v17 =	vld [tilespmem:s15+$0xFFFFFF90]  }
0x171: {  	v19 =	vmov s17  }
0x172: {  	v19 =	vshrl.u32 v19, $0x3  }
0x173: {  	v19 =	vshll.u32 v19, v1  }
0x174: {  	v19 =	vbroadcast v19, $0x0  }
0x175: {  	[tilespmem:v18+s14+$0x0] =	vst.idx.msk $0xffff, v17  }
0x176: {  	v18 =	vadd.s32 v3, v19;
	v17 =	vld [tilespmem:s15+$0xFFFFFFA0];
	_ =	sdelay $0x4  }
0x177: {  	[tilespmem:v18+s14+$0x0] =	vst.idx.msk $0xffff, v17  }
0x178: {  	s18 =	sadd.s32 $0xFFFFFFFB, s16;
	v18 =	vadd.s32 v4, v19;
	v17 =	vld [tilespmem:s15+$0xFFFFFFB0]  }
0x179: {  	v19 =	vmov s18  }
0x17a: {  	v19 =	vshrl.u32 v19, $0x3  }
0x17b: {  	v19 =	vshll.u32 v19, v1  }
0x17c: {  	v19 =	vbroadcast v19, $0x0  }
0x17d: {  	[tilespmem:v18+s14+$0x0] =	vst.idx.msk $0xffff, v17  }
0x17e: {  	v18 =	vadd.s32 v5, v19;
	v17 =	vld [tilespmem:s15+$0xFFFFFFC0];
	_ =	sdelay $0x4  }
0x17f: {  	[tilespmem:v18+s14+$0x0] =	vst.idx.msk $0xffff, v17  }
0x180: {  	s18 =	sadd.s32 $0xFFFFFFFC, s16;
	v18 =	vadd.s32 v6, v19;
	v17 =	vld [tilespmem:s15+$0xFFFFFFD0]  }
0x181: {  	v19 =	vmov s18  }
0x182: {  	v19 =	vshrl.u32 v19, $0x3  }
0x183: {  	v19 =	vshll.u32 v19, v1  }
0x184: {  	v19 =	vbroadcast v19, $0x0  }
0x185: {  	[tilespmem:v18+s14+$0x0] =	vst.idx.msk $0xffff, v17  }
0x186: {  	v18 =	vadd.s32 v7, v19;
	v17 =	vld [tilespmem:s15+$0xFFFFFFE0];
	_ =	sdelay $0x4  }
0x187: {  	[tilespmem:v18+s14+$0x0] =	vst.idx.msk $0xffff, v17  }
0x188: {  	s18 =	sadd.s32 $0xFFFFFFFD, s16;
	v18 =	vadd.s32 v8, v19;
	v17 =	vld [tilespmem:s15+$0xFFFFFFF0]  }
0x189: {  	v19 =	vmov s18  }
0x18a: {  	v19 =	vshrl.u32 v19, $0x3  }
0x18b: {  	v19 =	vshll.u32 v19, v1  }
0x18c: {  	v19 =	vbroadcast v19, $0x0  }
0x18d: {  	[tilespmem:v18+s14+$0x0] =	vst.idx.msk $0xffff, v17  }
0x18e: {  	v18 =	vadd.s32 v9, v19;
	v17 =	vld [tilespmem:s15+$0x0];
	_ =	sdelay $0x4  }
0x18f: {  	[tilespmem:v18+s14+$0x0] =	vst.idx.msk $0xffff, v17  }
0x190: {  	s18 =	sadd.s32 $0xFFFFFFFE, s16;
	v18 =	vadd.s32 v10, v19;
	v17 =	vld [tilespmem:s15+$0x10]  }
0x191: {  	v19 =	vmov s18  }
0x192: {  	v19 =	vshrl.u32 v19, $0x3  }
0x193: {  	v19 =	vshll.u32 v19, v1  }
0x194: {  	v19 =	vbroadcast v19, $0x0  }
0x195: {  	[tilespmem:v18+s14+$0x0] =	vst.idx.msk $0xffff, v17  }
0x196: {  	v18 =	vadd.s32 v11, v19;
	v17 =	vld [tilespmem:s15+$0x20];
	_ =	sdelay $0x4  }
0x197: {  	[tilespmem:v18+s14+$0x0] =	vst.idx.msk $0xffff, v17  }
0x198: {  	s18 =	sadd.s32 $0xFFFFFFFF, s16;
	v18 =	vadd.s32 v12, v19;
	v17 =	vld [tilespmem:s15+$0x30]  }
0x199: {  	v19 =	vmov s18  }
0x19a: {  	v19 =	vshrl.u32 v19, $0x3  }
0x19b: {  	v19 =	vshll.u32 v19, v1  }
0x19c: {  	v19 =	vbroadcast v19, $0x0  }
0x19d: {  	[tilespmem:v18+s14+$0x0] =	vst.idx.msk $0xffff, v17  }
0x19e: {  	v18 =	vadd.s32 v13, v19;
	v17 =	vld [tilespmem:s15+$0x40];
	_ =	sdelay $0x4  }
0x19f: {  	[tilespmem:v18+s14+$0x0] =	vst.idx.msk $0xffff, v17  }
0x1a0: {  	v18 =	vadd.s32 v14, v19;
	v17 =	vld [tilespmem:s15+$0x50]  }
0x1a1: {  	v19 =	vmov s16  }
0x1a2: {  	v19 =	vshrl.u32 v19, $0x3  }
0x1a3: {  	v19 =	vshll.u32 v19, v1  }
0x1a4: {  	v19 =	vbroadcast v19, $0x0  }
0x1a5: {  	[tilespmem:v18+s14+$0x0] =	vst.idx.msk $0xffff, v17  }
0x1a6: {  	v18 =	vadd.s32 v15, v19;
	v17 =	vld [tilespmem:s15+$0x60];
	_ =	sdelay $0x4  }
0x1a7: {  	s16 =	sadd.s32 s5, s13;
	[tilespmem:v18+s14+$0x0] =	vst.idx.msk $0xffff, v17  }
0x1a8: {  	s17 =	sshrl.u32 s16, $0x7;
	v18 =	vadd.s32 v16, v19;
	v17 =	vld [tilespmem:s15+$0x70]  }
0x1a9: {  	s16 =	sshll.u32 s16, $0xA;
	s18 =	sshll.u32 s17, $0x11  }
0x1aa: {  	s16 =	ssub.s32 s16, s18;
	s15 =	sshll.u32 s17, $0x13  }
0x1ab: {  	s15 =	sadd.s32 s15, s16  }
0x1ac: {  	s16 =	sshrl.u32 s15, $0x3  }
0x1ad: {  	s16 =	sadd.s32 s2, s16;
	[tilespmem:v18+s14+$0x0] =	vst.idx.msk $0xffff, v17  }
0x1ae: {  	[hbm4b:s16+s3] =	stream.linear.scatter [tilespmem:s14], [sflag:$0x3], $0x80, $0x38;
	[tilespmem:$0x7800] =	vst v63  }
0x1af: {  	s18 =	simm.s32 $0x5490;
	s17 =	sadd.s32 $0x10, s16  }
0x1b0: {  	[hbm4b:s17+s3] =	stream.linear.scatter [tilespmem:s18], [sflag:$0x3], $0x80, $0x38;
	[tilespmem:$0x7800] =	vst v63  }
0x1b1: {  	s17 =	sadd.s32 $0x20, s16;
	s18 =	simm.s32 $0x5520  }
0x1b2: {  	[hbm4b:s17+s3] =	stream.linear.scatter [tilespmem:s18], [sflag:$0x3], $0x80, $0x38;
	[tilespmem:$0x7800] =	vst v63  }
0x1b3: {  	s17 =	sadd.s32 $0x30, s16;
	s18 =	simm.s32 $0x55B0  }
0x1b4: {  	[hbm4b:s17+s3] =	stream.linear.scatter [tilespmem:s18], [sflag:$0x3], $0x80, $0x38;
	[tilespmem:$0x7800] =	vst v63  }
0x1b5: {  	s17 =	sadd.s32 $0x40, s16;
	s18 =	simm.s32 $0x5640  }
0x1b6: {  	[hbm4b:s17+s3] =	stream.linear.scatter [tilespmem:s18], [sflag:$0x3], $0x80, $0x38;
	[tilespmem:$0x7800] =	vst v63  }
0x1b7: {  	s17 =	sadd.s32 $0x50, s16;
	s18 =	simm.s32 $0x56D0  }
0x1b8: {  	[hbm4b:s17+s3] =	stream.linear.scatter [tilespmem:s18], [sflag:$0x3], $0x80, $0x38;
	[tilespmem:$0x7800] =	vst v63  }
0x1b9: {  	s17 =	sadd.s32 $0x60, s16;
	s18 =	simm.s32 $0x5760  }
0x1ba: {  	[hbm4b:s17+s3] =	stream.linear.scatter [tilespmem:s18], [sflag:$0x3], $0x80, $0x38;
	[tilespmem:$0x7800] =	vst v63  }
0x1bb: {  	s16 =	sadd.s32 $0x70, s16;
	s18 =	simm.s32 $0x57F0;
	s17 =	sadd.s32 $0x20000, s15  }
0x1bc: {  	[hbm4b:s16+s3] =	stream.linear.scatter [tilespmem:s18], [sflag:$0x3], $0x80, $0x38;
	[tilespmem:$0x7800] =	vst v63  }
0x1bd: {  	s16 =	sshrl.u32 s17, $0x3  }
0x1be: {  	s18 =	simm.s32 $0x5880;
	s16 =	sadd.s32 s2, s16  }
0x1bf: {  	[hbm4b:s16+s3] =	stream.linear.scatter [tilespmem:s18], [sflag:$0x3], $0x80, $0x38;
	[tilespmem:$0x7800] =	vst v63  }
0x1c0: {  	s17 =	sadd.s32 $0x10, s16;
	s18 =	simm.s32 $0x5910  }
0x1c1: {  	[hbm4b:s17+s3] =	stream.linear.scatter [tilespmem:s18], [sflag:$0x3], $0x80, $0x38;
	[tilespmem:$0x7800] =	vst v63  }
0x1c2: {  	s17 =	sadd.s32 $0x20, s16;
	s18 =	simm.s32 $0x59A0  }
0x1c3: {  	[hbm4b:s17+s3] =	stream.linear.scatter [tilespmem:s18], [sflag:$0x3], $0x80, $0x38;
	[tilespmem:$0x7800] =	vst v63  }
0x1c4: {  	s17 =	sadd.s32 $0x30, s16;
	s18 =	simm.s32 $0x5A30  }
0x1c5: {  	[hbm4b:s17+s3] =	stream.linear.scatter [tilespmem:s18], [sflag:$0x3], $0x80, $0x38;
	[tilespmem:$0x7800] =	vst v63  }
0x1c6: {  	s17 =	sadd.s32 $0x40, s16;
	s18 =	simm.s32 $0x5AC0  }
0x1c7: {  	[hbm4b:s17+s3] =	stream.linear.scatter [tilespmem:s18], [sflag:$0x3], $0x80, $0x38;
	[tilespmem:$0x7800] =	vst v63  }
0x1c8: {  	s17 =	sadd.s32 $0x50, s16;
	s18 =	simm.s32 $0x5B50  }
0x1c9: {  	[hbm4b:s17+s3] =	stream.linear.scatter [tilespmem:s18], [sflag:$0x3], $0x80, $0x38;
	[tilespmem:$0x7800] =	vst v63  }
0x1ca: {  	s17 =	sadd.s32 $0x60, s16;
	s18 =	simm.s32 $0x5BE0  }
0x1cb: {  	[hbm4b:s17+s3] =	stream.linear.scatter [tilespmem:s18], [sflag:$0x3], $0x80, $0x38;
	[tilespmem:$0x7800] =	vst v63  }
0x1cc: {  	s16 =	sadd.s32 $0x70, s16;
	s18 =	simm.s32 $0x5C70;
	s17 =	sadd.s32 $0x40000, s15  }
0x1cd: {  	[hbm4b:s16+s3] =	stream.linear.scatter [tilespmem:s18], [sflag:$0x3], $0x80, $0x38;
	[tilespmem:$0x7800] =	vst v63  }
0x1ce: {  	s16 =	sshrl.u32 s17, $0x3  }
0x1cf: {  	s18 =	simm.s32 $0x5D00;
	s16 =	sadd.s32 s2, s16  }
0x1d0: {  	[hbm4b:s16+s3] =	stream.linear.scatter [tilespmem:s18], [sflag:$0x3], $0x80, $0x38;
	[tilespmem:$0x7800] =	vst v63  }
0x1d1: {  	s17 =	sadd.s32 $0x10, s16;
	s18 =	simm.s32 $0x5D90  }
0x1d2: {  	[hbm4b:s17+s3] =	stream.linear.scatter [tilespmem:s18], [sflag:$0x3], $0x80, $0x38;
	[tilespmem:$0x7800] =	vst v63  }
0x1d3: {  	s17 =	sadd.s32 $0x20, s16;
	s18 =	simm.s32 $0x5E20  }
0x1d4: {  	[hbm4b:s17+s3] =	stream.linear.scatter [tilespmem:s18], [sflag:$0x3], $0x80, $0x38;
	[tilespmem:$0x7800] =	vst v63  }
0x1d5: {  	s17 =	sadd.s32 $0x30, s16;
	s18 =	simm.s32 $0x5EB0  }
0x1d6: {  	[hbm4b:s17+s3] =	stream.linear.scatter [tilespmem:s18], [sflag:$0x3], $0x80, $0x38;
	[tilespmem:$0x7800] =	vst v63  }
0x1d7: {  	s17 =	sadd.s32 $0x40, s16;
	s18 =	simm.s32 $0x5F40  }
0x1d8: {  	[hbm4b:s17+s3] =	stream.linear.scatter [tilespmem:s18], [sflag:$0x3], $0x80, $0x38;
	[tilespmem:$0x7800] =	vst v63  }
0x1d9: {  	s17 =	sadd.s32 $0x50, s16;
	s18 =	simm.s32 $0x5FD0  }
0x1da: {  	[hbm4b:s17+s3] =	stream.linear.scatter [tilespmem:s18], [sflag:$0x3], $0x80, $0x38;
	[tilespmem:$0x7800] =	vst v63  }
0x1db: {  	s15 =	sadd.s32 $0x60000, s15;
	s17 =	sadd.s32 $0x60, s16;
	s18 =	simm.s32 $0x6060  }
0x1dc: {  	[hbm4b:s17+s3] =	stream.linear.scatter [tilespmem:s18], [sflag:$0x3], $0x80, $0x38;
	[tilespmem:$0x7800] =	vst v63  }
0x1dd: {  	s15 =	sshrl.u32 s15, $0x3;
	s16 =	sadd.s32 $0x70, s16;
	s18 =	simm.s32 $0x60F0  }
0x1de: {  	[hbm4b:s16+s3] =	stream.linear.scatter [tilespmem:s18], [sflag:$0x3], $0x80, $0x38;
	[tilespmem:$0x7800] =	vst v63  }
0x1df: {  	s15 =	sadd.s32 s2, s15;
	s18 =	simm.s32 $0x6180  }
0x1e0: {  	[hbm4b:s15+s3] =	stream.linear.scatter [tilespmem:s18], [sflag:$0x3], $0x80, $0x38;
	[tilespmem:$0x7800] =	vst v63  }
0x1e1: {  	s17 =	sadd.s32 $0x10, s15;
	s18 =	simm.s32 $0x6210  }
0x1e2: {  	[hbm4b:s17+s3] =	stream.linear.scatter [tilespmem:s18], [sflag:$0x3], $0x80, $0x38;
	[tilespmem:$0x7800] =	vst v63  }
0x1e3: {  	s17 =	sadd.s32 $0x20, s15;
	s18 =	simm.s32 $0x62A0  }
0x1e4: {  	[hbm4b:s17+s3] =	stream.linear.scatter [tilespmem:s18], [sflag:$0x3], $0x80, $0x38;
	[tilespmem:$0x7800] =	vst v63  }
0x1e5: {  	s17 =	sadd.s32 $0x30, s15;
	s18 =	simm.s32 $0x6330  }
0x1e6: {  	[hbm4b:s17+s3] =	stream.linear.scatter [tilespmem:s18], [sflag:$0x3], $0x80, $0x38;
	[tilespmem:$0x7800] =	vst v63  }
0x1e7: {  	s17 =	sadd.s32 $0x40, s15;
	s18 =	simm.s32 $0x63C0  }
0x1e8: {  	[hbm4b:s17+s3] =	stream.linear.scatter [tilespmem:s18], [sflag:$0x3], $0x80, $0x38;
	[tilespmem:$0x7800] =	vst v63  }
0x1e9: {  	s17 =	sadd.s32 $0x50, s15;
	s18 =	simm.s32 $0x6450  }
0x1ea: {  	[hbm4b:s17+s3] =	stream.linear.scatter [tilespmem:s18], [sflag:$0x3], $0x80, $0x38;
	[tilespmem:$0x7800] =	vst v63  }
.Ltmp7:
0x1eb: {  	_ = 	snop;
	(pc) =	sbr.rel .LBB2_11-.Ltmp7, $4  }
0x1ec: {  	s17 =	sadd.s32 $0x60, s15;
	s18 =	simm.s32 $0x64E0  }
0x1ed: {  	[hbm4b:s17+s3] =	stream.linear.scatter [tilespmem:s18], [sflag:$0x3], $0x80, $0x38;
	[tilespmem:$0x7800] =	vst v63  }
0x1ee: {  	s15 =	sadd.s32 $0x70, s15;
	s18 =	simm.s32 $0x6570  }
0x1ef: {  	[hbm4b:s15+s3] =	stream.linear.scatter [tilespmem:s18], [sflag:$0x3], $0x80, $0x38;
	[tilespmem:$0x7800] =	vst v63  }
.LBB2_8:
0x1f0: {  	_ =	swait.ge [sflag:s24], $0x1000;
	p0 =	seq.s32 s13, $0x67  }
0x1f1: {  	[sflag:s24] =	ssyncset.done $0x0;
	s15 =	sshll.u32 @!p0 s13, $0x7  }
0x1f2: {  	s16 =	simm.s32 @!p0 $0x80;
	s17 =	simm.s32 @!p0 $0x3400;
	s15 =	sand.u32 @!p0 $0x3FFFFF80, s15  }
0x1f3: {  	p1 =	slt.u32 @!p0 s13, $0x2;
	[sflag:s24] =	ssyncadd.s32 $0xFFFFF000;
	s15 =	sadd.s32 @!p0 $0x80, s15  }
0x1f4: {  	[tilespmem:s17], [sflag:$0x1] =	stream.indirect.gather @!p0 [hbm4b:s4+s16], $0x20, s15, s16, $0xb8;
	[tilespmem:$0x7800] =	vst v63  }
0x1f5: {  	p0 =	por p0, !p1  }
0x1f6: {  	_ =	swait.ge @p0 [sflag:s23], $0x400  }
0x1f7: {  	[sflag:s23] =	ssyncset.done @p0 $0x0  }
0x1f8: {  	[sflag:s23] =	ssyncadd.s32 @p0 $0xFFFFFC00  }
0x1f9: {  	_ =	swait.ge @p0 [sflag:s23], $0x400  }
0x1fa: {  	[sflag:s23] =	ssyncset.done @p0 $0x0  }
0x1fb: {  	[sflag:s23] =	ssyncadd.s32 @p0 $0xFFFFFC00  }
0x1fc: {  	s17 =	simm.s32 $0x0;
	_ =	swait.ge @p0 [sflag:s23], $0x400  }
0x1fd: {  	v17 =	vmov s17;
	[sflag:s23] =	ssyncset.done @p0 $0x0  }
0x1fe: {  	v17 =	vshrl.u32 v17, $0x3;
	[sflag:s23] =	ssyncadd.s32 @p0 $0xFFFFFC00  }
0x1ff: {  	v17 =	vshll.u32 v17, v1;
	_ =	swait.ge @p0 [sflag:s23], $0x400  }
0x200: {  	v17 =	vbroadcast v17, $0x0;
	[sflag:s23] =	ssyncset.done @p0 $0x0  }
0x201: {  	s15 =	simm.s32 $0x4480;
	[sflag:s23] =	ssyncadd.s32 @p0 $0xFFFFFC00  }
0x202: {  	v19 =	vadd.s32 v0, v17;
	v18 =	vld [tilespmem:s15+$0xFFFFFF80];
	_ =	sdelay $0x4  }
0x203: {  	[tilespmem:v19+s25+$0x0] =	vst.idx.msk $0xffff, v18  }
0x204: {  	s18 =	simm.s32 $0x1;
	v17 =	vadd.s32 v2, v17;
	v18 =	vld [tilespmem:s15+$0xFFFFFF90]  }
0x205: {  	v19 =	vmov s18  }
0x206: {  	v19 =	vshrl.u32 v19, $0x3  }
0x207: {  	v19 =	vshll.u32 v19, v1  }
0x208: {  	v19 =	vbroadcast v19, $0x0  }
0x209: {  	[tilespmem:v17+s25+$0x0] =	vst.idx.msk $0xffff, v18  }
0x20a: {  	v18 =	vadd.s32 v3, v19;
	v17 =	vld [tilespmem:s15+$0xFFFFFFA0];
	_ =	sdelay $0x4  }
0x20b: {  	[tilespmem:v18+s25+$0x0] =	vst.idx.msk $0xffff, v17  }
0x20c: {  	s17 =	simm.s32 $0x2;
	v18 =	vadd.s32 v4, v19;
	v17 =	vld [tilespmem:s15+$0xFFFFFFB0]  }
0x20d: {  	v19 =	vmov s17  }
0x20e: {  	v19 =	vshrl.u32 v19, $0x3  }
0x20f: {  	v19 =	vshll.u32 v19, v1  }
0x210: {  	v19 =	vbroadcast v19, $0x0  }
0x211: {  	[tilespmem:v18+s25+$0x0] =	vst.idx.msk $0xffff, v17  }
0x212: {  	v18 =	vadd.s32 v5, v19;
	v17 =	vld [tilespmem:s15+$0xFFFFFFC0];
	_ =	sdelay $0x4  }
0x213: {  	[tilespmem:v18+s25+$0x0] =	vst.idx.msk $0xffff, v17  }
0x214: {  	s18 =	simm.s32 $0x3;
	v18 =	vadd.s32 v6, v19;
	v17 =	vld [tilespmem:s15+$0xFFFFFFD0]  }
0x215: {  	v19 =	vmov s18  }
0x216: {  	v19 =	vshrl.u32 v19, $0x3  }
0x217: {  	v19 =	vshll.u32 v19, v1  }
0x218: {  	v19 =	vbroadcast v19, $0x0  }
0x219: {  	[tilespmem:v18+s25+$0x0] =	vst.idx.msk $0xffff, v17  }
0x21a: {  	v18 =	vadd.s32 v7, v19;
	v17 =	vld [tilespmem:s15+$0xFFFFFFE0];
	_ =	sdelay $0x4  }
0x21b: {  	[tilespmem:v18+s25+$0x0] =	vst.idx.msk $0xffff, v17  }
0x21c: {  	s17 =	simm.s32 $0x4;
	v18 =	vadd.s32 v8, v19;
	v17 =	vld [tilespmem:s15+$0xFFFFFFF0]  }
0x21d: {  	v19 =	vmov s17  }
0x21e: {  	v19 =	vshrl.u32 v19, $0x3  }
0x21f: {  	v19 =	vshll.u32 v19, v1  }
0x220: {  	v19 =	vbroadcast v19, $0x0  }
0x221: {  	[tilespmem:v18+s25+$0x0] =	vst.idx.msk $0xffff, v17  }
0x222: {  	v18 =	vadd.s32 v9, v19;
	v17 =	vld [tilespmem:s15+$0x0];
	_ =	sdelay $0x4  }
0x223: {  	[tilespmem:v18+s25+$0x0] =	vst.idx.msk $0xffff, v17  }
0x224: {  	s18 =	simm.s32 $0x5;
	v18 =	vadd.s32 v10, v19;
	v17 =	vld [tilespmem:s15+$0x10]  }
0x225: {  	v19 =	vmov s18  }
0x226: {  	v19 =	vshrl.u32 v19, $0x3  }
0x227: {  	v19 =	vshll.u32 v19, v1  }
0x228: {  	v19 =	vbroadcast v19, $0x0  }
0x229: {  	[tilespmem:v18+s25+$0x0] =	vst.idx.msk $0xffff, v17  }
0x22a: {  	v18 =	vadd.s32 v11, v19;
	v17 =	vld [tilespmem:s15+$0x20];
	_ =	sdelay $0x4  }
0x22b: {  	[tilespmem:v18+s25+$0x0] =	vst.idx.msk $0xffff, v17  }
0x22c: {  	s17 =	simm.s32 $0x6;
	v18 =	vadd.s32 v12, v19;
	v17 =	vld [tilespmem:s15+$0x30]  }
0x22d: {  	v19 =	vmov s17  }
0x22e: {  	v19 =	vshrl.u32 v19, $0x3  }
0x22f: {  	v19 =	vshll.u32 v19, v1  }
0x230: {  	v19 =	vbroadcast v19, $0x0  }
0x231: {  	[tilespmem:v18+s25+$0x0] =	vst.idx.msk $0xffff, v17  }
0x232: {  	v18 =	vadd.s32 v13, v19;
	v17 =	vld [tilespmem:s15+$0x40];
	_ =	sdelay $0x4  }
0x233: {  	[tilespmem:v18+s25+$0x0] =	vst.idx.msk $0xffff, v17  }
0x234: {  	s18 =	simm.s32 $0x7;
	v18 =	vadd.s32 v14, v19;
	v17 =	vld [tilespmem:s15+$0x50]  }
0x235: {  	v19 =	vmov s18  }
0x236: {  	v19 =	vshrl.u32 v19, $0x3  }
0x237: {  	v19 =	vshll.u32 v19, v1  }
0x238: {  	v19 =	vbroadcast v19, $0x0  }
0x239: {  	[tilespmem:v18+s25+$0x0] =	vst.idx.msk $0xffff, v17  }
0x23a: {  	v18 =	vadd.s32 v15, v19;
	v17 =	vld [tilespmem:s15+$0x60];
	_ =	sdelay $0x4  }
0x23b: {  	[tilespmem:v18+s25+$0x0] =	vst.idx.msk $0xffff, v17  }
0x23c: {  	s16 =	simm.s32 $0xF;
	s17 =	simm.s32 $0x17;
	s18 =	simm.s32 $0x8;
	v18 =	vadd.s32 v16, v19;
	v17 =	vld [tilespmem:s15+$0x70]  }
.LBB2_9:
0x23d: {  	p0 =	sne.s32 s17, $0x7F;
	v19 =	vmov s18  }
0x23e: {  	v19 =	vshrl.u32 v19, $0x3  }
0x23f: {  	v19 =	vshll.u32 v19, v1  }
0x240: {  	v19 =	vbroadcast v19, $0x0  }
0x241: {  	s15 =	sadd.s32 $0x100, s15;
	[tilespmem:v18+s25+$0x0] =	vst.idx.msk $0xffff, v17  }
0x242: {  	v17 =	vld [tilespmem:s15+$0xFFFFFF80];
	v18 =	vadd.s32 v0, v19;
	_ =	sdelay $0x4  }
0x243: {  	[tilespmem:v18+s25+$0x0] =	vst.idx.msk $0xffff, v17  }
0x244: {  	s18 =	sadd.s32 $0xFFFFFFFA, s16;
	v18 =	vadd.s32 v2, v19;
	v17 =	vld [tilespmem:s15+$0xFFFFFF90]  }
0x245: {  	v19 =	vmov s18  }
0x246: {  	v19 =	vshrl.u32 v19, $0x3  }
0x247: {  	v19 =	vshll.u32 v19, v1  }
0x248: {  	v19 =	vbroadcast v19, $0x0  }
0x249: {  	[tilespmem:v18+s25+$0x0] =	vst.idx.msk $0xffff, v17  }
0x24a: {  	v18 =	vadd.s32 v3, v19;
	v17 =	vld [tilespmem:s15+$0xFFFFFFA0];
	_ =	sdelay $0x4  }
0x24b: {  	[tilespmem:v18+s25+$0x0] =	vst.idx.msk $0xffff, v17  }
0x24c: {  	s18 =	sadd.s32 $0xFFFFFFFB, s16;
	v18 =	vadd.s32 v4, v19;
	v17 =	vld [tilespmem:s15+$0xFFFFFFB0]  }
0x24d: {  	v19 =	vmov s18  }
0x24e: {  	v19 =	vshrl.u32 v19, $0x3  }
0x24f: {  	v19 =	vshll.u32 v19, v1  }
0x250: {  	v19 =	vbroadcast v19, $0x0  }
0x251: {  	[tilespmem:v18+s25+$0x0] =	vst.idx.msk $0xffff, v17  }
0x252: {  	v18 =	vadd.s32 v5, v19;
	v17 =	vld [tilespmem:s15+$0xFFFFFFC0];
	_ =	sdelay $0x4  }
0x253: {  	[tilespmem:v18+s25+$0x0] =	vst.idx.msk $0xffff, v17  }
0x254: {  	s18 =	sadd.s32 $0xFFFFFFFC, s16;
	v18 =	vadd.s32 v6, v19;
	v17 =	vld [tilespmem:s15+$0xFFFFFFD0]  }
0x255: {  	v19 =	vmov s18  }
0x256: {  	v19 =	vshrl.u32 v19, $0x3  }
0x257: {  	v19 =	vshll.u32 v19, v1  }
0x258: {  	v19 =	vbroadcast v19, $0x0  }
0x259: {  	[tilespmem:v18+s25+$0x0] =	vst.idx.msk $0xffff, v17  }
0x25a: {  	v18 =	vadd.s32 v7, v19;
	v17 =	vld [tilespmem:s15+$0xFFFFFFE0];
	_ =	sdelay $0x4  }
0x25b: {  	[tilespmem:v18+s25+$0x0] =	vst.idx.msk $0xffff, v17  }
0x25c: {  	s18 =	sadd.s32 $0xFFFFFFFD, s16;
	v18 =	vadd.s32 v8, v19;
	v17 =	vld [tilespmem:s15+$0xFFFFFFF0]  }
0x25d: {  	v19 =	vmov s18  }
0x25e: {  	v19 =	vshrl.u32 v19, $0x3  }
0x25f: {  	v19 =	vshll.u32 v19, v1  }
0x260: {  	v19 =	vbroadcast v19, $0x0  }
0x261: {  	[tilespmem:v18+s25+$0x0] =	vst.idx.msk $0xffff, v17  }
0x262: {  	v18 =	vadd.s32 v9, v19;
	v17 =	vld [tilespmem:s15+$0x0];
	_ =	sdelay $0x4  }
0x263: {  	[tilespmem:v18+s25+$0x0] =	vst.idx.msk $0xffff, v17  }
0x264: {  	s18 =	sadd.s32 $0xFFFFFFFE, s16;
	v18 =	vadd.s32 v10, v19;
	v17 =	vld [tilespmem:s15+$0x10]  }
0x265: {  	v19 =	vmov s18  }
0x266: {  	v19 =	vshrl.u32 v19, $0x3  }
0x267: {  	v19 =	vshll.u32 v19, v1  }
0x268: {  	v19 =	vbroadcast v19, $0x0  }
0x269: {  	[tilespmem:v18+s25+$0x0] =	vst.idx.msk $0xffff, v17  }
0x26a: {  	v18 =	vadd.s32 v11, v19;
	v17 =	vld [tilespmem:s15+$0x20];
	_ =	sdelay $0x4  }
0x26b: {  	[tilespmem:v18+s25+$0x0] =	vst.idx.msk $0xffff, v17  }
0x26c: {  	s18 =	sadd.s32 $0xFFFFFFFF, s16;
	v18 =	vadd.s32 v12, v19;
	v17 =	vld [tilespmem:s15+$0x30]  }
0x26d: {  	v19 =	vmov s18  }
0x26e: {  	v19 =	vshrl.u32 v19, $0x3  }
0x26f: {  	v19 =	vshll.u32 v19, v1  }
0x270: {  	v19 =	vbroadcast v19, $0x0  }
0x271: {  	[tilespmem:v18+s25+$0x0] =	vst.idx.msk $0xffff, v17  }
0x272: {  	v18 =	vadd.s32 v13, v19;
	v17 =	vld [tilespmem:s15+$0x40];
	_ =	sdelay $0x4  }
0x273: {  	[tilespmem:v18+s25+$0x0] =	vst.idx.msk $0xffff, v17  }
0x274: {  	v18 =	vadd.s32 v14, v19;
	v17 =	vld [tilespmem:s15+$0x50]  }
0x275: {  	v19 =	vmov s16;
	s16 =	smov.u32 s17  }
0x276: {  	v19 =	vshrl.u32 v19, $0x3  }
0x277: {  	v19 =	vshll.u32 v19, v1  }
0x278: {  	v19 =	vbroadcast v19, $0x0  }
0x279: {  	[tilespmem:v18+s25+$0x0] =	vst.idx.msk $0xffff, v17  }
0x27a: {  	v18 =	vadd.s32 v15, v19;
	v17 =	vld [tilespmem:s15+$0x60];
	_ =	sdelay $0x1  }
.Ltmp8:
0x27b: {  	(pc) =	sbr.rel @p0 .LBB2_9-.Ltmp8, $3  }
0x27c: {  	_ =	sdelay $0x1  }
0x27d: {  	[tilespmem:v18+s25+$0x0] =	vst.idx.msk $0xffff, v17  }
0x27e: {  	s17 =	sadd.s32 $0x8, s17;
	s18 =	sadd.s32 $0xFFFFFFF9, s16;
	v18 =	vadd.s32 v16, v19;
	v17 =	vld [tilespmem:s15+$0x70]  }
.Ltmp9:
0x27f: {  	_ = 	snop;
	(pc) =	sbr.rel .LBB2_10-.Ltmp9, $1  }
0x280: {  	_ =	sdelay $0x3  }
.LBB2_13:
0x281: {  	_ =	sfence.sel $0x180000  }
0x282: {  	[bflag:$0x0] =	sbarrier.arrive $0xFFFF  }
0x283: {  	_ =	strace $0x9000004A  }
0x284: {  	s0 =	stileid.u32;
	[bflag:$0x2] =	sbarrier.arrive $0xFFFF  }
0x285: {  	p0 =	sne.s32 s0, $0x0;
	s0 =	rddreg [dreg:$0x2]  }
0x286: {  	s0 =	sadd.s32 @!p0 $0x100000, s0  }
0x287: {  	[sflag:s0] =	ssyncadd.tile.s32 @!p0 $0x1;
	_ =	shalt  }
.Lfunc_end2:
_tile_overlayer_lowered:
.L_overlay_start_2:
0x288: {  	(tag) =	ssettag $0x2  }
0x289: {  	s0 =	rddreg [dreg:$0x0];
	s2 =	stileid.u32  }
0x28a: {  	s1 =	rddreg [dreg:$0x1];
	p0 =	sne.s32 s2, $0x0  }
0x28b: {  	s3 =	rddreg [dreg:$0x2];
	[bflag:$0x3] =	sbarrier.arrive $0xFFFF;
	s2 =	simm.s32 @!p0 $0x1C05  }
0x28c: {  	[timem:s3], [sflag:s2] =	dma.local @!p0 [hbm:s0], s1  }
0x28d: {  	s0 =	simm.s32 @!p0 $0x5  }
0x28e: {  	_ =	swait.ge @!p0 [sflag:s0], s1  }
0x28f: {  	s1 =	ssub.s32 @!p0 $0x0, s1;
	[sflag:s0] =	ssyncset.done @!p0 $0x0  }
0x290: {  	[sflag:s0] =	ssyncadd.s32 @!p0 s1  }
0x291: {  	[bflag:$0x3] =	sbarrier.arrive $0xFFFF  }
0x292: {  	_ =	shalt  }

</sc_bundles>
